<compile_context>
chip_gen: v7x
topology: tpu7x:2x2x1
jax: 0.10.2.dev20260603
libtpu: 0.0.44.dev20260713+nightly
codegen_flags: <defaults>
</compile_context>

<pallas_src>
import functools

import jax
import jax.numpy as jnp
from jax import lax
from jax.experimental import pallas as pl
from jax.experimental.pallas import tpu as pltpu
from jax.experimental.pallas import tpu_sc as plsc

NC = 2
NS = 16
NW = NC * NS
L = 16


def _make_gather(N, E, D, C):
    per_w = E // NW
    iters = per_w // C
    groups = C // L
    mesh = plsc.VectorSubcoreMesh(core_axis_name="c", subcore_axis_name="s")

    @functools.partial(
        pl.kernel,
        out_type=(
            jax.ShapeDtypeStruct((E, D), jnp.float32),
            jax.ShapeDtypeStruct((E, D), jnp.float32),
            jax.ShapeDtypeStruct((E,), jnp.float32),
            jax.ShapeDtypeStruct((E,), jnp.float32),
            jax.ShapeDtypeStruct((E,), jnp.float32),
            jax.ShapeDtypeStruct((E,), jnp.float32),
        ),
        mesh=mesh,
        scratch_types=(
            pltpu.VMEM((C,), jnp.int32),
            pltpu.VMEM((C,), jnp.int32),
            pltpu.VMEM((C,), jnp.int32),
            pltpu.VMEM((C,), jnp.int32),
            pltpu.VMEM((C, D), jnp.float32),
            pltpu.VMEM((C, D), jnp.float32),
            pltpu.VMEM((C, D), jnp.float32),
            pltpu.VMEM((C, D), jnp.float32),
            pltpu.VMEM((N,), jnp.float32),
            pltpu.VMEM((N,), jnp.float32),
            pltpu.VMEM((N,), jnp.float32),
            pltpu.VMEM((C,), jnp.float32),
            pltpu.VMEM((C,), jnp.float32),
            pltpu.VMEM((C,), jnp.float32),
            pltpu.VMEM((C,), jnp.float32),
            pltpu.VMEM((C,), jnp.float32),
            pltpu.VMEM((C,), jnp.float32),
            pltpu.VMEM((C,), jnp.float32),
            pltpu.VMEM((C,), jnp.float32),
            pltpu.SemaphoreType.DMA,
            pltpu.SemaphoreType.DMA,
            pltpu.SemaphoreType.DMA,
            pltpu.SemaphoreType.DMA,
            pltpu.SemaphoreType.DMA,
            pltpu.SemaphoreType.DMA,
        ),
        compiler_params=pltpu.CompilerParams(needs_layout_passes=False),
    )
    def gk(h_hbm, cx_hbm, cy_hbm, cz_hbm, row_hbm, col_hbm,
           hr_o, hc_o, dx_o, dy_o, dz_o, rad_o,
           ira, irb, ica, icb, bra, brb, bca, bcb, cx, cy, cz,
           dxa, dxb, dya, dyb, dza, dzb, ra, rb,
           si0, si1, sg0, sg1, so0, so1):
        wid = lax.axis_index("s") * NC + lax.axis_index("c")
        base0 = wid * per_w
        idxr = (ira, irb)
        idxc = (ica, icb)
        bufr = (bra, brb)
        bufc = (bca, bcb)
        dxs = (dxa, dxb)
        dys = (dya, dyb)
        dzs = (dza, dzb)
        rs = (ra, rb)
        sem_i = (si0, si1)
        sem_g = (sg0, sg1)
        sem_o = (so0, so1)
        pltpu.sync_copy(cx_hbm, cx)
        pltpu.sync_copy(cy_hbm, cy)
        pltpu.sync_copy(cz_hbm, cz)

        def drain_outs():
            pltpu.make_async_copy(bra, hr_o.at[pl.ds(0, C)], so0).wait()
            pltpu.make_async_copy(bca, hc_o.at[pl.ds(0, C)], so0).wait()
            for b in (dxa, dya, dza, ra):
                pltpu.make_async_copy(b, dx_o.at[pl.ds(0, C)], so0).wait()

        def body(i, carry):
            base = base0 + i * C
            pltpu.sync_copy(row_hbm.at[pl.ds(base, C)], ira)
            pltpu.sync_copy(col_hbm.at[pl.ds(base, C)], ica)
            cp1 = pltpu.async_copy(h_hbm.at[ira], bra, sg0)
            cp2 = pltpu.async_copy(h_hbm.at[ica], bca, sg1)
            for g in range(groups):
                ir = ira[pl.ds(g * L, L)]
                ic = ica[pl.ds(g * L, L)]
                dx = (plsc.load_gather(cx, [ir])
                      - plsc.load_gather(cx, [ic]))
                dy = (plsc.load_gather(cy, [ir])
                      - plsc.load_gather(cy, [ic]))
                dz = (plsc.load_gather(cz, [ir])
                      - plsc.load_gather(cz, [ic]))
                dxa[pl.ds(g * L, L)] = dx
                dya[pl.ds(g * L, L)] = dy
                dza[pl.ds(g * L, L)] = dz
                ra[pl.ds(g * L, L)] = dx * dx + dy * dy + dz * dz
            cp1.wait()
            cp2.wait()
            pltpu.sync_copy(bra, hr_o.at[pl.ds(base, C)])
            pltpu.sync_copy(bca, hc_o.at[pl.ds(base, C)])
            pltpu.sync_copy(dxa, dx_o.at[pl.ds(base, C)])
            pltpu.sync_copy(dya, dy_o.at[pl.ds(base, C)])
            pltpu.sync_copy(dza, dz_o.at[pl.ds(base, C)])
            pltpu.sync_copy(ra, rad_o.at[pl.ds(base, C)])
            return carry

        lax.fori_loop(0, iters, body, 0)

    return gk


NP = NW // 4


def _make_scatter(N, E, D, C, CT):
    per_s = E // NS
    iters = per_s // C
    per_t = E // NP
    titers = per_t // CT
    tgroups = CT // L
    RA = (N // NS) // 8 * 8
    RL = N - (NS - 1) * RA
    mesh = plsc.VectorSubcoreMesh(core_axis_name="c", subcore_axis_name="s")

    @functools.partial(
        pl.kernel,
        out_type=(
            jax.ShapeDtypeStruct((N, D), jnp.float32),
            jax.ShapeDtypeStruct((N, D), jnp.float32),
            jax.ShapeDtypeStruct((4 * NP, N), jnp.float32),
        ),
        mesh=mesh,
        scratch_types=(
            pltpu.VMEM((C,), jnp.int32),
            pltpu.VMEM((C,), jnp.int32),
            pltpu.VMEM((C, D), jnp.float32),
            pltpu.VMEM((C, D), jnp.float32),
            pltpu.VMEM((CT,), jnp.int32),
            pltpu.VMEM((CT,), jnp.int32),
            pltpu.VMEM((CT,), jnp.float32),
            pltpu.VMEM((CT,), jnp.float32),
            pltpu.VMEM((N,), jnp.float32),
            pltpu.VMEM_SHARED((N, D), jnp.float32),
            pltpu.SemaphoreType.DMA,
            pltpu.SemaphoreType.DMA,
            pltpu.SemaphoreType.DMA,
            pltpu.SemaphoreType.DMA,
            pltpu.SemaphoreType.DMA,
            pltpu.SemaphoreType.DMA,
            pltpu.SemaphoreType.DMA,
            pltpu.SemaphoreType.DMA,
        ),
        compiler_params=pltpu.CompilerParams(needs_layout_passes=False),
    )
    def sk(eflo, efhi, trx, trY, trz, row_hbm, zN128, zN,
           agglo_o, agghi_o, part_o,
           ia, ib, efa, efb, ta, tb, va, vb, acc, accf,
           sia, sib, sea, seb, sta, stb, sva, svb):
        c = lax.axis_index("c")
        s = lax.axis_index("s")
        idx_s = (ia, ib)
        ef_s = (efa, efb)
        tid_s = (ta, tb)
        tv_s = (va, vb)
        sem_i = (sia, sib)
        sem_e = (sea, seb)
        sem_t = (sta, stb)
        sem_v = (sva, svb)

        def stripe(fn):
            @pl.when(s < NS - 1)
            def _():
                fn(s * RA, RA)

            @pl.when(s == NS - 1)
            def _():
                fn((NS - 1) * RA, RL)

        stripe(lambda r0, n: pltpu.sync_copy(
            zN128.at[pl.ds(r0, n)], accf.at[pl.ds(r0, n)]))
        pltpu.sync_copy(zN, acc)
        plsc.subcore_barrier()

        base_ef = s * per_s

        def start_ef(i, j):
            b = base_ef + i * C
            pltpu.async_copy(row_hbm.at[pl.ds(b, C)], idx_s[j], sem_i[j])

            @pl.when(c == 0)
            def _():
                pltpu.async_copy(eflo.at[pl.ds(b, C)], ef_s[j], sem_e[j])

            @pl.when(c == 1)
            def _():
                pltpu.async_copy(efhi.at[pl.ds(b, C)], ef_s[j], sem_e[j])

        start_ef(0, 0)
        start_ef(1, 1)

        def body(i2, carry):
            for j in range(2):
                i = 2 * i2 + j
                pltpu.make_async_copy(
                    row_hbm.at[pl.ds(0, C)], idx_s[j], sem_i[j]).wait()
                pltpu.make_async_copy(
                    eflo.at[pl.ds(0, C)], ef_s[j], sem_e[j]).wait()
                pltpu.sync_copy(ef_s[j], accf.at[idx_s[j]], add=True)

                @pl.when(i + 2 < iters)
                def _():
                    start_ef(i + 2, j)
            return carry

        lax.fori_loop(0, iters // 2, body, 0)

        wid = c * NS + s
        k = wid % 4
        t = wid // 4
        base_tr = t * per_t

        def start_tr(i, j):
            b = base_tr + i * CT
            pltpu.async_copy(row_hbm.at[pl.ds(b, CT)], tid_s[j], sem_t[j])

            @pl.when(k == 0)
            def _():
                pltpu.async_copy(trx.at[pl.ds(b, CT)], tv_s[j], sem_v[j])

            @pl.when(k == 1)
            def _():
                pltpu.async_copy(trY.at[pl.ds(b, CT)], tv_s[j], sem_v[j])

            @pl.when(k == 2)
            def _():
                pltpu.async_copy(trz.at[pl.ds(b, CT)], tv_s[j], sem_v[j])

        start_tr(0, 0)
        start_tr(1, 1)
        ones = jnp.full((L,), 1.0, jnp.float32)

        def tbody(i2, carry):
            for j in range(2):
                i = 2 * i2 + j
                pltpu.make_async_copy(
                    row_hbm.at[pl.ds(0, CT)], tid_s[j], sem_t[j]).wait()

                @pl.when(k < 3)
                def _():
                    pltpu.make_async_copy(
                        trx.at[pl.ds(0, CT)], tv_s[j], sem_v[j]).wait()

                for g in range(tgroups):
                    iv = tid_s[j][pl.ds(g * L, L)]

                    @pl.when(k < 3)
                    def _():
                        plsc.addupdate_scatter(
                            acc, [iv], tv_s[j][pl.ds(g * L, L)])

                    @pl.when(k == 3)
                    def _():
                        plsc.addupdate_scatter(acc, [iv], ones)

                @pl.when(i + 2 < titers)
                def _():
                    start_tr(i + 2, j)
            return carry

        lax.fori_loop(0, titers // 2, tbody, 0)
        plsc.subcore_barrier()

        pltpu.sync_copy(acc, part_o.at[k * NP + t])

        @pl.when(c == 0)
        def _():
            stripe(lambda r0, n: pltpu.sync_copy(
                accf.at[pl.ds(r0, n)], agglo_o.at[pl.ds(r0, n)]))

        @pl.when(c == 1)
        def _():
            stripe(lambda r0, n: pltpu.sync_copy(
                accf.at[pl.ds(r0, n)], agghi_o.at[pl.ds(r0, n)]))

    return sk


def _edge_body(hr, hc, dx, dy, dz, rad, ea, W1a, W1b, W1e, w1r, be1,
               We2, be2, Wc1, bc1, Wc2, eflo_o, efhi_o,
               trx_o, try_o, trz_o):
    B, D = hr.shape
    f32 = jnp.float32
    bf16 = jnp.bfloat16
    rad_row = rad[...].reshape(1, B)
    z = jnp.dot(hr[...].astype(bf16), W1a[...], preferred_element_type=f32)
    z = z + jnp.dot(hc[...].astype(bf16), W1b[...], preferred_element_type=f32)
    z = z + jnp.dot(ea[...], W1e[...], preferred_element_type=f32)
    z = z + lax.dot_general(rad_row, w1r[...],
                            (((0,), (0,)), ((), ())),
                            preferred_element_type=f32)
    z = jnp.maximum(z + be1[...], 0.0).astype(bf16)
    ef = jnp.maximum(jnp.dot(z, We2[...], preferred_element_type=f32)
                     + be2[...], 0.0)
    g = jnp.maximum(jnp.dot(ef.astype(bf16), Wc1[...],
                            preferred_element_type=f32)
                    + bc1[...], 0.0)
    cs_row = lax.dot_general(Wc2[...], g,
                             (((0,), (1,)), ((), ())),
                             preferred_element_type=f32)
    cs = cs_row.reshape(B)
    trx_o[...] = jnp.clip(dx[...] * cs, -100.0, 100.0)
    try_o[...] = jnp.clip(dy[...] * cs, -100.0, 100.0)
    trz_o[...] = jnp.clip(dz[...] * cs, -100.0, 100.0)
    eflo_o[...] = ef[:, :D]
    efhi_o[...] = ef[:, D:]


def _make_edge(E, D, H, DE, B, interpret=False):
    grid = (E // B,)
    row_spec = lambda w: pl.BlockSpec((B, w), lambda i: (i, 0))
    vec_spec = pl.BlockSpec((B,), lambda i: (i,))
    full = lambda shp: pl.BlockSpec(shp, lambda i: tuple(0 for _ in shp))
    return pl.pallas_call(
        _edge_body,
        grid=grid,
        in_specs=[
            row_spec(D), row_spec(D), vec_spec, vec_spec, vec_spec,
            vec_spec, row_spec(DE),
            full((D, H)), full((D, H)), full((DE, H)), full((1, H)),
            full((1, H)), full((H, H)), full((1, H)), full((H, H)),
            full((1, H)), full((H, 1)),
        ],
        out_specs=[row_spec(D), row_spec(D), vec_spec, vec_spec, vec_spec],
        out_shape=[
            jax.ShapeDtypeStruct((E, D), jnp.float32),
            jax.ShapeDtypeStruct((E, D), jnp.float32),
            jax.ShapeDtypeStruct((E,), jnp.float32),
            jax.ShapeDtypeStruct((E,), jnp.float32),
            jax.ShapeDtypeStruct((E,), jnp.float32),
        ],
        interpret=interpret,
    )


def _node_body(h, agglo, agghi, part, cx, cy, cz, Wn1h, Wn1lo, Wn1hi,
               bn1, Wn2, bn2, ho_o, cox_o, coy_o, coz_o):
    f32 = jnp.float32
    hv = h[...]
    pre = jnp.dot(hv, Wn1h[...], preferred_element_type=f32)
    pre = pre + jnp.dot(agglo[...], Wn1lo[...], preferred_element_type=f32)
    pre = pre + jnp.dot(agghi[...], Wn1hi[...], preferred_element_type=f32)
    pre = jnp.maximum(pre + bn1[...], 0.0)
    out = jnp.dot(pre, Wn2[...], preferred_element_type=f32) + bn2[...]
    ho_o[...] = hv + out

    p = part[...]
    sx = jnp.sum(p[0 * NP:1 * NP], axis=0)
    sy = jnp.sum(p[1 * NP:2 * NP], axis=0)
    sz = jnp.sum(p[2 * NP:3 * NP], axis=0)
    cnt = jnp.maximum(jnp.sum(p[3 * NP:4 * NP], axis=0), 1.0)
    cox_o[...] = cx[...] + sx / cnt
    coy_o[...] = cy[...] + sy / cnt
    coz_o[...] = cz[...] + sz / cnt


def _make_node(N, D, H, Bn, interpret=False):
    grid = (N // Bn,)
    row_spec = lambda w: pl.BlockSpec((Bn, w), lambda i: (i, 0))
    vec_spec = pl.BlockSpec((Bn,), lambda i: (i,))
    part_spec = pl.BlockSpec((4 * NP, Bn), lambda i: (0, i))
    full = lambda shp: pl.BlockSpec(shp, lambda i: tuple(0 for _ in shp))
    return pl.pallas_call(
        _node_body,
        grid=grid,
        in_specs=[
            row_spec(D), row_spec(H // 2), row_spec(H // 2), part_spec,
            vec_spec, vec_spec, vec_spec,
            full((D, H)), full((H // 2, H)), full((H // 2, H)),
            full((1, H)), full((H, D)), full((1, D)),
        ],
        out_specs=[row_spec(D), vec_spec, vec_spec, vec_spec],
        out_shape=[
            jax.ShapeDtypeStruct((N, D), jnp.float32),
            jax.ShapeDtypeStruct((N,), jnp.float32),
            jax.ShapeDtypeStruct((N,), jnp.float32),
            jax.ShapeDtypeStruct((N,), jnp.float32),
        ],
        interpret=interpret,
    )


def kernel(h, edge_index, coord, edge_attr, We1, be1, We2, be2,
           Wn1, bn1, Wn2, bn2, Wc1, bc1, Wc2):
    N, D = h.shape
    E = edge_index.shape[1]
    H = We2.shape[0]
    DE = edge_attr.shape[1]

    row = edge_index[0]
    col = edge_index[1]
    cx = coord[:, 0]
    cy = coord[:, 1]
    cz = coord[:, 2]

    W1a = We1[:D]
    W1b = We1[D:2 * D]
    w1r = We1[2 * D:2 * D + 1]
    W1e = We1[2 * D + 1:]

    bf16 = jnp.bfloat16
    gather = _make_gather(N, E, D, C=80)
    hr, hc, dx, dy, dz, rad = gather(h, cx, cy, cz, row, col)

    edge = _make_edge(E, D, H, DE, B=512)
    eflo, efhi, trx, trY, trz = edge(
        hr, hc, dx, dy, dz, rad, edge_attr,
        W1a.astype(bf16), W1b.astype(bf16), W1e, w1r, be1.reshape(1, H),
        We2.astype(bf16), be2.reshape(1, H), Wc1.astype(bf16),
        bc1.reshape(1, H), Wc2.reshape(H, 1))

    scatter = _make_scatter(N, E, D, C=80, CT=80)
    agglo, agghi, part = scatter(
        eflo, efhi, trx, trY, trz, row,
        jnp.zeros((N, D), jnp.float32), jnp.zeros((N,), jnp.float32))

    Wn1h = Wn1[:D]
    Wn1lo = Wn1[D:D + H // 2]
    Wn1hi = Wn1[D + H // 2:]

    node = _make_node(N, D, H, Bn=N)
    h_out, cox, coy, coz = node(
        h, agglo, agghi, part, cx, cy, cz,
        Wn1h, Wn1lo, Wn1hi, bn1.reshape(1, H), Wn2, bn2.reshape(1, D))

    return (h_out, jnp.stack([cox, coy, coz], axis=1), edge_attr)

# --- scband reference (transcript-rebuilt; emitter-appended) ---
"""Pipeline reference for scband-e-gcl-1898375545389 (READ-ONLY COPY).

The authoritative reference and input builder live on the scoring server;
editing this copy changes nothing except your own understanding.
"""

import jax, jax.numpy as jnp
import numpy as np

N = 10000
E = 320000
D = 128
H = 256
DE = 16


def setup_inputs(seed: int = 0) -> dict:
    key = jax.random.key(seed)
    ks = jax.random.split(key, 16)
    h = jax.random.normal(ks[0], (N, D), dtype=jnp.float32)
    edge_index = jax.random.randint(ks[1], (2, E), 0, N, dtype=jnp.int32)
    coord = jax.random.normal(ks[2], (N, 3), dtype=jnp.float32)
    edge_attr = jax.random.normal(ks[3], (E, DE), dtype=jnp.float32)
    in_e = 2 * D + 1 + DE  # 273
    We1 = jax.random.normal(ks[4], (in_e, H), dtype=jnp.float32) / np.sqrt(in_e)
    be1 = jnp.zeros((H,), dtype=jnp.float32)
    We2 = jax.random.normal(ks[5], (H, H), dtype=jnp.float32) / np.sqrt(H)
    be2 = jnp.zeros((H,), dtype=jnp.float32)
    in_n = H + D  # 384
    Wn1 = jax.random.normal(ks[6], (in_n, H), dtype=jnp.float32) / np.sqrt(in_n)
    bn1 = jnp.zeros((H,), dtype=jnp.float32)
    Wn2 = jax.random.normal(ks[7], (H, D), dtype=jnp.float32) / np.sqrt(H)
    bn2 = jnp.zeros((D,), dtype=jnp.float32)
    Wc1 = jax.random.normal(ks[8], (H, H), dtype=jnp.float32) / np.sqrt(H)
    bc1 = jnp.zeros((H,), dtype=jnp.float32)
    Wc2 = jax.random.normal(ks[9], (H, 1), dtype=jnp.float32) * 0.001  # xavier gain=0.001, no bias
    return {"h": h, "edge_index": edge_index, "coord": coord, "edge_attr": edge_attr,
            "We1": We1, "be1": be1, "We2": We2, "be2": be2,
            "Wn1": Wn1, "bn1": bn1, "Wn2": Wn2, "bn2": bn2,
            "Wc1": Wc1, "bc1": bc1, "Wc2": Wc2}


def reference(h, edge_index, coord, edge_attr, We1, be1, We2, be2, Wn1, bn1, Wn2, bn2, Wc1, bc1, Wc2):
    row = edge_index[0]
    col = edge_index[1]
    # coord2radial (norm_diff=False)
    coord_diff = coord[row] - coord[col]
    radial = jnp.sum(coord_diff ** 2, axis=1, keepdims=True)
    # edge_model (attention=False)
    eo = jnp.concatenate([h[row], h[col], radial, edge_attr], axis=1)
    ef = jax.nn.relu(eo @ We1 + be1)
    ef = jax.nn.relu(ef @ We2 + be2)
    # coord_model (tanh=False, clamp via torch.clamp always applied)
    cscale = jax.nn.relu(ef @ Wc1 + bc1) @ Wc2
    trans = coord_diff * cscale
    trans = jnp.clip(trans, -100.0, 100.0)
    sum_t = jax.ops.segment_sum(trans, row, num_segments=N)
    cnt = jax.ops.segment_sum(jnp.ones_like(trans), row, num_segments=N)
    agg_mean = sum_t / jnp.clip(cnt, 1.0, None)
    coord_out = coord + agg_mean * 1.0  # coords_weight=1.0
    # node_model (node_attr=None, recurrent=True)
    agg = jax.ops.segment_sum(ef, row, num_segments=N)
    nh = jnp.concatenate([h, agg], axis=1)
    out = jax.nn.relu(nh @ Wn1 + bn1) @ Wn2 + bn2
    h_out = h + out
    return (h_out, coord_out, edge_attr)

if __name__ == "__main__":
    import jax
    _d = setup_inputs()
    print(jax.jit(kernel)(*tuple(_d.values())))

</pallas_src>

<mosaic_0001>
#map = affine_map<(d0, d1) -> (0, 0)>
#map1 = affine_map<(d0, d1) -> (0)>
module attributes {stable_mosaic.version = 14 : i64} {
  func.func @sk(%arg0: i32, %arg1: i32, %arg2: memref<320000x128xf32, #tpu.memory_space<hbm>>, %arg3: memref<320000x128xf32, #tpu.memory_space<hbm>>, %arg4: memref<320000xf32, #tpu.memory_space<hbm>>, %arg5: memref<320000xf32, #tpu.memory_space<hbm>>, %arg6: memref<320000xf32, #tpu.memory_space<hbm>>, %arg7: memref<320000xi32, #tpu.memory_space<hbm>>, %arg8: memref<10000x128xf32, #tpu.memory_space<hbm>>, %arg9: memref<10000xf32, #tpu.memory_space<hbm>>, %arg10: memref<10000x128xf32, #tpu.memory_space<hbm>>, %arg11: memref<10000x128xf32, #tpu.memory_space<hbm>>, %arg12: memref<32x10000xf32, #tpu.memory_space<hbm>>, %arg13: memref<80xi32, #tpu.memory_space<vmem>>, %arg14: memref<80xi32, #tpu.memory_space<vmem>>, %arg15: memref<80x128xf32, #tpu.memory_space<vmem>>, %arg16: memref<80x128xf32, #tpu.memory_space<vmem>>, %arg17: memref<80xi32, #tpu.memory_space<vmem>>, %arg18: memref<80xi32, #tpu.memory_space<vmem>>, %arg19: memref<80xf32, #tpu.memory_space<vmem>>, %arg20: memref<80xf32, #tpu.memory_space<vmem>>, %arg21: memref<10000xf32, #tpu.memory_space<vmem>>, %arg22: memref<10000x128xf32, #tpu.memory_space<vmem_shared>>, %arg23: memref<!tpu.dma_semaphore, #tpu.memory_space<semaphore_mem>>, %arg24: memref<!tpu.dma_semaphore, #tpu.memory_space<semaphore_mem>>, %arg25: memref<!tpu.dma_semaphore, #tpu.memory_space<semaphore_mem>>, %arg26: memref<!tpu.dma_semaphore, #tpu.memory_space<semaphore_mem>>, %arg27: memref<!tpu.dma_semaphore, #tpu.memory_space<semaphore_mem>>, %arg28: memref<!tpu.dma_semaphore, #tpu.memory_space<semaphore_mem>>, %arg29: memref<!tpu.dma_semaphore, #tpu.memory_space<semaphore_mem>>, %arg30: memref<!tpu.dma_semaphore, #tpu.memory_space<semaphore_mem>>) attributes {dimension_semantics = [#tpu.dimension_semantics<core_parallel>, #tpu.dimension_semantics<subcore_parallel>], iteration_bounds = array<i64: 2, 16>, scalar_prefetch = 0 : i64, scratch_operands = 18 : i64, tpu.core_type = #tpu.core_type<sc_vector_subcore>, window_params = [{transform_indices = #map}, {transform_indices = #map}, {transform_indices = #map1}, {transform_indices = #map1}, {transform_indices = #map1}, {transform_indices = #map1}, {transform_indices = #map}, {transform_indices = #map1}, {transform_indices = #map}, {transform_indices = #map}, {transform_indices = #map}]} {
    %lt3A = arith.constant 15 : i32
    %lt3A_0 = arith.cmpi slt, %arg1, %lt3A : i32
    %convert_element_type3A = arith.extui %lt3A_0 : i1 to i32
    %cond3A = arith.constant 0 : i32
    %cond3A_1 = arith.cmpi ne, %convert_element_type3A, %cond3A : i32
    scf.if %cond3A_1 {
      %mul3A_134 = arith.constant 624 : i32
      %mul3A_135 = arith.muli %arg1, %mul3A_134 : i32
      "tpu.region"() ({
        %run_scoped3A = tpu.sem_alloc : memref<!tpu.dma_semaphore, #tpu.memory_space<semaphore_mem>>
        %dma_start3A_136 = arith.constant 0 : i32
        %dma_start3A_137 = tpu.memref_slice %arg22[%mul3A_135, %dma_start3A_136] : memref<10000x128xf32, #tpu.memory_space<vmem_shared>> -> memref<624x128xf32, #tpu.memory_space<vmem_shared>>
        %dma_start3A_138 = arith.constant 0 : i32
        %dma_start3A_139 = tpu.memref_slice %arg8[%mul3A_135, %dma_start3A_138] : memref<10000x128xf32, #tpu.memory_space<hbm>> -> memref<624x128xf32, #tpu.memory_space<hbm>>
        tpu.enqueue_dma source(%dma_start3A_139 : memref<624x128xf32, #tpu.memory_space<hbm>>) target(%dma_start3A_137 : memref<624x128xf32, #tpu.memory_space<vmem_shared>>) target_semaphore(%run_scoped3A : memref<!tpu.dma_semaphore, #tpu.memory_space<semaphore_mem>>)
        %dma_wait3A = arith.constant 0 : i32
        %dma_wait3A_140 = tpu.memref_slice %arg22[%mul3A_135, %dma_wait3A] : memref<10000x128xf32, #tpu.memory_space<vmem_shared>> -> memref<624x128xf32, #tpu.memory_space<vmem_shared>>
        %dma_wait3A_141 = arith.constant 0 : i32
        %dma_wait3A_142 = tpu.memref_slice %arg8[%mul3A_135, %dma_wait3A_141] : memref<10000x128xf32, #tpu.memory_space<hbm>> -> memref<624x128xf32, #tpu.memory_space<hbm>>
        tpu.wait_dma2 semaphore(%run_scoped3A : memref<!tpu.dma_semaphore, #tpu.memory_space<semaphore_mem>>) src(%dma_wait3A_142 : memref<624x128xf32, #tpu.memory_space<hbm>>) dst(%dma_wait3A_140 : memref<624x128xf32, #tpu.memory_space<vmem_shared>>)
        tpu.yield
      }) : () -> ()
    } else {
    }
    %eq3A = arith.constant 15 : i32
    %eq3A_2 = arith.cmpi eq, %arg1, %eq3A : i32
    %convert_element_type3A_3 = arith.extui %eq3A_2 : i1 to i32
    %cond3A_4 = arith.constant 0 : i32
    %cond3A_5 = arith.cmpi ne, %convert_element_type3A_3, %cond3A_4 : i32
    scf.if %cond3A_5 {
      "tpu.region"() ({
        %run_scoped3A = tpu.sem_alloc : memref<!tpu.dma_semaphore, #tpu.memory_space<semaphore_mem>>
        %dma_start3A_134 = arith.constant 9360 : i32
        %dma_start3A_135 = arith.constant 0 : i32
        %dma_start3A_136 = tpu.memref_slice %arg22[%dma_start3A_134, %dma_start3A_135] : memref<10000x128xf32, #tpu.memory_space<vmem_shared>> -> memref<640x128xf32, #tpu.memory_space<vmem_shared>>
        %dma_start3A_137 = arith.constant 9360 : i32
        %dma_start3A_138 = arith.constant 0 : i32
        %dma_start3A_139 = tpu.memref_slice %arg8[%dma_start3A_137, %dma_start3A_138] : memref<10000x128xf32, #tpu.memory_space<hbm>> -> memref<640x128xf32, #tpu.memory_space<hbm>>
        tpu.enqueue_dma source(%dma_start3A_139 : memref<640x128xf32, #tpu.memory_space<hbm>>) target(%dma_start3A_136 : memref<640x128xf32, #tpu.memory_space<vmem_shared>>) target_semaphore(%run_scoped3A : memref<!tpu.dma_semaphore, #tpu.memory_space<semaphore_mem>>)
        %dma_wait3A = arith.constant 9360 : i32
        %dma_wait3A_140 = arith.constant 0 : i32
        %dma_wait3A_141 = tpu.memref_slice %arg22[%dma_wait3A, %dma_wait3A_140] : memref<10000x128xf32, #tpu.memory_space<vmem_shared>> -> memref<640x128xf32, #tpu.memory_space<vmem_shared>>
        %dma_wait3A_142 = arith.constant 9360 : i32
        %dma_wait3A_143 = arith.constant 0 : i32
        %dma_wait3A_144 = tpu.memref_slice %arg8[%dma_wait3A_142, %dma_wait3A_143] : memref<10000x128xf32, #tpu.memory_space<hbm>> -> memref<640x128xf32, #tpu.memory_space<hbm>>
        tpu.wait_dma2 semaphore(%run_scoped3A : memref<!tpu.dma_semaphore, #tpu.memory_space<semaphore_mem>>) src(%dma_wait3A_144 : memref<640x128xf32, #tpu.memory_space<hbm>>) dst(%dma_wait3A_141 : memref<640x128xf32, #tpu.memory_space<vmem_shared>>)
        tpu.yield
      }) : () -> ()
    } else {
    }
    "tpu.region"() ({
      %run_scoped3A = tpu.sem_alloc : memref<!tpu.dma_semaphore, #tpu.memory_space<semaphore_mem>>
      tpu.enqueue_dma source(%arg9 : memref<10000xf32, #tpu.memory_space<hbm>>) target(%arg21 : memref<10000xf32, #tpu.memory_space<vmem>>) target_semaphore(%run_scoped3A : memref<!tpu.dma_semaphore, #tpu.memory_space<semaphore_mem>>)
      tpu.wait_dma2 semaphore(%run_scoped3A : memref<!tpu.dma_semaphore, #tpu.memory_space<semaphore_mem>>) src(%arg9 : memref<10000xf32, #tpu.memory_space<hbm>>) dst(%arg21 : memref<10000xf32, #tpu.memory_space<vmem>>)
      tpu.yield
    }) : () -> ()
    %barrier3A = arith.constant 0 : index
    tpu.barrier barrier_id(%barrier3A)
    %mul3A = arith.constant 20000 : i32
    %mul3A_6 = arith.muli %arg1, %mul3A : i32
    %add3A = arith.constant 0 : i32
    %add3A_7 = arith.addi %mul3A_6, %add3A : i32
    %dma_start3A = tpu.memref_slice %arg7[%add3A_7] : memref<320000xi32, #tpu.memory_space<hbm>> -> memref<80xi32, #tpu.memory_space<hbm>>
    %dma_start3A_8 = tpu.memref_slice %arg7[%add3A_7] : memref<320000xi32, #tpu.memory_space<hbm>> -> memref<80xi32, #tpu.memory_space<hbm>>
    tpu.enqueue_dma source(%dma_start3A_8 : memref<80xi32, #tpu.memory_space<hbm>>) target(%arg13 : memref<80xi32, #tpu.memory_space<vmem>>) target_semaphore(%arg23 : memref<!tpu.dma_semaphore, #tpu.memory_space<semaphore_mem>>)
    %eq3A_9 = arith.constant 0 : i32
    %eq3A_10 = arith.cmpi eq, %arg0, %eq3A_9 : i32
    %convert_element_type3A_11 = arith.extui %eq3A_10 : i1 to i32
    %cond3A_12 = arith.constant 0 : i32
    %cond3A_13 = arith.cmpi ne, %convert_element_type3A_11, %cond3A_12 : i32
    scf.if %cond3A_13 {
      %dma_start3A_134 = arith.constant 0 : i32
      %dma_start3A_135 = tpu.memref_slice %arg2[%add3A_7, %dma_start3A_134] : memref<320000x128xf32, #tpu.memory_space<hbm>> -> memref<80x128xf32, #tpu.memory_space<hbm>>
      %dma_start3A_136 = arith.constant 0 : i32
      %dma_start3A_137 = tpu.memref_slice %arg2[%add3A_7, %dma_start3A_136] : memref<320000x128xf32, #tpu.memory_space<hbm>> -> memref<80x128xf32, #tpu.memory_space<hbm>>
      tpu.enqueue_dma source(%dma_start3A_137 : memref<80x128xf32, #tpu.memory_space<hbm>>) target(%arg15 : memref<80x128xf32, #tpu.memory_space<vmem>>) target_semaphore(%arg25 : memref<!tpu.dma_semaphore, #tpu.memory_space<semaphore_mem>>)
    } else {
    }
    %eq3A_14 = arith.constant 1 : i32
    %eq3A_15 = arith.cmpi eq, %arg0, %eq3A_14 : i32
    %convert_element_type3A_16 = arith.extui %eq3A_15 : i1 to i32
    %cond3A_17 = arith.constant 0 : i32
    %cond3A_18 = arith.cmpi ne, %convert_element_type3A_16, %cond3A_17 : i32
    scf.if %cond3A_18 {
      %dma_start3A_134 = arith.constant 0 : i32
      %dma_start3A_135 = tpu.memref_slice %arg3[%add3A_7, %dma_start3A_134] : memref<320000x128xf32, #tpu.memory_space<hbm>> -> memref<80x128xf32, #tpu.memory_space<hbm>>
      %dma_start3A_136 = arith.constant 0 : i32
      %dma_start3A_137 = tpu.memref_slice %arg3[%add3A_7, %dma_start3A_136] : memref<320000x128xf32, #tpu.memory_space<hbm>> -> memref<80x128xf32, #tpu.memory_space<hbm>>
      tpu.enqueue_dma source(%dma_start3A_137 : memref<80x128xf32, #tpu.memory_space<hbm>>) target(%arg15 : memref<80x128xf32, #tpu.memory_space<vmem>>) target_semaphore(%arg25 : memref<!tpu.dma_semaphore, #tpu.memory_space<semaphore_mem>>)
    } else {
    }
    %add3A_19 = arith.constant 80 : i32
    %add3A_20 = arith.addi %mul3A_6, %add3A_19 : i32
    %dma_start3A_21 = tpu.memref_slice %arg7[%add3A_20] : memref<320000xi32, #tpu.memory_space<hbm>> -> memref<80xi32, #tpu.memory_space<hbm>>
    %dma_start3A_22 = tpu.memref_slice %arg7[%add3A_20] : memref<320000xi32, #tpu.memory_space<hbm>> -> memref<80xi32, #tpu.memory_space<hbm>>
    tpu.enqueue_dma source(%dma_start3A_22 : memref<80xi32, #tpu.memory_space<hbm>>) target(%arg14 : memref<80xi32, #tpu.memory_space<vmem>>) target_semaphore(%arg24 : memref<!tpu.dma_semaphore, #tpu.memory_space<semaphore_mem>>)
    %eq3A_23 = arith.constant 0 : i32
    %eq3A_24 = arith.cmpi eq, %arg0, %eq3A_23 : i32
    %convert_element_type3A_25 = arith.extui %eq3A_24 : i1 to i32
    %cond3A_26 = arith.constant 0 : i32
    %cond3A_27 = arith.cmpi ne, %convert_element_type3A_25, %cond3A_26 : i32
    scf.if %cond3A_27 {
      %dma_start3A_134 = arith.constant 0 : i32
      %dma_start3A_135 = tpu.memref_slice %arg2[%add3A_20, %dma_start3A_134] : memref<320000x128xf32, #tpu.memory_space<hbm>> -> memref<80x128xf32, #tpu.memory_space<hbm>>
      %dma_start3A_136 = arith.constant 0 : i32
      %dma_start3A_137 = tpu.memref_slice %arg2[%add3A_20, %dma_start3A_136] : memref<320000x128xf32, #tpu.memory_space<hbm>> -> memref<80x128xf32, #tpu.memory_space<hbm>>
      tpu.enqueue_dma source(%dma_start3A_137 : memref<80x128xf32, #tpu.memory_space<hbm>>) target(%arg16 : memref<80x128xf32, #tpu.memory_space<vmem>>) target_semaphore(%arg26 : memref<!tpu.dma_semaphore, #tpu.memory_space<semaphore_mem>>)
    } else {
    }
    %eq3A_28 = arith.constant 1 : i32
    %eq3A_29 = arith.cmpi eq, %arg0, %eq3A_28 : i32
    %convert_element_type3A_30 = arith.extui %eq3A_29 : i1 to i32
    %cond3A_31 = arith.constant 0 : i32
    %cond3A_32 = arith.cmpi ne, %convert_element_type3A_30, %cond3A_31 : i32
    scf.if %cond3A_32 {
      %dma_start3A_134 = arith.constant 0 : i32
      %dma_start3A_135 = tpu.memref_slice %arg3[%add3A_20, %dma_start3A_134] : memref<320000x128xf32, #tpu.memory_space<hbm>> -> memref<80x128xf32, #tpu.memory_space<hbm>>
      %dma_start3A_136 = arith.constant 0 : i32
      %dma_start3A_137 = tpu.memref_slice %arg3[%add3A_20, %dma_start3A_136] : memref<320000x128xf32, #tpu.memory_space<hbm>> -> memref<80x128xf32, #tpu.memory_space<hbm>>
      tpu.enqueue_dma source(%dma_start3A_137 : memref<80x128xf32, #tpu.memory_space<hbm>>) target(%arg16 : memref<80x128xf32, #tpu.memory_space<vmem>>) target_semaphore(%arg26 : memref<!tpu.dma_semaphore, #tpu.memory_space<semaphore_mem>>)
    } else {
    }
    %scan3A = arith.constant 0 : i32
    %scan3A_33 = arith.constant 0 : i32
    %scan3A_34 = arith.constant 125 : i32
    %scan3A_35 = arith.addi %scan3A_33, %scan3A_34 : i32
    %scan3A_36 = arith.constant 1 : i32
    scf.for %scan3A_134 = %scan3A_33 to %scan3A_35 step %scan3A_36  : i32 {
      %mul3A_135 = arith.constant 2 : i32
      %mul3A_136 = arith.muli %mul3A_135, %scan3A_134 : i32
      %add3A_137 = arith.constant 0 : i32
      %add3A_138 = arith.addi %mul3A_136, %add3A_137 : i32
      %dma_wait3A = arith.constant 0 : i32
      %dma_wait3A_139 = tpu.memref_slice %arg7[%dma_wait3A] : memref<320000xi32, #tpu.memory_space<hbm>> -> memref<80xi32, #tpu.memory_space<hbm>>
      %dma_wait3A_140 = arith.constant 0 : i32
      %dma_wait3A_141 = tpu.memref_slice %arg7[%dma_wait3A_140] : memref<320000xi32, #tpu.memory_space<hbm>> -> memref<80xi32, #tpu.memory_space<hbm>>
      tpu.wait_dma2 semaphore(%arg23 : memref<!tpu.dma_semaphore, #tpu.memory_space<semaphore_mem>>) src(%dma_wait3A_141 : memref<80xi32, #tpu.memory_space<hbm>>) dst(%arg13 : memref<80xi32, #tpu.memory_space<vmem>>)
      %dma_wait3A_142 = arith.constant 0 : i32
      %dma_wait3A_143 = arith.constant 0 : i32
      %dma_wait3A_144 = tpu.memref_slice %arg2[%dma_wait3A_142, %dma_wait3A_143] : memref<320000x128xf32, #tpu.memory_space<hbm>> -> memref<80x128xf32, #tpu.memory_space<hbm>>
      %dma_wait3A_145 = arith.constant 0 : i32
      %dma_wait3A_146 = arith.constant 0 : i32
      %dma_wait3A_147 = tpu.memref_slice %arg2[%dma_wait3A_145, %dma_wait3A_146] : memref<320000x128xf32, #tpu.memory_space<hbm>> -> memref<80x128xf32, #tpu.memory_space<hbm>>
      tpu.wait_dma2 semaphore(%arg25 : memref<!tpu.dma_semaphore, #tpu.memory_space<semaphore_mem>>) src(%dma_wait3A_147 : memref<80x128xf32, #tpu.memory_space<hbm>>) dst(%arg15 : memref<80x128xf32, #tpu.memory_space<vmem>>)
      "tpu.region"() ({
        %run_scoped3A = tpu.sem_alloc : memref<!tpu.dma_semaphore, #tpu.memory_space<semaphore_mem>>
        %dma_start3A_176 = arith.constant 0 : i32
        %dma_start3A_177 = arith.constant 0 : i32
        %dma_start3A_178 = tpu.memref_slice %arg22[%dma_start3A_176, %dma_start3A_177] : memref<10000x128xf32, #tpu.memory_space<vmem_shared>> -> memref<10000x128xf32, #tpu.memory_space<vmem_shared>>
        tpu.enqueue_indirect_dma source(%arg15 : memref<80x128xf32, #tpu.memory_space<vmem>>) target(%dma_start3A_178 : memref<10000x128xf32, #tpu.memory_space<vmem_shared>>) offsets(%arg13 : memref<80xi32, #tpu.memory_space<vmem>>) semaphore(%run_scoped3A : memref<!tpu.dma_semaphore, #tpu.memory_space<semaphore_mem>>) {add = true}
        %dma_wait3A_179 = arith.constant 0 : i32
        %dma_wait3A_180 = arith.constant 0 : i32
        %dma_wait3A_181 = tpu.memref_slice %arg22[%dma_wait3A_179, %dma_wait3A_180] : memref<10000x128xf32, #tpu.memory_space<vmem_shared>> -> memref<10000x128xf32, #tpu.memory_space<vmem_shared>>
        tpu.wait_indirect_dma semaphore(%run_scoped3A : memref<!tpu.dma_semaphore, #tpu.memory_space<semaphore_mem>>) src(%arg15 : memref<80x128xf32, #tpu.memory_space<vmem>>) dst(%dma_wait3A_181 : memref<10000x128xf32, #tpu.memory_space<vmem_shared>>)
        tpu.yield
      }) : () -> ()
      %add3A_148 = arith.constant 2 : i32
      %add3A_149 = arith.addi %add3A_138, %add3A_148 : i32
      %lt3A_150 = arith.constant 250 : i32
      %lt3A_151 = arith.cmpi slt, %add3A_149, %lt3A_150 : i32
      %convert_element_type3A_152 = arith.extui %lt3A_151 : i1 to i32
      %cond3A_153 = arith.constant 0 : i32
      %cond3A_154 = arith.cmpi ne, %convert_element_type3A_152, %cond3A_153 : i32
      scf.if %cond3A_154 {
        %add3A_176 = arith.constant 2 : i32
        %add3A_177 = arith.addi %add3A_138, %add3A_176 : i32
        %mul3A_178 = arith.constant 80 : i32
        %mul3A_179 = arith.muli %add3A_177, %mul3A_178 : i32
        %add3A_180 = arith.addi %mul3A_6, %mul3A_179 : i32
        %dma_start3A_181 = tpu.memref_slice %arg7[%add3A_180] : memref<320000xi32, #tpu.memory_space<hbm>> -> memref<80xi32, #tpu.memory_space<hbm>>
        %dma_start3A_182 = tpu.memref_slice %arg7[%add3A_180] : memref<320000xi32, #tpu.memory_space<hbm>> -> memref<80xi32, #tpu.memory_space<hbm>>
        tpu.enqueue_dma source(%dma_start3A_182 : memref<80xi32, #tpu.memory_space<hbm>>) target(%arg13 : memref<80xi32, #tpu.memory_space<vmem>>) target_semaphore(%arg23 : memref<!tpu.dma_semaphore, #tpu.memory_space<semaphore_mem>>)
        %eq3A_183 = arith.constant 0 : i32
        %eq3A_184 = arith.cmpi eq, %arg0, %eq3A_183 : i32
        %convert_element_type3A_185 = arith.extui %eq3A_184 : i1 to i32
        %cond3A_186 = arith.constant 0 : i32
        %cond3A_187 = arith.cmpi ne, %convert_element_type3A_185, %cond3A_186 : i32
        scf.if %cond3A_187 {
          %dma_start3A_193 = arith.constant 0 : i32
          %dma_start3A_194 = tpu.memref_slice %arg2[%add3A_180, %dma_start3A_193] : memref<320000x128xf32, #tpu.memory_space<hbm>> -> memref<80x128xf32, #tpu.memory_space<hbm>>
          %dma_start3A_195 = arith.constant 0 : i32
          %dma_start3A_196 = tpu.memref_slice %arg2[%add3A_180, %dma_start3A_195] : memref<320000x128xf32, #tpu.memory_space<hbm>> -> memref<80x128xf32, #tpu.memory_space<hbm>>
          tpu.enqueue_dma source(%dma_start3A_196 : memref<80x128xf32, #tpu.memory_space<hbm>>) target(%arg15 : memref<80x128xf32, #tpu.memory_space<vmem>>) target_semaphore(%arg25 : memref<!tpu.dma_semaphore, #tpu.memory_space<semaphore_mem>>)
        } else {
        }
        %eq3A_188 = arith.constant 1 : i32
        %eq3A_189 = arith.cmpi eq, %arg0, %eq3A_188 : i32
        %convert_element_type3A_190 = arith.extui %eq3A_189 : i1 to i32
        %cond3A_191 = arith.constant 0 : i32
        %cond3A_192 = arith.cmpi ne, %convert_element_type3A_190, %cond3A_191 : i32
        scf.if %cond3A_192 {
          %dma_start3A_193 = arith.constant 0 : i32
          %dma_start3A_194 = tpu.memref_slice %arg3[%add3A_180, %dma_start3A_193] : memref<320000x128xf32, #tpu.memory_space<hbm>> -> memref<80x128xf32, #tpu.memory_space<hbm>>
          %dma_start3A_195 = arith.constant 0 : i32
          %dma_start3A_196 = tpu.memref_slice %arg3[%add3A_180, %dma_start3A_195] : memref<320000x128xf32, #tpu.memory_space<hbm>> -> memref<80x128xf32, #tpu.memory_space<hbm>>
          tpu.enqueue_dma source(%dma_start3A_196 : memref<80x128xf32, #tpu.memory_space<hbm>>) target(%arg15 : memref<80x128xf32, #tpu.memory_space<vmem>>) target_semaphore(%arg25 : memref<!tpu.dma_semaphore, #tpu.memory_space<semaphore_mem>>)
        } else {
        }
      } else {
      }
      %mul3A_155 = arith.constant 2 : i32
      %mul3A_156 = arith.muli %mul3A_155, %scan3A_134 : i32
      %add3A_157 = arith.constant 1 : i32
      %add3A_158 = arith.addi %mul3A_156, %add3A_157 : i32
      %dma_wait3A_159 = arith.constant 0 : i32
      %dma_wait3A_160 = tpu.memref_slice %arg7[%dma_wait3A_159] : memref<320000xi32, #tpu.memory_space<hbm>> -> memref<80xi32, #tpu.memory_space<hbm>>
      %dma_wait3A_161 = arith.constant 0 : i32
      %dma_wait3A_162 = tpu.memref_slice %arg7[%dma_wait3A_161] : memref<320000xi32, #tpu.memory_space<hbm>> -> memref<80xi32, #tpu.memory_space<hbm>>
      tpu.wait_dma2 semaphore(%arg24 : memref<!tpu.dma_semaphore, #tpu.memory_space<semaphore_mem>>) src(%dma_wait3A_162 : memref<80xi32, #tpu.memory_space<hbm>>) dst(%arg14 : memref<80xi32, #tpu.memory_space<vmem>>)
      %dma_wait3A_163 = arith.constant 0 : i32
      %dma_wait3A_164 = arith.constant 0 : i32
      %dma_wait3A_165 = tpu.memref_slice %arg2[%dma_wait3A_163, %dma_wait3A_164] : memref<320000x128xf32, #tpu.memory_space<hbm>> -> memref<80x128xf32, #tpu.memory_space<hbm>>
      %dma_wait3A_166 = arith.constant 0 : i32
      %dma_wait3A_167 = arith.constant 0 : i32
      %dma_wait3A_168 = tpu.memref_slice %arg2[%dma_wait3A_166, %dma_wait3A_167] : memref<320000x128xf32, #tpu.memory_space<hbm>> -> memref<80x128xf32, #tpu.memory_space<hbm>>
      tpu.wait_dma2 semaphore(%arg26 : memref<!tpu.dma_semaphore, #tpu.memory_space<semaphore_mem>>) src(%dma_wait3A_168 : memref<80x128xf32, #tpu.memory_space<hbm>>) dst(%arg16 : memref<80x128xf32, #tpu.memory_space<vmem>>)
      "tpu.region"() ({
        %run_scoped3A = tpu.sem_alloc : memref<!tpu.dma_semaphore, #tpu.memory_space<semaphore_mem>>
        %dma_start3A_176 = arith.constant 0 : i32
        %dma_start3A_177 = arith.constant 0 : i32
        %dma_start3A_178 = tpu.memref_slice %arg22[%dma_start3A_176, %dma_start3A_177] : memref<10000x128xf32, #tpu.memory_space<vmem_shared>> -> memref<10000x128xf32, #tpu.memory_space<vmem_shared>>
        tpu.enqueue_indirect_dma source(%arg16 : memref<80x128xf32, #tpu.memory_space<vmem>>) target(%dma_start3A_178 : memref<10000x128xf32, #tpu.memory_space<vmem_shared>>) offsets(%arg14 : memref<80xi32, #tpu.memory_space<vmem>>) semaphore(%run_scoped3A : memref<!tpu.dma_semaphore, #tpu.memory_space<semaphore_mem>>) {add = true}
        %dma_wait3A_179 = arith.constant 0 : i32
        %dma_wait3A_180 = arith.constant 0 : i32
        %dma_wait3A_181 = tpu.memref_slice %arg22[%dma_wait3A_179, %dma_wait3A_180] : memref<10000x128xf32, #tpu.memory_space<vmem_shared>> -> memref<10000x128xf32, #tpu.memory_space<vmem_shared>>
        tpu.wait_indirect_dma semaphore(%run_scoped3A : memref<!tpu.dma_semaphore, #tpu.memory_space<semaphore_mem>>) src(%arg16 : memref<80x128xf32, #tpu.memory_space<vmem>>) dst(%dma_wait3A_181 : memref<10000x128xf32, #tpu.memory_space<vmem_shared>>)
        tpu.yield
      }) : () -> ()
      %add3A_169 = arith.constant 2 : i32
      %add3A_170 = arith.addi %add3A_158, %add3A_169 : i32
      %lt3A_171 = arith.constant 250 : i32
      %lt3A_172 = arith.cmpi slt, %add3A_170, %lt3A_171 : i32
      %convert_element_type3A_173 = arith.extui %lt3A_172 : i1 to i32
      %cond3A_174 = arith.constant 0 : i32
      %cond3A_175 = arith.cmpi ne, %convert_element_type3A_173, %cond3A_174 : i32
      scf.if %cond3A_175 {
        %add3A_176 = arith.constant 2 : i32
        %add3A_177 = arith.addi %add3A_158, %add3A_176 : i32
        %mul3A_178 = arith.constant 80 : i32
        %mul3A_179 = arith.muli %add3A_177, %mul3A_178 : i32
        %add3A_180 = arith.addi %mul3A_6, %mul3A_179 : i32
        %dma_start3A_181 = tpu.memref_slice %arg7[%add3A_180] : memref<320000xi32, #tpu.memory_space<hbm>> -> memref<80xi32, #tpu.memory_space<hbm>>
        %dma_start3A_182 = tpu.memref_slice %arg7[%add3A_180] : memref<320000xi32, #tpu.memory_space<hbm>> -> memref<80xi32, #tpu.memory_space<hbm>>
        tpu.enqueue_dma source(%dma_start3A_182 : memref<80xi32, #tpu.memory_space<hbm>>) target(%arg14 : memref<80xi32, #tpu.memory_space<vmem>>) target_semaphore(%arg24 : memref<!tpu.dma_semaphore, #tpu.memory_space<semaphore_mem>>)
        %eq3A_183 = arith.constant 0 : i32
        %eq3A_184 = arith.cmpi eq, %arg0, %eq3A_183 : i32
        %convert_element_type3A_185 = arith.extui %eq3A_184 : i1 to i32
        %cond3A_186 = arith.constant 0 : i32
        %cond3A_187 = arith.cmpi ne, %convert_element_type3A_185, %cond3A_186 : i32
        scf.if %cond3A_187 {
          %dma_start3A_193 = arith.constant 0 : i32
          %dma_start3A_194 = tpu.memref_slice %arg2[%add3A_180, %dma_start3A_193] : memref<320000x128xf32, #tpu.memory_space<hbm>> -> memref<80x128xf32, #tpu.memory_space<hbm>>
          %dma_start3A_195 = arith.constant 0 : i32
          %dma_start3A_196 = tpu.memref_slice %arg2[%add3A_180, %dma_start3A_195] : memref<320000x128xf32, #tpu.memory_space<hbm>> -> memref<80x128xf32, #tpu.memory_space<hbm>>
          tpu.enqueue_dma source(%dma_start3A_196 : memref<80x128xf32, #tpu.memory_space<hbm>>) target(%arg16 : memref<80x128xf32, #tpu.memory_space<vmem>>) target_semaphore(%arg26 : memref<!tpu.dma_semaphore, #tpu.memory_space<semaphore_mem>>)
        } else {
        }
        %eq3A_188 = arith.constant 1 : i32
        %eq3A_189 = arith.cmpi eq, %arg0, %eq3A_188 : i32
        %convert_element_type3A_190 = arith.extui %eq3A_189 : i1 to i32
        %cond3A_191 = arith.constant 0 : i32
        %cond3A_192 = arith.cmpi ne, %convert_element_type3A_190, %cond3A_191 : i32
        scf.if %cond3A_192 {
          %dma_start3A_193 = arith.constant 0 : i32
          %dma_start3A_194 = tpu.memref_slice %arg3[%add3A_180, %dma_start3A_193] : memref<320000x128xf32, #tpu.memory_space<hbm>> -> memref<80x128xf32, #tpu.memory_space<hbm>>
          %dma_start3A_195 = arith.constant 0 : i32
          %dma_start3A_196 = tpu.memref_slice %arg3[%add3A_180, %dma_start3A_195] : memref<320000x128xf32, #tpu.memory_space<hbm>> -> memref<80x128xf32, #tpu.memory_space<hbm>>
          tpu.enqueue_dma source(%dma_start3A_196 : memref<80x128xf32, #tpu.memory_space<hbm>>) target(%arg16 : memref<80x128xf32, #tpu.memory_space<vmem>>) target_semaphore(%arg26 : memref<!tpu.dma_semaphore, #tpu.memory_space<semaphore_mem>>)
        } else {
        }
      } else {
      }
    }
    %scan3A_37 = arith.constant 125 : i32
    %mul3A_38 = arith.constant 16 : i32
    %mul3A_39 = arith.muli %arg0, %mul3A_38 : i32
    %add3A_40 = arith.addi %mul3A_39, %arg1 : i32
    %jit3A = arith.constant 4 : i32
    %eq3A_41 = arith.constant 0 : i32
    %eq3A_42 = arith.cmpi eq, %jit3A, %eq3A_41 : i32
    %jit3A_43 = arith.constant 1 : i32
    %select_n3A = arith.select %eq3A_42, %jit3A_43, %jit3A : i32
    %rem3A = arith.remsi %add3A_40, %select_n3A : i32
    %ne3A = arith.constant 0 : i32
    %ne3A_44 = arith.cmpi ne, %rem3A, %ne3A : i32
    %lt3A_45 = arith.constant 0 : i32
    %lt3A_46 = arith.cmpi slt, %rem3A, %lt3A_45 : i32
    %lt3A_47 = arith.constant 0 : i32
    %lt3A_48 = arith.cmpi slt, %select_n3A, %lt3A_47 : i32
    %ne3A_49 = arith.xori %lt3A_46, %lt3A_48 : i1
    %and3A = arith.andi %ne3A_49, %ne3A_44 : i1
    %add3A_50 = arith.addi %rem3A, %select_n3A : i32
    %select_n3A_51 = arith.select %and3A, %add3A_50, %rem3A : i32
    %jit3A_52 = arith.constant 4 : i32
    %div3A = arith.divsi %add3A_40, %jit3A_52 : i32
    %sign3A = arith.constant 0 : i32
    %sign3A_53 = arith.cmpi sgt, %add3A_40, %sign3A : i32
    %sign3A_54 = arith.extui %sign3A_53 : i1 to i32
    %sign3A_55 = arith.constant 0 : i32
    %sign3A_56 = arith.cmpi slt, %add3A_40, %sign3A_55 : i32
    %sign3A_57 = arith.extui %sign3A_56 : i1 to i32
    %sign3A_58 = arith.subi %sign3A_54, %sign3A_57 : i32
    %sign3A_59 = arith.constant 0 : i32
    %sign3A_60 = arith.cmpi sgt, %jit3A_52, %sign3A_59 : i32
    %sign3A_61 = arith.extui %sign3A_60 : i1 to i32
    %sign3A_62 = arith.constant 0 : i32
    %sign3A_63 = arith.cmpi slt, %jit3A_52, %sign3A_62 : i32
    %sign3A_64 = arith.extui %sign3A_63 : i1 to i32
    %sign3A_65 = arith.subi %sign3A_61, %sign3A_64 : i32
    %ne3A_66 = arith.cmpi ne, %sign3A_58, %sign3A_65 : i32
    %rem3A_67 = arith.remsi %add3A_40, %jit3A_52 : i32
    %ne3A_68 = arith.constant 0 : i32
    %ne3A_69 = arith.cmpi ne, %rem3A_67, %ne3A_68 : i32
    %and3A_70 = arith.andi %ne3A_66, %ne3A_69 : i1
    %sub3A = arith.constant 1 : i32
    %sub3A_71 = arith.subi %div3A, %sub3A : i32
    %select_n3A_72 = arith.select %and3A_70, %sub3A_71, %div3A : i32
    %mul3A_73 = arith.constant 40000 : i32
    %mul3A_74 = arith.muli %select_n3A_72, %mul3A_73 : i32
    %add3A_75 = arith.constant 0 : i32
    %add3A_76 = arith.addi %mul3A_74, %add3A_75 : i32
    %dma_start3A_77 = tpu.memref_slice %arg7[%add3A_76] : memref<320000xi32, #tpu.memory_space<hbm>> -> memref<80xi32, #tpu.memory_space<hbm>>
    %dma_start3A_78 = tpu.memref_slice %arg7[%add3A_76] : memref<320000xi32, #tpu.memory_space<hbm>> -> memref<80xi32, #tpu.memory_space<hbm>>
    tpu.enqueue_dma source(%dma_start3A_78 : memref<80xi32, #tpu.memory_space<hbm>>) target(%arg17 : memref<80xi32, #tpu.memory_space<vmem>>) target_semaphore(%arg27 : memref<!tpu.dma_semaphore, #tpu.memory_space<semaphore_mem>>)
    %eq3A_79 = arith.constant 0 : i32
    %eq3A_80 = arith.cmpi eq, %select_n3A_51, %eq3A_79 : i32
    %convert_element_type3A_81 = arith.extui %eq3A_80 : i1 to i32
    %cond3A_82 = arith.constant 0 : i32
    %cond3A_83 = arith.cmpi ne, %convert_element_type3A_81, %cond3A_82 : i32
    scf.if %cond3A_83 {
      %dma_start3A_134 = tpu.memref_slice %arg4[%add3A_76] : memref<320000xf32, #tpu.memory_space<hbm>> -> memref<80xf32, #tpu.memory_space<hbm>>
      %dma_start3A_135 = tpu.memref_slice %arg4[%add3A_76] : memref<320000xf32, #tpu.memory_space<hbm>> -> memref<80xf32, #tpu.memory_space<hbm>>
      tpu.enqueue_dma source(%dma_start3A_135 : memref<80xf32, #tpu.memory_space<hbm>>) target(%arg19 : memref<80xf32, #tpu.memory_space<vmem>>) target_semaphore(%arg29 : memref<!tpu.dma_semaphore, #tpu.memory_space<semaphore_mem>>)
    } else {
    }
    %eq3A_84 = arith.constant 1 : i32
    %eq3A_85 = arith.cmpi eq, %select_n3A_51, %eq3A_84 : i32
    %convert_element_type3A_86 = arith.extui %eq3A_85 : i1 to i32
    %cond3A_87 = arith.constant 0 : i32
    %cond3A_88 = arith.cmpi ne, %convert_element_type3A_86, %cond3A_87 : i32
    scf.if %cond3A_88 {
      %dma_start3A_134 = tpu.memref_slice %arg5[%add3A_76] : memref<320000xf32, #tpu.memory_space<hbm>> -> memref<80xf32, #tpu.memory_space<hbm>>
      %dma_start3A_135 = tpu.memref_slice %arg5[%add3A_76] : memref<320000xf32, #tpu.memory_space<hbm>> -> memref<80xf32, #tpu.memory_space<hbm>>
      tpu.enqueue_dma source(%dma_start3A_135 : memref<80xf32, #tpu.memory_space<hbm>>) target(%arg19 : memref<80xf32, #tpu.memory_space<vmem>>) target_semaphore(%arg29 : memref<!tpu.dma_semaphore, #tpu.memory_space<semaphore_mem>>)
    } else {
    }
    %eq3A_89 = arith.constant 2 : i32
    %eq3A_90 = arith.cmpi eq, %select_n3A_51, %eq3A_89 : i32
    %convert_element_type3A_91 = arith.extui %eq3A_90 : i1 to i32
    %cond3A_92 = arith.constant 0 : i32
    %cond3A_93 = arith.cmpi ne, %convert_element_type3A_91, %cond3A_92 : i32
    scf.if %cond3A_93 {
      %dma_start3A_134 = tpu.memref_slice %arg6[%add3A_76] : memref<320000xf32, #tpu.memory_space<hbm>> -> memref<80xf32, #tpu.memory_space<hbm>>
      %dma_start3A_135 = tpu.memref_slice %arg6[%add3A_76] : memref<320000xf32, #tpu.memory_space<hbm>> -> memref<80xf32, #tpu.memory_space<hbm>>
      tpu.enqueue_dma source(%dma_start3A_135 : memref<80xf32, #tpu.memory_space<hbm>>) target(%arg19 : memref<80xf32, #tpu.memory_space<vmem>>) target_semaphore(%arg29 : memref<!tpu.dma_semaphore, #tpu.memory_space<semaphore_mem>>)
    } else {
    }
    %add3A_94 = arith.constant 80 : i32
    %add3A_95 = arith.addi %mul3A_74, %add3A_94 : i32
    %dma_start3A_96 = tpu.memref_slice %arg7[%add3A_95] : memref<320000xi32, #tpu.memory_space<hbm>> -> memref<80xi32, #tpu.memory_space<hbm>>
    %dma_start3A_97 = tpu.memref_slice %arg7[%add3A_95] : memref<320000xi32, #tpu.memory_space<hbm>> -> memref<80xi32, #tpu.memory_space<hbm>>
    tpu.enqueue_dma source(%dma_start3A_97 : memref<80xi32, #tpu.memory_space<hbm>>) target(%arg18 : memref<80xi32, #tpu.memory_space<vmem>>) target_semaphore(%arg28 : memref<!tpu.dma_semaphore, #tpu.memory_space<semaphore_mem>>)
    %eq3A_98 = arith.constant 0 : i32
    %eq3A_99 = arith.cmpi eq, %select_n3A_51, %eq3A_98 : i32
    %convert_element_type3A_100 = arith.extui %eq3A_99 : i1 to i32
    %cond3A_101 = arith.constant 0 : i32
    %cond3A_102 = arith.cmpi ne, %convert_element_type3A_100, %cond3A_101 : i32
    scf.if %cond3A_102 {
      %dma_start3A_134 = tpu.memref_slice %arg4[%add3A_95] : memref<320000xf32, #tpu.memory_space<hbm>> -> memref<80xf32, #tpu.memory_space<hbm>>
      %dma_start3A_135 = tpu.memref_slice %arg4[%add3A_95] : memref<320000xf32, #tpu.memory_space<hbm>> -> memref<80xf32, #tpu.memory_space<hbm>>
      tpu.enqueue_dma source(%dma_start3A_135 : memref<80xf32, #tpu.memory_space<hbm>>) target(%arg20 : memref<80xf32, #tpu.memory_space<vmem>>) target_semaphore(%arg30 : memref<!tpu.dma_semaphore, #tpu.memory_space<semaphore_mem>>)
    } else {
    }
    %eq3A_103 = arith.constant 1 : i32
    %eq3A_104 = arith.cmpi eq, %select_n3A_51, %eq3A_103 : i32
    %convert_element_type3A_105 = arith.extui %eq3A_104 : i1 to i32
    %cond3A_106 = arith.constant 0 : i32
    %cond3A_107 = arith.cmpi ne, %convert_element_type3A_105, %cond3A_106 : i32
    scf.if %cond3A_107 {
      %dma_start3A_134 = tpu.memref_slice %arg5[%add3A_95] : memref<320000xf32, #tpu.memory_space<hbm>> -> memref<80xf32, #tpu.memory_space<hbm>>
      %dma_start3A_135 = tpu.memref_slice %arg5[%add3A_95] : memref<320000xf32, #tpu.memory_space<hbm>> -> memref<80xf32, #tpu.memory_space<hbm>>
      tpu.enqueue_dma source(%dma_start3A_135 : memref<80xf32, #tpu.memory_space<hbm>>) target(%arg20 : memref<80xf32, #tpu.memory_space<vmem>>) target_semaphore(%arg30 : memref<!tpu.dma_semaphore, #tpu.memory_space<semaphore_mem>>)
    } else {
    }
    %eq3A_108 = arith.constant 2 : i32
    %eq3A_109 = arith.cmpi eq, %select_n3A_51, %eq3A_108 : i32
    %convert_element_type3A_110 = arith.extui %eq3A_109 : i1 to i32
    %cond3A_111 = arith.constant 0 : i32
    %cond3A_112 = arith.cmpi ne, %convert_element_type3A_110, %cond3A_111 : i32
    scf.if %cond3A_112 {
      %dma_start3A_134 = tpu.memref_slice %arg6[%add3A_95] : memref<320000xf32, #tpu.memory_space<hbm>> -> memref<80xf32, #tpu.memory_space<hbm>>
      %dma_start3A_135 = tpu.memref_slice %arg6[%add3A_95] : memref<320000xf32, #tpu.memory_space<hbm>> -> memref<80xf32, #tpu.memory_space<hbm>>
      tpu.enqueue_dma source(%dma_start3A_135 : memref<80xf32, #tpu.memory_space<hbm>>) target(%arg20 : memref<80xf32, #tpu.memory_space<vmem>>) target_semaphore(%arg30 : memref<!tpu.dma_semaphore, #tpu.memory_space<semaphore_mem>>)
    } else {
    }
    %broadcast_in_dim3A = arith.constant 1.000000e+00 : f32
    %broadcast_in_dim3A_113 = vector.broadcast %broadcast_in_dim3A : f32 to vector<16xf32>
    %scan3A_114 = arith.constant 0 : i32
    %scan3A_115 = arith.constant 0 : i32
    %scan3A_116 = arith.constant 250 : i32
    %scan3A_117 = arith.addi %scan3A_115, %scan3A_116 : i32
    %scan3A_118 = arith.constant 1 : i32
    scf.for %scan3A_134 = %scan3A_115 to %scan3A_117 step %scan3A_118  : i32 {
      %mul3A_135 = arith.constant 2 : i32
      %mul3A_136 = arith.muli %mul3A_135, %scan3A_134 : i32
      %add3A_137 = arith.constant 0 : i32
      %add3A_138 = arith.addi %mul3A_136, %add3A_137 : i32
      %dma_wait3A = arith.constant 0 : i32
      %dma_wait3A_139 = tpu.memref_slice %arg7[%dma_wait3A] : memref<320000xi32, #tpu.memory_space<hbm>> -> memref<80xi32, #tpu.memory_space<hbm>>
      %dma_wait3A_140 = arith.constant 0 : i32
      %dma_wait3A_141 = tpu.memref_slice %arg7[%dma_wait3A_140] : memref<320000xi32, #tpu.memory_space<hbm>> -> memref<80xi32, #tpu.memory_space<hbm>>
      tpu.wait_dma2 semaphore(%arg27 : memref<!tpu.dma_semaphore, #tpu.memory_space<semaphore_mem>>) src(%dma_wait3A_141 : memref<80xi32, #tpu.memory_space<hbm>>) dst(%arg17 : memref<80xi32, #tpu.memory_space<vmem>>)
      %lt3A_142 = arith.constant 3 : i32
      %lt3A_143 = arith.cmpi slt, %select_n3A_51, %lt3A_142 : i32
      %convert_element_type3A_144 = arith.extui %lt3A_143 : i1 to i32
      %cond3A_145 = arith.constant 0 : i32
      %cond3A_146 = arith.cmpi ne, %convert_element_type3A_144, %cond3A_145 : i32
      scf.if %cond3A_146 {
        %dma_wait3A_293 = arith.constant 0 : i32
        %dma_wait3A_294 = tpu.memref_slice %arg4[%dma_wait3A_293] : memref<320000xf32, #tpu.memory_space<hbm>> -> memref<80xf32, #tpu.memory_space<hbm>>
        %dma_wait3A_295 = arith.constant 0 : i32
        %dma_wait3A_296 = tpu.memref_slice %arg4[%dma_wait3A_295] : memref<320000xf32, #tpu.memory_space<hbm>> -> memref<80xf32, #tpu.memory_space<hbm>>
        tpu.wait_dma2 semaphore(%arg29 : memref<!tpu.dma_semaphore, #tpu.memory_space<semaphore_mem>>) src(%dma_wait3A_296 : memref<80xf32, #tpu.memory_space<hbm>>) dst(%arg19 : memref<80xf32, #tpu.memory_space<vmem>>)
      } else {
      }
      %get3A = arith.constant 0 : index
      %get3A_147 = tpu.vector_load %arg17[%get3A] {strides = array<i32>} : memref<80xi32, #tpu.memory_space<vmem>>, vector<16xi32>,
      %lt3A_148 = arith.constant 3 : i32
      %lt3A_149 = arith.cmpi slt, %select_n3A_51, %lt3A_148 : i32
      %convert_element_type3A_150 = arith.extui %lt3A_149 : i1 to i32
      %cond3A_151 = arith.constant 0 : i32
      %cond3A_152 = arith.cmpi ne, %convert_element_type3A_150, %cond3A_151 : i32
      scf.if %cond3A_152 {
        %get3A_293 = arith.constant 0 : index
        %get3A_294 = tpu.vector_load %arg19[%get3A_293] {strides = array<i32>} : memref<80xf32, #tpu.memory_space<vmem>>, vector<16xf32>,
        tpu.vector_store_idx %arg21[%get3A_147], %get3A_294 {add = true} : memref<10000xf32, #tpu.memory_space<vmem>>[vector<16xi32>], vector<16xf32>,
      } else {
      }
      %eq3A_153 = arith.constant 3 : i32
      %eq3A_154 = arith.cmpi eq, %select_n3A_51, %eq3A_153 : i32
      %convert_element_type3A_155 = arith.extui %eq3A_154 : i1 to i32
      %cond3A_156 = arith.constant 0 : i32
      %cond3A_157 = arith.cmpi ne, %convert_element_type3A_155, %cond3A_156 : i32
      scf.if %cond3A_157 {
        tpu.vector_store_idx %arg21[%get3A_147], %broadcast_in_dim3A_113 {add = true} : memref<10000xf32, #tpu.memory_space<vmem>>[vector<16xi32>], vector<16xf32>,
      } else {
      }
      %get3A_158 = arith.constant 16 : index
      %get3A_159 = tpu.vector_load %arg17[%get3A_158] {strides = array<i32>} : memref<80xi32, #tpu.memory_space<vmem>>, vector<16xi32>,
      %lt3A_160 = arith.constant 3 : i32
      %lt3A_161 = arith.cmpi slt, %select_n3A_51, %lt3A_160 : i32
      %convert_element_type3A_162 = arith.extui %lt3A_161 : i1 to i32
      %cond3A_163 = arith.constant 0 : i32
      %cond3A_164 = arith.cmpi ne, %convert_element_type3A_162, %cond3A_163 : i32
      scf.if %cond3A_164 {
        %get3A_293 = arith.constant 16 : index
        %get3A_294 = tpu.vector_load %arg19[%get3A_293] {strides = array<i32>} : memref<80xf32, #tpu.memory_space<vmem>>, vector<16xf32>,
        tpu.vector_store_idx %arg21[%get3A_159], %get3A_294 {add = true} : memref<10000xf32, #tpu.memory_space<vmem>>[vector<16xi32>], vector<16xf32>,
      } else {
      }
      %eq3A_165 = arith.constant 3 : i32
      %eq3A_166 = arith.cmpi eq, %select_n3A_51, %eq3A_165 : i32
      %convert_element_type3A_167 = arith.extui %eq3A_166 : i1 to i32
      %cond3A_168 = arith.constant 0 : i32
      %cond3A_169 = arith.cmpi ne, %convert_element_type3A_167, %cond3A_168 : i32
      scf.if %cond3A_169 {
        tpu.vector_store_idx %arg21[%get3A_159], %broadcast_in_dim3A_113 {add = true} : memref<10000xf32, #tpu.memory_space<vmem>>[vector<16xi32>], vector<16xf32>,
      } else {
      }
      %get3A_170 = arith.constant 32 : index
      %get3A_171 = tpu.vector_load %arg17[%get3A_170] {strides = array<i32>} : memref<80xi32, #tpu.memory_space<vmem>>, vector<16xi32>,
      %lt3A_172 = arith.constant 3 : i32
      %lt3A_173 = arith.cmpi slt, %select_n3A_51, %lt3A_172 : i32
      %convert_element_type3A_174 = arith.extui %lt3A_173 : i1 to i32
      %cond3A_175 = arith.constant 0 : i32
      %cond3A_176 = arith.cmpi ne, %convert_element_type3A_174, %cond3A_175 : i32
      scf.if %cond3A_176 {
        %get3A_293 = arith.constant 32 : index
        %get3A_294 = tpu.vector_load %arg19[%get3A_293] {strides = array<i32>} : memref<80xf32, #tpu.memory_space<vmem>>, vector<16xf32>,
        tpu.vector_store_idx %arg21[%get3A_171], %get3A_294 {add = true} : memref<10000xf32, #tpu.memory_space<vmem>>[vector<16xi32>], vector<16xf32>,
      } else {
      }
      %eq3A_177 = arith.constant 3 : i32
      %eq3A_178 = arith.cmpi eq, %select_n3A_51, %eq3A_177 : i32
      %convert_element_type3A_179 = arith.extui %eq3A_178 : i1 to i32
      %cond3A_180 = arith.constant 0 : i32
      %cond3A_181 = arith.cmpi ne, %convert_element_type3A_179, %cond3A_180 : i32
      scf.if %cond3A_181 {
        tpu.vector_store_idx %arg21[%get3A_171], %broadcast_in_dim3A_113 {add = true} : memref<10000xf32, #tpu.memory_space<vmem>>[vector<16xi32>], vector<16xf32>,
      } else {
      }
      %get3A_182 = arith.constant 48 : index
      %get3A_183 = tpu.vector_load %arg17[%get3A_182] {strides = array<i32>} : memref<80xi32, #tpu.memory_space<vmem>>, vector<16xi32>,
      %lt3A_184 = arith.constant 3 : i32
      %lt3A_185 = arith.cmpi slt, %select_n3A_51, %lt3A_184 : i32
      %convert_element_type3A_186 = arith.extui %lt3A_185 : i1 to i32
      %cond3A_187 = arith.constant 0 : i32
      %cond3A_188 = arith.cmpi ne, %convert_element_type3A_186, %cond3A_187 : i32
      scf.if %cond3A_188 {
        %get3A_293 = arith.constant 48 : index
        %get3A_294 = tpu.vector_load %arg19[%get3A_293] {strides = array<i32>} : memref<80xf32, #tpu.memory_space<vmem>>, vector<16xf32>,
        tpu.vector_store_idx %arg21[%get3A_183], %get3A_294 {add = true} : memref<10000xf32, #tpu.memory_space<vmem>>[vector<16xi32>], vector<16xf32>,
      } else {
      }
      %eq3A_189 = arith.constant 3 : i32
      %eq3A_190 = arith.cmpi eq, %select_n3A_51, %eq3A_189 : i32
      %convert_element_type3A_191 = arith.extui %eq3A_190 : i1 to i32
      %cond3A_192 = arith.constant 0 : i32
      %cond3A_193 = arith.cmpi ne, %convert_element_type3A_191, %cond3A_192 : i32
      scf.if %cond3A_193 {
        tpu.vector_store_idx %arg21[%get3A_183], %broadcast_in_dim3A_113 {add = true} : memref<10000xf32, #tpu.memory_space<vmem>>[vector<16xi32>], vector<16xf32>,
      } else {
      }
      %get3A_194 = arith.constant 64 : index
      %get3A_195 = tpu.vector_load %arg17[%get3A_194] {strides = array<i32>} : memref<80xi32, #tpu.memory_space<vmem>>, vector<16xi32>,
      %lt3A_196 = arith.constant 3 : i32
      %lt3A_197 = arith.cmpi slt, %select_n3A_51, %lt3A_196 : i32
      %convert_element_type3A_198 = arith.extui %lt3A_197 : i1 to i32
      %cond3A_199 = arith.constant 0 : i32
      %cond3A_200 = arith.cmpi ne, %convert_element_type3A_198, %cond3A_199 : i32
      scf.if %cond3A_200 {
        %get3A_293 = arith.constant 64 : index
        %get3A_294 = tpu.vector_load %arg19[%get3A_293] {strides = array<i32>} : memref<80xf32, #tpu.memory_space<vmem>>, vector<16xf32>,
        tpu.vector_store_idx %arg21[%get3A_195], %get3A_294 {add = true} : memref<10000xf32, #tpu.memory_space<vmem>>[vector<16xi32>], vector<16xf32>,
      } else {
      }
      %eq3A_201 = arith.constant 3 : i32
      %eq3A_202 = arith.cmpi eq, %select_n3A_51, %eq3A_201 : i32
      %convert_element_type3A_203 = arith.extui %eq3A_202 : i1 to i32
      %cond3A_204 = arith.constant 0 : i32
      %cond3A_205 = arith.cmpi ne, %convert_element_type3A_203, %cond3A_204 : i32
      scf.if %cond3A_205 {
        tpu.vector_store_idx %arg21[%get3A_195], %broadcast_in_dim3A_113 {add = true} : memref<10000xf32, #tpu.memory_space<vmem>>[vector<16xi32>], vector<16xf32>,
      } else {
      }
      %add3A_206 = arith.constant 2 : i32
      %add3A_207 = arith.addi %add3A_138, %add3A_206 : i32
      %lt3A_208 = arith.constant 500 : i32
      %lt3A_209 = arith.cmpi slt, %add3A_207, %lt3A_208 : i32
      %convert_element_type3A_210 = arith.extui %lt3A_209 : i1 to i32
      %cond3A_211 = arith.constant 0 : i32
      %cond3A_212 = arith.cmpi ne, %convert_element_type3A_210, %cond3A_211 : i32
      scf.if %cond3A_212 {
        %add3A_293 = arith.constant 2 : i32
        %add3A_294 = arith.addi %add3A_138, %add3A_293 : i32
        %mul3A_295 = arith.constant 80 : i32
        %mul3A_296 = arith.muli %add3A_294, %mul3A_295 : i32
        %add3A_297 = arith.addi %mul3A_74, %mul3A_296 : i32
        %dma_start3A_298 = tpu.memref_slice %arg7[%add3A_297] : memref<320000xi32, #tpu.memory_space<hbm>> -> memref<80xi32, #tpu.memory_space<hbm>>
        %dma_start3A_299 = tpu.memref_slice %arg7[%add3A_297] : memref<320000xi32, #tpu.memory_space<hbm>> -> memref<80xi32, #tpu.memory_space<hbm>>
        tpu.enqueue_dma source(%dma_start3A_299 : memref<80xi32, #tpu.memory_space<hbm>>) target(%arg17 : memref<80xi32, #tpu.memory_space<vmem>>) target_semaphore(%arg27 : memref<!tpu.dma_semaphore, #tpu.memory_space<semaphore_mem>>)
        %eq3A_300 = arith.constant 0 : i32
        %eq3A_301 = arith.cmpi eq, %select_n3A_51, %eq3A_300 : i32
        %convert_element_type3A_302 = arith.extui %eq3A_301 : i1 to i32
        %cond3A_303 = arith.constant 0 : i32
        %cond3A_304 = arith.cmpi ne, %convert_element_type3A_302, %cond3A_303 : i32
        scf.if %cond3A_304 {
          %dma_start3A_315 = tpu.memref_slice %arg4[%add3A_297] : memref<320000xf32, #tpu.memory_space<hbm>> -> memref<80xf32, #tpu.memory_space<hbm>>
          %dma_start3A_316 = tpu.memref_slice %arg4[%add3A_297] : memref<320000xf32, #tpu.memory_space<hbm>> -> memref<80xf32, #tpu.memory_space<hbm>>
          tpu.enqueue_dma source(%dma_start3A_316 : memref<80xf32, #tpu.memory_space<hbm>>) target(%arg19 : memref<80xf32, #tpu.memory_space<vmem>>) target_semaphore(%arg29 : memref<!tpu.dma_semaphore, #tpu.memory_space<semaphore_mem>>)
        } else {
        }
        %eq3A_305 = arith.constant 1 : i32
        %eq3A_306 = arith.cmpi eq, %select_n3A_51, %eq3A_305 : i32
        %convert_element_type3A_307 = arith.extui %eq3A_306 : i1 to i32
        %cond3A_308 = arith.constant 0 : i32
        %cond3A_309 = arith.cmpi ne, %convert_element_type3A_307, %cond3A_308 : i32
        scf.if %cond3A_309 {
          %dma_start3A_315 = tpu.memref_slice %arg5[%add3A_297] : memref<320000xf32, #tpu.memory_space<hbm>> -> memref<80xf32, #tpu.memory_space<hbm>>
          %dma_start3A_316 = tpu.memref_slice %arg5[%add3A_297] : memref<320000xf32, #tpu.memory_space<hbm>> -> memref<80xf32, #tpu.memory_space<hbm>>
          tpu.enqueue_dma source(%dma_start3A_316 : memref<80xf32, #tpu.memory_space<hbm>>) target(%arg19 : memref<80xf32, #tpu.memory_space<vmem>>) target_semaphore(%arg29 : memref<!tpu.dma_semaphore, #tpu.memory_space<semaphore_mem>>)
        } else {
        }
        %eq3A_310 = arith.constant 2 : i32
        %eq3A_311 = arith.cmpi eq, %select_n3A_51, %eq3A_310 : i32
        %convert_element_type3A_312 = arith.extui %eq3A_311 : i1 to i32
        %cond3A_313 = arith.constant 0 : i32
        %cond3A_314 = arith.cmpi ne, %convert_element_type3A_312, %cond3A_313 : i32
        scf.if %cond3A_314 {
          %dma_start3A_315 = tpu.memref_slice %arg6[%add3A_297] : memref<320000xf32, #tpu.memory_space<hbm>> -> memref<80xf32, #tpu.memory_space<hbm>>
          %dma_start3A_316 = tpu.memref_slice %arg6[%add3A_297] : memref<320000xf32, #tpu.memory_space<hbm>> -> memref<80xf32, #tpu.memory_space<hbm>>
          tpu.enqueue_dma source(%dma_start3A_316 : memref<80xf32, #tpu.memory_space<hbm>>) target(%arg19 : memref<80xf32, #tpu.memory_space<vmem>>) target_semaphore(%arg29 : memref<!tpu.dma_semaphore, #tpu.memory_space<semaphore_mem>>)
        } else {
        }
      } else {
      }
      %mul3A_213 = arith.constant 2 : i32
      %mul3A_214 = arith.muli %mul3A_213, %scan3A_134 : i32
      %add3A_215 = arith.constant 1 : i32
      %add3A_216 = arith.addi %mul3A_214, %add3A_215 : i32
      %dma_wait3A_217 = arith.constant 0 : i32
      %dma_wait3A_218 = tpu.memref_slice %arg7[%dma_wait3A_217] : memref<320000xi32, #tpu.memory_space<hbm>> -> memref<80xi32, #tpu.memory_space<hbm>>
      %dma_wait3A_219 = arith.constant 0 : i32
      %dma_wait3A_220 = tpu.memref_slice %arg7[%dma_wait3A_219] : memref<320000xi32, #tpu.memory_space<hbm>> -> memref<80xi32, #tpu.memory_space<hbm>>
      tpu.wait_dma2 semaphore(%arg28 : memref<!tpu.dma_semaphore, #tpu.memory_space<semaphore_mem>>) src(%dma_wait3A_220 : memref<80xi32, #tpu.memory_space<hbm>>) dst(%arg18 : memref<80xi32, #tpu.memory_space<vmem>>)
      %lt3A_221 = arith.constant 3 : i32
      %lt3A_222 = arith.cmpi slt, %select_n3A_51, %lt3A_221 : i32
      %convert_element_type3A_223 = arith.extui %lt3A_222 : i1 to i32
      %cond3A_224 = arith.constant 0 : i32
      %cond3A_225 = arith.cmpi ne, %convert_element_type3A_223, %cond3A_224 : i32
      scf.if %cond3A_225 {
        %dma_wait3A_293 = arith.constant 0 : i32
        %dma_wait3A_294 = tpu.memref_slice %arg4[%dma_wait3A_293] : memref<320000xf32, #tpu.memory_space<hbm>> -> memref<80xf32, #tpu.memory_space<hbm>>
        %dma_wait3A_295 = arith.constant 0 : i32
        %dma_wait3A_296 = tpu.memref_slice %arg4[%dma_wait3A_295] : memref<320000xf32, #tpu.memory_space<hbm>> -> memref<80xf32, #tpu.memory_space<hbm>>
        tpu.wait_dma2 semaphore(%arg30 : memref<!tpu.dma_semaphore, #tpu.memory_space<semaphore_mem>>) src(%dma_wait3A_296 : memref<80xf32, #tpu.memory_space<hbm>>) dst(%arg20 : memref<80xf32, #tpu.memory_space<vmem>>)
      } else {
      }
      %get3A_226 = arith.constant 0 : index
      %get3A_227 = tpu.vector_load %arg18[%get3A_226] {strides = array<i32>} : memref<80xi32, #tpu.memory_space<vmem>>, vector<16xi32>,
      %lt3A_228 = arith.constant 3 : i32
      %lt3A_229 = arith.cmpi slt, %select_n3A_51, %lt3A_228 : i32
      %convert_element_type3A_230 = arith.extui %lt3A_229 : i1 to i32
      %cond3A_231 = arith.constant 0 : i32
      %cond3A_232 = arith.cmpi ne, %convert_element_type3A_230, %cond3A_231 : i32
      scf.if %cond3A_232 {
        %get3A_293 = arith.constant 0 : index
        %get3A_294 = tpu.vector_load %arg20[%get3A_293] {strides = array<i32>} : memref<80xf32, #tpu.memory_space<vmem>>, vector<16xf32>,
        tpu.vector_store_idx %arg21[%get3A_227], %get3A_294 {add = true} : memref<10000xf32, #tpu.memory_space<vmem>>[vector<16xi32>], vector<16xf32>,
      } else {
      }
      %eq3A_233 = arith.constant 3 : i32
      %eq3A_234 = arith.cmpi eq, %select_n3A_51, %eq3A_233 : i32
      %convert_element_type3A_235 = arith.extui %eq3A_234 : i1 to i32
      %cond3A_236 = arith.constant 0 : i32
      %cond3A_237 = arith.cmpi ne, %convert_element_type3A_235, %cond3A_236 : i32
      scf.if %cond3A_237 {
        tpu.vector_store_idx %arg21[%get3A_227], %broadcast_in_dim3A_113 {add = true} : memref<10000xf32, #tpu.memory_space<vmem>>[vector<16xi32>], vector<16xf32>,
      } else {
      }
      %get3A_238 = arith.constant 16 : index
      %get3A_239 = tpu.vector_load %arg18[%get3A_238] {strides = array<i32>} : memref<80xi32, #tpu.memory_space<vmem>>, vector<16xi32>,
      %lt3A_240 = arith.constant 3 : i32
      %lt3A_241 = arith.cmpi slt, %select_n3A_51, %lt3A_240 : i32
      %convert_element_type3A_242 = arith.extui %lt3A_241 : i1 to i32
      %cond3A_243 = arith.constant 0 : i32
      %cond3A_244 = arith.cmpi ne, %convert_element_type3A_242, %cond3A_243 : i32
      scf.if %cond3A_244 {
        %get3A_293 = arith.constant 16 : index
        %get3A_294 = tpu.vector_load %arg20[%get3A_293] {strides = array<i32>} : memref<80xf32, #tpu.memory_space<vmem>>, vector<16xf32>,
        tpu.vector_store_idx %arg21[%get3A_239], %get3A_294 {add = true} : memref<10000xf32, #tpu.memory_space<vmem>>[vector<16xi32>], vector<16xf32>,
      } else {
      }
      %eq3A_245 = arith.constant 3 : i32
      %eq3A_246 = arith.cmpi eq, %select_n3A_51, %eq3A_245 : i32
      %convert_element_type3A_247 = arith.extui %eq3A_246 : i1 to i32
      %cond3A_248 = arith.constant 0 : i32
      %cond3A_249 = arith.cmpi ne, %convert_element_type3A_247, %cond3A_248 : i32
      scf.if %cond3A_249 {
        tpu.vector_store_idx %arg21[%get3A_239], %broadcast_in_dim3A_113 {add = true} : memref<10000xf32, #tpu.memory_space<vmem>>[vector<16xi32>], vector<16xf32>,
      } else {
      }
      %get3A_250 = arith.constant 32 : index
      %get3A_251 = tpu.vector_load %arg18[%get3A_250] {strides = array<i32>} : memref<80xi32, #tpu.memory_space<vmem>>, vector<16xi32>,
      %lt3A_252 = arith.constant 3 : i32
      %lt3A_253 = arith.cmpi slt, %select_n3A_51, %lt3A_252 : i32
      %convert_element_type3A_254 = arith.extui %lt3A_253 : i1 to i32
      %cond3A_255 = arith.constant 0 : i32
      %cond3A_256 = arith.cmpi ne, %convert_element_type3A_254, %cond3A_255 : i32
      scf.if %cond3A_256 {
        %get3A_293 = arith.constant 32 : index
        %get3A_294 = tpu.vector_load %arg20[%get3A_293] {strides = array<i32>} : memref<80xf32, #tpu.memory_space<vmem>>, vector<16xf32>,
        tpu.vector_store_idx %arg21[%get3A_251], %get3A_294 {add = true} : memref<10000xf32, #tpu.memory_space<vmem>>[vector<16xi32>], vector<16xf32>,
      } else {
      }
      %eq3A_257 = arith.constant 3 : i32
      %eq3A_258 = arith.cmpi eq, %select_n3A_51, %eq3A_257 : i32
      %convert_element_type3A_259 = arith.extui %eq3A_258 : i1 to i32
      %cond3A_260 = arith.constant 0 : i32
      %cond3A_261 = arith.cmpi ne, %convert_element_type3A_259, %cond3A_260 : i32
      scf.if %cond3A_261 {
        tpu.vector_store_idx %arg21[%get3A_251], %broadcast_in_dim3A_113 {add = true} : memref<10000xf32, #tpu.memory_space<vmem>>[vector<16xi32>], vector<16xf32>,
      } else {
      }
      %get3A_262 = arith.constant 48 : index
      %get3A_263 = tpu.vector_load %arg18[%get3A_262] {strides = array<i32>} : memref<80xi32, #tpu.memory_space<vmem>>, vector<16xi32>,
      %lt3A_264 = arith.constant 3 : i32
      %lt3A_265 = arith.cmpi slt, %select_n3A_51, %lt3A_264 : i32
      %convert_element_type3A_266 = arith.extui %lt3A_265 : i1 to i32
      %cond3A_267 = arith.constant 0 : i32
      %cond3A_268 = arith.cmpi ne, %convert_element_type3A_266, %cond3A_267 : i32
      scf.if %cond3A_268 {
        %get3A_293 = arith.constant 48 : index
        %get3A_294 = tpu.vector_load %arg20[%get3A_293] {strides = array<i32>} : memref<80xf32, #tpu.memory_space<vmem>>, vector<16xf32>,
        tpu.vector_store_idx %arg21[%get3A_263], %get3A_294 {add = true} : memref<10000xf32, #tpu.memory_space<vmem>>[vector<16xi32>], vector<16xf32>,
      } else {
      }
      %eq3A_269 = arith.constant 3 : i32
      %eq3A_270 = arith.cmpi eq, %select_n3A_51, %eq3A_269 : i32
      %convert_element_type3A_271 = arith.extui %eq3A_270 : i1 to i32
      %cond3A_272 = arith.constant 0 : i32
      %cond3A_273 = arith.cmpi ne, %convert_element_type3A_271, %cond3A_272 : i32
      scf.if %cond3A_273 {
        tpu.vector_store_idx %arg21[%get3A_263], %broadcast_in_dim3A_113 {add = true} : memref<10000xf32, #tpu.memory_space<vmem>>[vector<16xi32>], vector<16xf32>,
      } else {
      }
      %get3A_274 = arith.constant 64 : index
      %get3A_275 = tpu.vector_load %arg18[%get3A_274] {strides = array<i32>} : memref<80xi32, #tpu.memory_space<vmem>>, vector<16xi32>,
      %lt3A_276 = arith.constant 3 : i32
      %lt3A_277 = arith.cmpi slt, %select_n3A_51, %lt3A_276 : i32
      %convert_element_type3A_278 = arith.extui %lt3A_277 : i1 to i32
      %cond3A_279 = arith.constant 0 : i32
      %cond3A_280 = arith.cmpi ne, %convert_element_type3A_278, %cond3A_279 : i32
      scf.if %cond3A_280 {
        %get3A_293 = arith.constant 64 : index
        %get3A_294 = tpu.vector_load %arg20[%get3A_293] {strides = array<i32>} : memref<80xf32, #tpu.memory_space<vmem>>, vector<16xf32>,
        tpu.vector_store_idx %arg21[%get3A_275], %get3A_294 {add = true} : memref<10000xf32, #tpu.memory_space<vmem>>[vector<16xi32>], vector<16xf32>,
      } else {
      }
      %eq3A_281 = arith.constant 3 : i32
      %eq3A_282 = arith.cmpi eq, %select_n3A_51, %eq3A_281 : i32
      %convert_element_type3A_283 = arith.extui %eq3A_282 : i1 to i32
      %cond3A_284 = arith.constant 0 : i32
      %cond3A_285 = arith.cmpi ne, %convert_element_type3A_283, %cond3A_284 : i32
      scf.if %cond3A_285 {
        tpu.vector_store_idx %arg21[%get3A_275], %broadcast_in_dim3A_113 {add = true} : memref<10000xf32, #tpu.memory_space<vmem>>[vector<16xi32>], vector<16xf32>,
      } else {
      }
      %add3A_286 = arith.constant 2 : i32
      %add3A_287 = arith.addi %add3A_216, %add3A_286 : i32
      %lt3A_288 = arith.constant 500 : i32
      %lt3A_289 = arith.cmpi slt, %add3A_287, %lt3A_288 : i32
      %convert_element_type3A_290 = arith.extui %lt3A_289 : i1 to i32
      %cond3A_291 = arith.constant 0 : i32
      %cond3A_292 = arith.cmpi ne, %convert_element_type3A_290, %cond3A_291 : i32
      scf.if %cond3A_292 {
        %add3A_293 = arith.constant 2 : i32
        %add3A_294 = arith.addi %add3A_216, %add3A_293 : i32
        %mul3A_295 = arith.constant 80 : i32
        %mul3A_296 = arith.muli %add3A_294, %mul3A_295 : i32
        %add3A_297 = arith.addi %mul3A_74, %mul3A_296 : i32
        %dma_start3A_298 = tpu.memref_slice %arg7[%add3A_297] : memref<320000xi32, #tpu.memory_space<hbm>> -> memref<80xi32, #tpu.memory_space<hbm>>
        %dma_start3A_299 = tpu.memref_slice %arg7[%add3A_297] : memref<320000xi32, #tpu.memory_space<hbm>> -> memref<80xi32, #tpu.memory_space<hbm>>
        tpu.enqueue_dma source(%dma_start3A_299 : memref<80xi32, #tpu.memory_space<hbm>>) target(%arg18 : memref<80xi32, #tpu.memory_space<vmem>>) target_semaphore(%arg28 : memref<!tpu.dma_semaphore, #tpu.memory_space<semaphore_mem>>)
        %eq3A_300 = arith.constant 0 : i32
        %eq3A_301 = arith.cmpi eq, %select_n3A_51, %eq3A_300 : i32
        %convert_element_type3A_302 = arith.extui %eq3A_301 : i1 to i32
        %cond3A_303 = arith.constant 0 : i32
        %cond3A_304 = arith.cmpi ne, %convert_element_type3A_302, %cond3A_303 : i32
        scf.if %cond3A_304 {
          %dma_start3A_315 = tpu.memref_slice %arg4[%add3A_297] : memref<320000xf32, #tpu.memory_space<hbm>> -> memref<80xf32, #tpu.memory_space<hbm>>
          %dma_start3A_316 = tpu.memref_slice %arg4[%add3A_297] : memref<320000xf32, #tpu.memory_space<hbm>> -> memref<80xf32, #tpu.memory_space<hbm>>
          tpu.enqueue_dma source(%dma_start3A_316 : memref<80xf32, #tpu.memory_space<hbm>>) target(%arg20 : memref<80xf32, #tpu.memory_space<vmem>>) target_semaphore(%arg30 : memref<!tpu.dma_semaphore, #tpu.memory_space<semaphore_mem>>)
        } else {
        }
        %eq3A_305 = arith.constant 1 : i32
        %eq3A_306 = arith.cmpi eq, %select_n3A_51, %eq3A_305 : i32
        %convert_element_type3A_307 = arith.extui %eq3A_306 : i1 to i32
        %cond3A_308 = arith.constant 0 : i32
        %cond3A_309 = arith.cmpi ne, %convert_element_type3A_307, %cond3A_308 : i32
        scf.if %cond3A_309 {
          %dma_start3A_315 = tpu.memref_slice %arg5[%add3A_297] : memref<320000xf32, #tpu.memory_space<hbm>> -> memref<80xf32, #tpu.memory_space<hbm>>
          %dma_start3A_316 = tpu.memref_slice %arg5[%add3A_297] : memref<320000xf32, #tpu.memory_space<hbm>> -> memref<80xf32, #tpu.memory_space<hbm>>
          tpu.enqueue_dma source(%dma_start3A_316 : memref<80xf32, #tpu.memory_space<hbm>>) target(%arg20 : memref<80xf32, #tpu.memory_space<vmem>>) target_semaphore(%arg30 : memref<!tpu.dma_semaphore, #tpu.memory_space<semaphore_mem>>)
        } else {
        }
        %eq3A_310 = arith.constant 2 : i32
        %eq3A_311 = arith.cmpi eq, %select_n3A_51, %eq3A_310 : i32
        %convert_element_type3A_312 = arith.extui %eq3A_311 : i1 to i32
        %cond3A_313 = arith.constant 0 : i32
        %cond3A_314 = arith.cmpi ne, %convert_element_type3A_312, %cond3A_313 : i32
        scf.if %cond3A_314 {
          %dma_start3A_315 = tpu.memref_slice %arg6[%add3A_297] : memref<320000xf32, #tpu.memory_space<hbm>> -> memref<80xf32, #tpu.memory_space<hbm>>
          %dma_start3A_316 = tpu.memref_slice %arg6[%add3A_297] : memref<320000xf32, #tpu.memory_space<hbm>> -> memref<80xf32, #tpu.memory_space<hbm>>
          tpu.enqueue_dma source(%dma_start3A_316 : memref<80xf32, #tpu.memory_space<hbm>>) target(%arg20 : memref<80xf32, #tpu.memory_space<vmem>>) target_semaphore(%arg30 : memref<!tpu.dma_semaphore, #tpu.memory_space<semaphore_mem>>)
        } else {
        }
      } else {
      }
    }
    %scan3A_119 = arith.constant 250 : i32
    %barrier3A_120 = arith.constant 0 : index
    tpu.barrier barrier_id(%barrier3A_120)
    %mul3A_121 = arith.constant 8 : i32
    %mul3A_122 = arith.muli %select_n3A_51, %mul3A_121 : i32
    %add3A_123 = arith.addi %mul3A_122, %select_n3A_72 : i32
    "tpu.region"() ({
      %run_scoped3A = tpu.sem_alloc : memref<!tpu.dma_semaphore, #tpu.memory_space<semaphore_mem>>
      %dma_start3A_134 = arith.constant 0 : i32
      %dma_start3A_135 = tpu.memref_slice %arg12[%add3A_123, %dma_start3A_134] : memref<32x10000xf32, #tpu.memory_space<hbm>> -> memref<1x10000xf32, #tpu.memory_space<hbm>>
      %dma_start3A_136 = tpu.memref_squeeze %dma_start3A_135 : memref<1x10000xf32, #tpu.memory_space<hbm>> -> memref<10000xf32, #tpu.memory_space<hbm>>
      %dma_start3A_137 = arith.constant 0 : i32
      %dma_start3A_138 = tpu.memref_slice %arg12[%add3A_123, %dma_start3A_137] : memref<32x10000xf32, #tpu.memory_space<hbm>> -> memref<1x10000xf32, #tpu.memory_space<hbm>>
      %dma_start3A_139 = tpu.memref_squeeze %dma_start3A_138 : memref<1x10000xf32, #tpu.memory_space<hbm>> -> memref<10000xf32, #tpu.memory_space<hbm>>
      tpu.enqueue_dma source(%arg21 : memref<10000xf32, #tpu.memory_space<vmem>>) target(%dma_start3A_139 : memref<10000xf32, #tpu.memory_space<hbm>>) target_semaphore(%run_scoped3A : memref<!tpu.dma_semaphore, #tpu.memory_space<semaphore_mem>>)
      %dma_wait3A = arith.constant 0 : i32
      %dma_wait3A_140 = tpu.memref_slice %arg12[%add3A_123, %dma_wait3A] : memref<32x10000xf32, #tpu.memory_space<hbm>> -> memref<1x10000xf32, #tpu.memory_space<hbm>>
      %dma_wait3A_141 = tpu.memref_squeeze %dma_wait3A_140 : memref<1x10000xf32, #tpu.memory_space<hbm>> -> memref<10000xf32, #tpu.memory_space<hbm>>
      %dma_wait3A_142 = arith.constant 0 : i32
      %dma_wait3A_143 = tpu.memref_slice %arg12[%add3A_123, %dma_wait3A_142] : memref<32x10000xf32, #tpu.memory_space<hbm>> -> memref<1x10000xf32, #tpu.memory_space<hbm>>
      %dma_wait3A_144 = tpu.memref_squeeze %dma_wait3A_143 : memref<1x10000xf32, #tpu.memory_space<hbm>> -> memref<10000xf32, #tpu.memory_space<hbm>>
      tpu.wait_dma2 semaphore(%run_scoped3A : memref<!tpu.dma_semaphore, #tpu.memory_space<semaphore_mem>>) src(%arg21 : memref<10000xf32, #tpu.memory_space<vmem>>) dst(%dma_wait3A_144 : memref<10000xf32, #tpu.memory_space<hbm>>)
      tpu.yield
    }) : () -> ()
    %eq3A_124 = arith.constant 0 : i32
    %eq3A_125 = arith.cmpi eq, %arg0, %eq3A_124 : i32
    %convert_element_type3A_126 = arith.extui %eq3A_125 : i1 to i32
    %cond3A_127 = arith.constant 0 : i32
    %cond3A_128 = arith.cmpi ne, %convert_element_type3A_126, %cond3A_127 : i32
    scf.if %cond3A_128 {
      %lt3A_134 = arith.constant 15 : i32
      %lt3A_135 = arith.cmpi slt, %arg1, %lt3A_134 : i32
      %convert_element_type3A_136 = arith.extui %lt3A_135 : i1 to i32
      %cond3A_137 = arith.constant 0 : i32
      %cond3A_138 = arith.cmpi ne, %convert_element_type3A_136, %cond3A_137 : i32
      scf.if %cond3A_138 {
        %mul3A_144 = arith.constant 624 : i32
        %mul3A_145 = arith.muli %arg1, %mul3A_144 : i32
        "tpu.region"() ({
          %run_scoped3A = tpu.sem_alloc : memref<!tpu.dma_semaphore, #tpu.memory_space<semaphore_mem>>
          %dma_start3A_146 = arith.constant 0 : i32
          %dma_start3A_147 = tpu.memref_slice %arg10[%mul3A_145, %dma_start3A_146] : memref<10000x128xf32, #tpu.memory_space<hbm>> -> memref<624x128xf32, #tpu.memory_space<hbm>>
          %dma_start3A_148 = arith.constant 0 : i32
          %dma_start3A_149 = tpu.memref_slice %arg22[%mul3A_145, %dma_start3A_148] : memref<10000x128xf32, #tpu.memory_space<vmem_shared>> -> memref<624x128xf32, #tpu.memory_space<vmem_shared>>
          tpu.enqueue_dma source(%dma_start3A_149 : memref<624x128xf32, #tpu.memory_space<vmem_shared>>) target(%dma_start3A_147 : memref<624x128xf32, #tpu.memory_space<hbm>>) target_semaphore(%run_scoped3A : memref<!tpu.dma_semaphore, #tpu.memory_space<semaphore_mem>>)
          %dma_wait3A = arith.constant 0 : i32
          %dma_wait3A_150 = tpu.memref_slice %arg10[%mul3A_145, %dma_wait3A] : memref<10000x128xf32, #tpu.memory_space<hbm>> -> memref<624x128xf32, #tpu.memory_space<hbm>>
          %dma_wait3A_151 = arith.constant 0 : i32
          %dma_wait3A_152 = tpu.memref_slice %arg22[%mul3A_145, %dma_wait3A_151] : memref<10000x128xf32, #tpu.memory_space<vmem_shared>> -> memref<624x128xf32, #tpu.memory_space<vmem_shared>>
          tpu.wait_dma2 semaphore(%run_scoped3A : memref<!tpu.dma_semaphore, #tpu.memory_space<semaphore_mem>>) src(%dma_wait3A_152 : memref<624x128xf32, #tpu.memory_space<vmem_shared>>) dst(%dma_wait3A_150 : memref<624x128xf32, #tpu.memory_space<hbm>>)
          tpu.yield
        }) : () -> ()
      } else {
      }
      %eq3A_139 = arith.constant 15 : i32
      %eq3A_140 = arith.cmpi eq, %arg1, %eq3A_139 : i32
      %convert_element_type3A_141 = arith.extui %eq3A_140 : i1 to i32
      %cond3A_142 = arith.constant 0 : i32
      %cond3A_143 = arith.cmpi ne, %convert_element_type3A_141, %cond3A_142 : i32
      scf.if %cond3A_143 {
        "tpu.region"() ({
          %run_scoped3A = tpu.sem_alloc : memref<!tpu.dma_semaphore, #tpu.memory_space<semaphore_mem>>
          %dma_start3A_144 = arith.constant 9360 : i32
          %dma_start3A_145 = arith.constant 0 : i32
          %dma_start3A_146 = tpu.memref_slice %arg10[%dma_start3A_144, %dma_start3A_145] : memref<10000x128xf32, #tpu.memory_space<hbm>> -> memref<640x128xf32, #tpu.memory_space<hbm>>
          %dma_start3A_147 = arith.constant 9360 : i32
          %dma_start3A_148 = arith.constant 0 : i32
          %dma_start3A_149 = tpu.memref_slice %arg22[%dma_start3A_147, %dma_start3A_148] : memref<10000x128xf32, #tpu.memory_space<vmem_shared>> -> memref<640x128xf32, #tpu.memory_space<vmem_shared>>
          tpu.enqueue_dma source(%dma_start3A_149 : memref<640x128xf32, #tpu.memory_space<vmem_shared>>) target(%dma_start3A_146 : memref<640x128xf32, #tpu.memory_space<hbm>>) target_semaphore(%run_scoped3A : memref<!tpu.dma_semaphore, #tpu.memory_space<semaphore_mem>>)
          %dma_wait3A = arith.constant 9360 : i32
          %dma_wait3A_150 = arith.constant 0 : i32
          %dma_wait3A_151 = tpu.memref_slice %arg10[%dma_wait3A, %dma_wait3A_150] : memref<10000x128xf32, #tpu.memory_space<hbm>> -> memref<640x128xf32, #tpu.memory_space<hbm>>
          %dma_wait3A_152 = arith.constant 9360 : i32
          %dma_wait3A_153 = arith.constant 0 : i32
          %dma_wait3A_154 = tpu.memref_slice %arg22[%dma_wait3A_152, %dma_wait3A_153] : memref<10000x128xf32, #tpu.memory_space<vmem_shared>> -> memref<640x128xf32, #tpu.memory_space<vmem_shared>>
          tpu.wait_dma2 semaphore(%run_scoped3A : memref<!tpu.dma_semaphore, #tpu.memory_space<semaphore_mem>>) src(%dma_wait3A_154 : memref<640x128xf32, #tpu.memory_space<vmem_shared>>) dst(%dma_wait3A_151 : memref<640x128xf32, #tpu.memory_space<hbm>>)
          tpu.yield
        }) : () -> ()
      } else {
      }
    } else {
    }
    %eq3A_129 = arith.constant 1 : i32
    %eq3A_130 = arith.cmpi eq, %arg0, %eq3A_129 : i32
    %convert_element_type3A_131 = arith.extui %eq3A_130 : i1 to i32
    %cond3A_132 = arith.constant 0 : i32
    %cond3A_133 = arith.cmpi ne, %convert_element_type3A_131, %cond3A_132 : i32
    scf.if %cond3A_133 {
      %lt3A_134 = arith.constant 15 : i32
      %lt3A_135 = arith.cmpi slt, %arg1, %lt3A_134 : i32
      %convert_element_type3A_136 = arith.extui %lt3A_135 : i1 to i32
      %cond3A_137 = arith.constant 0 : i32
      %cond3A_138 = arith.cmpi ne, %convert_element_type3A_136, %cond3A_137 : i32
      scf.if %cond3A_138 {
        %mul3A_144 = arith.constant 624 : i32
        %mul3A_145 = arith.muli %arg1, %mul3A_144 : i32
        "tpu.region"() ({
          %run_scoped3A = tpu.sem_alloc : memref<!tpu.dma_semaphore, #tpu.memory_space<semaphore_mem>>
          %dma_start3A_146 = arith.constant 0 : i32
          %dma_start3A_147 = tpu.memref_slice %arg11[%mul3A_145, %dma_start3A_146] : memref<10000x128xf32, #tpu.memory_space<hbm>> -> memref<624x128xf32, #tpu.memory_space<hbm>>
          %dma_start3A_148 = arith.constant 0 : i32
          %dma_start3A_149 = tpu.memref_slice %arg22[%mul3A_145, %dma_start3A_148] : memref<10000x128xf32, #tpu.memory_space<vmem_shared>> -> memref<624x128xf32, #tpu.memory_space<vmem_shared>>
          tpu.enqueue_dma source(%dma_start3A_149 : memref<624x128xf32, #tpu.memory_space<vmem_shared>>) target(%dma_start3A_147 : memref<624x128xf32, #tpu.memory_space<hbm>>) target_semaphore(%run_scoped3A : memref<!tpu.dma_semaphore, #tpu.memory_space<semaphore_mem>>)
          %dma_wait3A = arith.constant 0 : i32
          %dma_wait3A_150 = tpu.memref_slice %arg11[%mul3A_145, %dma_wait3A] : memref<10000x128xf32, #tpu.memory_space<hbm>> -> memref<624x128xf32, #tpu.memory_space<hbm>>
          %dma_wait3A_151 = arith.constant 0 : i32
          %dma_wait3A_152 = tpu.memref_slice %arg22[%mul3A_145, %dma_wait3A_151] : memref<10000x128xf32, #tpu.memory_space<vmem_shared>> -> memref<624x128xf32, #tpu.memory_space<vmem_shared>>
          tpu.wait_dma2 semaphore(%run_scoped3A : memref<!tpu.dma_semaphore, #tpu.memory_space<semaphore_mem>>) src(%dma_wait3A_152 : memref<624x128xf32, #tpu.memory_space<vmem_shared>>) dst(%dma_wait3A_150 : memref<624x128xf32, #tpu.memory_space<hbm>>)
          tpu.yield
        }) : () -> ()
      } else {
      }
      %eq3A_139 = arith.constant 15 : i32
      %eq3A_140 = arith.cmpi eq, %arg1, %eq3A_139 : i32
      %convert_element_type3A_141 = arith.extui %eq3A_140 : i1 to i32
      %cond3A_142 = arith.constant 0 : i32
      %cond3A_143 = arith.cmpi ne, %convert_element_type3A_141, %cond3A_142 : i32
      scf.if %cond3A_143 {
        "tpu.region"() ({
          %run_scoped3A = tpu.sem_alloc : memref<!tpu.dma_semaphore, #tpu.memory_space<semaphore_mem>>
          %dma_start3A_144 = arith.constant 9360 : i32
          %dma_start3A_145 = arith.constant 0 : i32
          %dma_start3A_146 = tpu.memref_slice %arg11[%dma_start3A_144, %dma_start3A_145] : memref<10000x128xf32, #tpu.memory_space<hbm>> -> memref<640x128xf32, #tpu.memory_space<hbm>>
          %dma_start3A_147 = arith.constant 9360 : i32
          %dma_start3A_148 = arith.constant 0 : i32
          %dma_start3A_149 = tpu.memref_slice %arg22[%dma_start3A_147, %dma_start3A_148] : memref<10000x128xf32, #tpu.memory_space<vmem_shared>> -> memref<640x128xf32, #tpu.memory_space<vmem_shared>>
          tpu.enqueue_dma source(%dma_start3A_149 : memref<640x128xf32, #tpu.memory_space<vmem_shared>>) target(%dma_start3A_146 : memref<640x128xf32, #tpu.memory_space<hbm>>) target_semaphore(%run_scoped3A : memref<!tpu.dma_semaphore, #tpu.memory_space<semaphore_mem>>)
          %dma_wait3A = arith.constant 9360 : i32
          %dma_wait3A_150 = arith.constant 0 : i32
          %dma_wait3A_151 = tpu.memref_slice %arg11[%dma_wait3A, %dma_wait3A_150] : memref<10000x128xf32, #tpu.memory_space<hbm>> -> memref<640x128xf32, #tpu.memory_space<hbm>>
          %dma_wait3A_152 = arith.constant 9360 : i32
          %dma_wait3A_153 = arith.constant 0 : i32
          %dma_wait3A_154 = tpu.memref_slice %arg22[%dma_wait3A_152, %dma_wait3A_153] : memref<10000x128xf32, #tpu.memory_space<vmem_shared>> -> memref<640x128xf32, #tpu.memory_space<vmem_shared>>
          tpu.wait_dma2 semaphore(%run_scoped3A : memref<!tpu.dma_semaphore, #tpu.memory_space<semaphore_mem>>) src(%dma_wait3A_154 : memref<640x128xf32, #tpu.memory_space<vmem_shared>>) dst(%dma_wait3A_151 : memref<640x128xf32, #tpu.memory_space<hbm>>)
          tpu.yield
        }) : () -> ()
      } else {
      }
    } else {
    }
    return
  }
}

#map = affine_map<(d0, d1) -> (0, 0)>
#map1 = affine_map<(d0, d1) -> (0)>
module attributes {stable_mosaic.version = 14 : i64} {
  func.func @gk(%arg0: i32, %arg1: i32, %arg2: memref<10000x128xf32, #tpu.memory_space<hbm>>, %arg3: memref<10000xf32, #tpu.memory_space<hbm>>, %arg4: memref<10000xf32, #tpu.memory_space<hbm>>, %arg5: memref<10000xf32, #tpu.memory_space<hbm>>, %arg6: memref<320000xi32, #tpu.memory_space<hbm>>, %arg7: memref<320000xi32, #tpu.memory_space<hbm>>, %arg8: memref<320000x128xf32, #tpu.memory_space<hbm>>, %arg9: memref<320000x128xf32, #tpu.memory_space<hbm>>, %arg10: memref<320000xf32, #tpu.memory_space<hbm>>, %arg11: memref<320000xf32, #tpu.memory_space<hbm>>, %arg12: memref<320000xf32, #tpu.memory_space<hbm>>, %arg13: memref<320000xf32, #tpu.memory_space<hbm>>, %arg14: memref<80xi32, #tpu.memory_space<vmem>>, %arg15: memref<80xi32, #tpu.memory_space<vmem>>, %arg16: memref<80xi32, #tpu.memory_space<vmem>>, %arg17: memref<80xi32, #tpu.memory_space<vmem>>, %arg18: memref<80x128xf32, #tpu.memory_space<vmem>>, %arg19: memref<80x128xf32, #tpu.memory_space<vmem>>, %arg20: memref<80x128xf32, #tpu.memory_space<vmem>>, %arg21: memref<80x128xf32, #tpu.memory_space<vmem>>, %arg22: memref<10000xf32, #tpu.memory_space<vmem>>, %arg23: memref<10000xf32, #tpu.memory_space<vmem>>, %arg24: memref<10000xf32, #tpu.memory_space<vmem>>, %arg25: memref<80xf32, #tpu.memory_space<vmem>>, %arg26: memref<80xf32, #tpu.memory_space<vmem>>, %arg27: memref<80xf32, #tpu.memory_space<vmem>>, %arg28: memref<80xf32, #tpu.memory_space<vmem>>, %arg29: memref<80xf32, #tpu.memory_space<vmem>>, %arg30: memref<80xf32, #tpu.memory_space<vmem>>, %arg31: memref<80xf32, #tpu.memory_space<vmem>>, %arg32: memref<80xf32, #tpu.memory_space<vmem>>, %arg33: memref<!tpu.dma_semaphore, #tpu.memory_space<semaphore_mem>>, %arg34: memref<!tpu.dma_semaphore, #tpu.memory_space<semaphore_mem>>, %arg35: memref<!tpu.dma_semaphore, #tpu.memory_space<semaphore_mem>>, %arg36: memref<!tpu.dma_semaphore, #tpu.memory_space<semaphore_mem>>, %arg37: memref<!tpu.dma_semaphore, #tpu.memory_space<semaphore_mem>>, %arg38: memref<!tpu.dma_semaphore, #tpu.memory_space<semaphore_mem>>) attributes {dimension_semantics = [#tpu.dimension_semantics<core_parallel>, #tpu.dimension_semantics<subcore_parallel>], iteration_bounds = array<i64: 2, 16>, scalar_prefetch = 0 : i64, scratch_operands = 25 : i64, tpu.core_type = #tpu.core_type<sc_vector_subcore>, window_params = [{transform_indices = #map}, {transform_indices = #map1}, {transform_indices = #map1}, {transform_indices = #map1}, {transform_indices = #map1}, {transform_indices = #map1}, {transform_indices = #map}, {transform_indices = #map}, {transform_indices = #map1}, {transform_indices = #map1}, {transform_indices = #map1}, {transform_indices = #map1}]} {
    %mul3A = arith.constant 2 : i32
    %mul3A_0 = arith.muli %arg1, %mul3A : i32
    %add3A = arith.addi %mul3A_0, %arg0 : i32
    %mul3A_1 = arith.constant 10000 : i32
    %mul3A_2 = arith.muli %add3A, %mul3A_1 : i32
    "tpu.region"() ({
      %run_scoped3A = tpu.sem_alloc : memref<!tpu.dma_semaphore, #tpu.memory_space<semaphore_mem>>
      tpu.enqueue_dma source(%arg3 : memref<10000xf32, #tpu.memory_space<hbm>>) target(%arg22 : memref<10000xf32, #tpu.memory_space<vmem>>) target_semaphore(%run_scoped3A : memref<!tpu.dma_semaphore, #tpu.memory_space<semaphore_mem>>)
      tpu.wait_dma2 semaphore(%run_scoped3A : memref<!tpu.dma_semaphore, #tpu.memory_space<semaphore_mem>>) src(%arg3 : memref<10000xf32, #tpu.memory_space<hbm>>) dst(%arg22 : memref<10000xf32, #tpu.memory_space<vmem>>)
      tpu.yield
    }) : () -> ()
    "tpu.region"() ({
      %run_scoped3A = tpu.sem_alloc : memref<!tpu.dma_semaphore, #tpu.memory_space<semaphore_mem>>
      tpu.enqueue_dma source(%arg4 : memref<10000xf32, #tpu.memory_space<hbm>>) target(%arg23 : memref<10000xf32, #tpu.memory_space<vmem>>) target_semaphore(%run_scoped3A : memref<!tpu.dma_semaphore, #tpu.memory_space<semaphore_mem>>)
      tpu.wait_dma2 semaphore(%run_scoped3A : memref<!tpu.dma_semaphore, #tpu.memory_space<semaphore_mem>>) src(%arg4 : memref<10000xf32, #tpu.memory_space<hbm>>) dst(%arg23 : memref<10000xf32, #tpu.memory_space<vmem>>)
      tpu.yield
    }) : () -> ()
    "tpu.region"() ({
      %run_scoped3A = tpu.sem_alloc : memref<!tpu.dma_semaphore, #tpu.memory_space<semaphore_mem>>
      tpu.enqueue_dma source(%arg5 : memref<10000xf32, #tpu.memory_space<hbm>>) target(%arg24 : memref<10000xf32, #tpu.memory_space<vmem>>) target_semaphore(%run_scoped3A : memref<!tpu.dma_semaphore, #tpu.memory_space<semaphore_mem>>)
      tpu.wait_dma2 semaphore(%run_scoped3A : memref<!tpu.dma_semaphore, #tpu.memory_space<semaphore_mem>>) src(%arg5 : memref<10000xf32, #tpu.memory_space<hbm>>) dst(%arg24 : memref<10000xf32, #tpu.memory_space<vmem>>)
      tpu.yield
    }) : () -> ()
    %scan3A = arith.constant 0 : i32
    %scan3A_3 = arith.constant 0 : i32
    %scan3A_4 = arith.constant 125 : i32
    %scan3A_5 = arith.addi %scan3A_3, %scan3A_4 : i32
    %scan3A_6 = arith.constant 1 : i32
    scf.for %scan3A_8 = %scan3A_3 to %scan3A_5 step %scan3A_6  : i32 {
      %mul3A_9 = arith.constant 80 : i32
      %mul3A_10 = arith.muli %scan3A_8, %mul3A_9 : i32
      %add3A_11 = arith.addi %mul3A_2, %mul3A_10 : i32
      "tpu.region"() ({
        %run_scoped3A = tpu.sem_alloc : memref<!tpu.dma_semaphore, #tpu.memory_space<semaphore_mem>>
        %dma_start3A_148 = tpu.memref_slice %arg6[%add3A_11] : memref<320000xi32, #tpu.memory_space<hbm>> -> memref<80xi32, #tpu.memory_space<hbm>>
        %dma_start3A_149 = tpu.memref_slice %arg6[%add3A_11] : memref<320000xi32, #tpu.memory_space<hbm>> -> memref<80xi32, #tpu.memory_space<hbm>>
        tpu.enqueue_dma source(%dma_start3A_149 : memref<80xi32, #tpu.memory_space<hbm>>) target(%arg14 : memref<80xi32, #tpu.memory_space<vmem>>) target_semaphore(%run_scoped3A : memref<!tpu.dma_semaphore, #tpu.memory_space<semaphore_mem>>)
        %dma_wait3A_150 = tpu.memref_slice %arg6[%add3A_11] : memref<320000xi32, #tpu.memory_space<hbm>> -> memref<80xi32, #tpu.memory_space<hbm>>
        %dma_wait3A_151 = tpu.memref_slice %arg6[%add3A_11] : memref<320000xi32, #tpu.memory_space<hbm>> -> memref<80xi32, #tpu.memory_space<hbm>>
        tpu.wait_dma2 semaphore(%run_scoped3A : memref<!tpu.dma_semaphore, #tpu.memory_space<semaphore_mem>>) src(%dma_wait3A_151 : memref<80xi32, #tpu.memory_space<hbm>>) dst(%arg14 : memref<80xi32, #tpu.memory_space<vmem>>)
        tpu.yield
      }) : () -> ()
      "tpu.region"() ({
        %run_scoped3A = tpu.sem_alloc : memref<!tpu.dma_semaphore, #tpu.memory_space<semaphore_mem>>
        %dma_start3A_148 = tpu.memref_slice %arg7[%add3A_11] : memref<320000xi32, #tpu.memory_space<hbm>> -> memref<80xi32, #tpu.memory_space<hbm>>
        %dma_start3A_149 = tpu.memref_slice %arg7[%add3A_11] : memref<320000xi32, #tpu.memory_space<hbm>> -> memref<80xi32, #tpu.memory_space<hbm>>
        tpu.enqueue_dma source(%dma_start3A_149 : memref<80xi32, #tpu.memory_space<hbm>>) target(%arg16 : memref<80xi32, #tpu.memory_space<vmem>>) target_semaphore(%run_scoped3A : memref<!tpu.dma_semaphore, #tpu.memory_space<semaphore_mem>>)
        %dma_wait3A_150 = tpu.memref_slice %arg7[%add3A_11] : memref<320000xi32, #tpu.memory_space<hbm>> -> memref<80xi32, #tpu.memory_space<hbm>>
        %dma_wait3A_151 = tpu.memref_slice %arg7[%add3A_11] : memref<320000xi32, #tpu.memory_space<hbm>> -> memref<80xi32, #tpu.memory_space<hbm>>
        tpu.wait_dma2 semaphore(%run_scoped3A : memref<!tpu.dma_semaphore, #tpu.memory_space<semaphore_mem>>) src(%dma_wait3A_151 : memref<80xi32, #tpu.memory_space<hbm>>) dst(%arg16 : memref<80xi32, #tpu.memory_space<vmem>>)
        tpu.yield
      }) : () -> ()
      %dma_start3A = arith.constant 0 : i32
      %dma_start3A_12 = arith.constant 0 : i32
      %dma_start3A_13 = tpu.memref_slice %arg2[%dma_start3A, %dma_start3A_12] : memref<10000x128xf32, #tpu.memory_space<hbm>> -> memref<10000x128xf32, #tpu.memory_space<hbm>>
      tpu.enqueue_indirect_dma source(%dma_start3A_13 : memref<10000x128xf32, #tpu.memory_space<hbm>>) target(%arg18 : memref<80x128xf32, #tpu.memory_space<vmem>>) offsets(%arg14 : memref<80xi32, #tpu.memory_space<vmem>>) semaphore(%arg35 : memref<!tpu.dma_semaphore, #tpu.memory_space<semaphore_mem>>)
      %dma_start3A_14 = arith.constant 0 : i32
      %dma_start3A_15 = arith.constant 0 : i32
      %dma_start3A_16 = tpu.memref_slice %arg2[%dma_start3A_14, %dma_start3A_15] : memref<10000x128xf32, #tpu.memory_space<hbm>> -> memref<10000x128xf32, #tpu.memory_space<hbm>>
      tpu.enqueue_indirect_dma source(%dma_start3A_16 : memref<10000x128xf32, #tpu.memory_space<hbm>>) target(%arg20 : memref<80x128xf32, #tpu.memory_space<vmem>>) offsets(%arg16 : memref<80xi32, #tpu.memory_space<vmem>>) semaphore(%arg36 : memref<!tpu.dma_semaphore, #tpu.memory_space<semaphore_mem>>)
      %get3A = arith.constant 0 : index
      %get3A_17 = tpu.vector_load %arg14[%get3A] {strides = array<i32>} : memref<80xi32, #tpu.memory_space<vmem>>, vector<16xi32>,
      %get3A_18 = arith.constant 0 : index
      %get3A_19 = tpu.vector_load %arg16[%get3A_18] {strides = array<i32>} : memref<80xi32, #tpu.memory_space<vmem>>, vector<16xi32>,
      %gather3A = tpu.vector_load_idx %arg22[%get3A_17] : memref<10000xf32, #tpu.memory_space<vmem>>[vector<16xi32>], vector<16xf32>,
      %gather3A_20 = tpu.vector_load_idx %arg22[%get3A_19] : memref<10000xf32, #tpu.memory_space<vmem>>[vector<16xi32>], vector<16xf32>,
      %sub3A = arith.subf %gather3A, %gather3A_20 : vector<16xf32>
      %gather3A_21 = tpu.vector_load_idx %arg23[%get3A_17] : memref<10000xf32, #tpu.memory_space<vmem>>[vector<16xi32>], vector<16xf32>,
      %gather3A_22 = tpu.vector_load_idx %arg23[%get3A_19] : memref<10000xf32, #tpu.memory_space<vmem>>[vector<16xi32>], vector<16xf32>,
      %sub3A_23 = arith.subf %gather3A_21, %gather3A_22 : vector<16xf32>
      %gather3A_24 = tpu.vector_load_idx %arg24[%get3A_17] : memref<10000xf32, #tpu.memory_space<vmem>>[vector<16xi32>], vector<16xf32>,
      %gather3A_25 = tpu.vector_load_idx %arg24[%get3A_19] : memref<10000xf32, #tpu.memory_space<vmem>>[vector<16xi32>], vector<16xf32>,
      %sub3A_26 = arith.subf %gather3A_24, %gather3A_25 : vector<16xf32>
      %swap3A = arith.constant 0 : index
      %swap3A_27 = tpu.vector_load %arg25[%swap3A] {strides = array<i32>} : memref<80xf32, #tpu.memory_space<vmem>>, vector<16xf32>,
      tpu.vector_store %arg25[%swap3A], %sub3A {strides = array<i32>} : memref<80xf32, #tpu.memory_space<vmem>>, vector<16xf32>,
      %swap3A_28 = arith.constant 0 : index
      %swap3A_29 = tpu.vector_load %arg27[%swap3A_28] {strides = array<i32>} : memref<80xf32, #tpu.memory_space<vmem>>, vector<16xf32>,
      tpu.vector_store %arg27[%swap3A_28], %sub3A_23 {strides = array<i32>} : memref<80xf32, #tpu.memory_space<vmem>>, vector<16xf32>,
      %swap3A_30 = arith.constant 0 : index
      %swap3A_31 = tpu.vector_load %arg29[%swap3A_30] {strides = array<i32>} : memref<80xf32, #tpu.memory_space<vmem>>, vector<16xf32>,
      tpu.vector_store %arg29[%swap3A_30], %sub3A_26 {strides = array<i32>} : memref<80xf32, #tpu.memory_space<vmem>>, vector<16xf32>,
      %mul3A_32 = arith.mulf %sub3A, %sub3A : vector<16xf32>
      %mul3A_33 = arith.mulf %sub3A_23, %sub3A_23 : vector<16xf32>
      %add3A_34 = arith.addf %mul3A_32, %mul3A_33 : vector<16xf32>
      %mul3A_35 = arith.mulf %sub3A_26, %sub3A_26 : vector<16xf32>
      %add3A_36 = arith.addf %add3A_34, %mul3A_35 : vector<16xf32>
      %swap3A_37 = arith.constant 0 : index
      %swap3A_38 = tpu.vector_load %arg31[%swap3A_37] {strides = array<i32>} : memref<80xf32, #tpu.memory_space<vmem>>, vector<16xf32>,
      tpu.vector_store %arg31[%swap3A_37], %add3A_36 {strides = array<i32>} : memref<80xf32, #tpu.memory_space<vmem>>, vector<16xf32>,
      %get3A_39 = arith.constant 16 : index
      %get3A_40 = tpu.vector_load %arg14[%get3A_39] {strides = array<i32>} : memref<80xi32, #tpu.memory_space<vmem>>, vector<16xi32>,
      %get3A_41 = arith.constant 16 : index
      %get3A_42 = tpu.vector_load %arg16[%get3A_41] {strides = array<i32>} : memref<80xi32, #tpu.memory_space<vmem>>, vector<16xi32>,
      %gather3A_43 = tpu.vector_load_idx %arg22[%get3A_40] : memref<10000xf32, #tpu.memory_space<vmem>>[vector<16xi32>], vector<16xf32>,
      %gather3A_44 = tpu.vector_load_idx %arg22[%get3A_42] : memref<10000xf32, #tpu.memory_space<vmem>>[vector<16xi32>], vector<16xf32>,
      %sub3A_45 = arith.subf %gather3A_43, %gather3A_44 : vector<16xf32>
      %gather3A_46 = tpu.vector_load_idx %arg23[%get3A_40] : memref<10000xf32, #tpu.memory_space<vmem>>[vector<16xi32>], vector<16xf32>,
      %gather3A_47 = tpu.vector_load_idx %arg23[%get3A_42] : memref<10000xf32, #tpu.memory_space<vmem>>[vector<16xi32>], vector<16xf32>,
      %sub3A_48 = arith.subf %gather3A_46, %gather3A_47 : vector<16xf32>
      %gather3A_49 = tpu.vector_load_idx %arg24[%get3A_40] : memref<10000xf32, #tpu.memory_space<vmem>>[vector<16xi32>], vector<16xf32>,
      %gather3A_50 = tpu.vector_load_idx %arg24[%get3A_42] : memref<10000xf32, #tpu.memory_space<vmem>>[vector<16xi32>], vector<16xf32>,
      %sub3A_51 = arith.subf %gather3A_49, %gather3A_50 : vector<16xf32>
      %swap3A_52 = arith.constant 16 : index
      %swap3A_53 = tpu.vector_load %arg25[%swap3A_52] {strides = array<i32>} : memref<80xf32, #tpu.memory_space<vmem>>, vector<16xf32>,
      tpu.vector_store %arg25[%swap3A_52], %sub3A_45 {strides = array<i32>} : memref<80xf32, #tpu.memory_space<vmem>>, vector<16xf32>,
      %swap3A_54 = arith.constant 16 : index
      %swap3A_55 = tpu.vector_load %arg27[%swap3A_54] {strides = array<i32>} : memref<80xf32, #tpu.memory_space<vmem>>, vector<16xf32>,
      tpu.vector_store %arg27[%swap3A_54], %sub3A_48 {strides = array<i32>} : memref<80xf32, #tpu.memory_space<vmem>>, vector<16xf32>,
      %swap3A_56 = arith.constant 16 : index
      %swap3A_57 = tpu.vector_load %arg29[%swap3A_56] {strides = array<i32>} : memref<80xf32, #tpu.memory_space<vmem>>, vector<16xf32>,
      tpu.vector_store %arg29[%swap3A_56], %sub3A_51 {strides = array<i32>} : memref<80xf32, #tpu.memory_space<vmem>>, vector<16xf32>,
      %mul3A_58 = arith.mulf %sub3A_45, %sub3A_45 : vector<16xf32>
      %mul3A_59 = arith.mulf %sub3A_48, %sub3A_48 : vector<16xf32>
      %add3A_60 = arith.addf %mul3A_58, %mul3A_59 : vector<16xf32>
      %mul3A_61 = arith.mulf %sub3A_51, %sub3A_51 : vector<16xf32>
      %add3A_62 = arith.addf %add3A_60, %mul3A_61 : vector<16xf32>
      %swap3A_63 = arith.constant 16 : index
      %swap3A_64 = tpu.vector_load %arg31[%swap3A_63] {strides = array<i32>} : memref<80xf32, #tpu.memory_space<vmem>>, vector<16xf32>,
      tpu.vector_store %arg31[%swap3A_63], %add3A_62 {strides = array<i32>} : memref<80xf32, #tpu.memory_space<vmem>>, vector<16xf32>,
      %get3A_65 = arith.constant 32 : index
      %get3A_66 = tpu.vector_load %arg14[%get3A_65] {strides = array<i32>} : memref<80xi32, #tpu.memory_space<vmem>>, vector<16xi32>,
      %get3A_67 = arith.constant 32 : index
      %get3A_68 = tpu.vector_load %arg16[%get3A_67] {strides = array<i32>} : memref<80xi32, #tpu.memory_space<vmem>>, vector<16xi32>,
      %gather3A_69 = tpu.vector_load_idx %arg22[%get3A_66] : memref<10000xf32, #tpu.memory_space<vmem>>[vector<16xi32>], vector<16xf32>,
      %gather3A_70 = tpu.vector_load_idx %arg22[%get3A_68] : memref<10000xf32, #tpu.memory_space<vmem>>[vector<16xi32>], vector<16xf32>,
      %sub3A_71 = arith.subf %gather3A_69, %gather3A_70 : vector<16xf32>
      %gather3A_72 = tpu.vector_load_idx %arg23[%get3A_66] : memref<10000xf32, #tpu.memory_space<vmem>>[vector<16xi32>], vector<16xf32>,
      %gather3A_73 = tpu.vector_load_idx %arg23[%get3A_68] : memref<10000xf32, #tpu.memory_space<vmem>>[vector<16xi32>], vector<16xf32>,
      %sub3A_74 = arith.subf %gather3A_72, %gather3A_73 : vector<16xf32>
      %gather3A_75 = tpu.vector_load_idx %arg24[%get3A_66] : memref<10000xf32, #tpu.memory_space<vmem>>[vector<16xi32>], vector<16xf32>,
      %gather3A_76 = tpu.vector_load_idx %arg24[%get3A_68] : memref<10000xf32, #tpu.memory_space<vmem>>[vector<16xi32>], vector<16xf32>,
      %sub3A_77 = arith.subf %gather3A_75, %gather3A_76 : vector<16xf32>
      %swap3A_78 = arith.constant 32 : index
      %swap3A_79 = tpu.vector_load %arg25[%swap3A_78] {strides = array<i32>} : memref<80xf32, #tpu.memory_space<vmem>>, vector<16xf32>,
      tpu.vector_store %arg25[%swap3A_78], %sub3A_71 {strides = array<i32>} : memref<80xf32, #tpu.memory_space<vmem>>, vector<16xf32>,
      %swap3A_80 = arith.constant 32 : index
      %swap3A_81 = tpu.vector_load %arg27[%swap3A_80] {strides = array<i32>} : memref<80xf32, #tpu.memory_space<vmem>>, vector<16xf32>,
      tpu.vector_store %arg27[%swap3A_80], %sub3A_74 {strides = array<i32>} : memref<80xf32, #tpu.memory_space<vmem>>, vector<16xf32>,
      %swap3A_82 = arith.constant 32 : index
      %swap3A_83 = tpu.vector_load %arg29[%swap3A_82] {strides = array<i32>} : memref<80xf32, #tpu.memory_space<vmem>>, vector<16xf32>,
      tpu.vector_store %arg29[%swap3A_82], %sub3A_77 {strides = array<i32>} : memref<80xf32, #tpu.memory_space<vmem>>, vector<16xf32>,
      %mul3A_84 = arith.mulf %sub3A_71, %sub3A_71 : vector<16xf32>
      %mul3A_85 = arith.mulf %sub3A_74, %sub3A_74 : vector<16xf32>
      %add3A_86 = arith.addf %mul3A_84, %mul3A_85 : vector<16xf32>
      %mul3A_87 = arith.mulf %sub3A_77, %sub3A_77 : vector<16xf32>
      %add3A_88 = arith.addf %add3A_86, %mul3A_87 : vector<16xf32>
      %swap3A_89 = arith.constant 32 : index
      %swap3A_90 = tpu.vector_load %arg31[%swap3A_89] {strides = array<i32>} : memref<80xf32, #tpu.memory_space<vmem>>, vector<16xf32>,
      tpu.vector_store %arg31[%swap3A_89], %add3A_88 {strides = array<i32>} : memref<80xf32, #tpu.memory_space<vmem>>, vector<16xf32>,
      %get3A_91 = arith.constant 48 : index
      %get3A_92 = tpu.vector_load %arg14[%get3A_91] {strides = array<i32>} : memref<80xi32, #tpu.memory_space<vmem>>, vector<16xi32>,
      %get3A_93 = arith.constant 48 : index
      %get3A_94 = tpu.vector_load %arg16[%get3A_93] {strides = array<i32>} : memref<80xi32, #tpu.memory_space<vmem>>, vector<16xi32>,
      %gather3A_95 = tpu.vector_load_idx %arg22[%get3A_92] : memref<10000xf32, #tpu.memory_space<vmem>>[vector<16xi32>], vector<16xf32>,
      %gather3A_96 = tpu.vector_load_idx %arg22[%get3A_94] : memref<10000xf32, #tpu.memory_space<vmem>>[vector<16xi32>], vector<16xf32>,
      %sub3A_97 = arith.subf %gather3A_95, %gather3A_96 : vector<16xf32>
      %gather3A_98 = tpu.vector_load_idx %arg23[%get3A_92] : memref<10000xf32, #tpu.memory_space<vmem>>[vector<16xi32>], vector<16xf32>,
      %gather3A_99 = tpu.vector_load_idx %arg23[%get3A_94] : memref<10000xf32, #tpu.memory_space<vmem>>[vector<16xi32>], vector<16xf32>,
      %sub3A_100 = arith.subf %gather3A_98, %gather3A_99 : vector<16xf32>
      %gather3A_101 = tpu.vector_load_idx %arg24[%get3A_92] : memref<10000xf32, #tpu.memory_space<vmem>>[vector<16xi32>], vector<16xf32>,
      %gather3A_102 = tpu.vector_load_idx %arg24[%get3A_94] : memref<10000xf32, #tpu.memory_space<vmem>>[vector<16xi32>], vector<16xf32>,
      %sub3A_103 = arith.subf %gather3A_101, %gather3A_102 : vector<16xf32>
      %swap3A_104 = arith.constant 48 : index
      %swap3A_105 = tpu.vector_load %arg25[%swap3A_104] {strides = array<i32>} : memref<80xf32, #tpu.memory_space<vmem>>, vector<16xf32>,
      tpu.vector_store %arg25[%swap3A_104], %sub3A_97 {strides = array<i32>} : memref<80xf32, #tpu.memory_space<vmem>>, vector<16xf32>,
      %swap3A_106 = arith.constant 48 : index
      %swap3A_107 = tpu.vector_load %arg27[%swap3A_106] {strides = array<i32>} : memref<80xf32, #tpu.memory_space<vmem>>, vector<16xf32>,
      tpu.vector_store %arg27[%swap3A_106], %sub3A_100 {strides = array<i32>} : memref<80xf32, #tpu.memory_space<vmem>>, vector<16xf32>,
      %swap3A_108 = arith.constant 48 : index
      %swap3A_109 = tpu.vector_load %arg29[%swap3A_108] {strides = array<i32>} : memref<80xf32, #tpu.memory_space<vmem>>, vector<16xf32>,
      tpu.vector_store %arg29[%swap3A_108], %sub3A_103 {strides = array<i32>} : memref<80xf32, #tpu.memory_space<vmem>>, vector<16xf32>,
      %mul3A_110 = arith.mulf %sub3A_97, %sub3A_97 : vector<16xf32>
      %mul3A_111 = arith.mulf %sub3A_100, %sub3A_100 : vector<16xf32>
      %add3A_112 = arith.addf %mul3A_110, %mul3A_111 : vector<16xf32>
      %mul3A_113 = arith.mulf %sub3A_103, %sub3A_103 : vector<16xf32>
      %add3A_114 = arith.addf %add3A_112, %mul3A_113 : vector<16xf32>
      %swap3A_115 = arith.constant 48 : index
      %swap3A_116 = tpu.vector_load %arg31[%swap3A_115] {strides = array<i32>} : memref<80xf32, #tpu.memory_space<vmem>>, vector<16xf32>,
      tpu.vector_store %arg31[%swap3A_115], %add3A_114 {strides = array<i32>} : memref<80xf32, #tpu.memory_space<vmem>>, vector<16xf32>,
      %get3A_117 = arith.constant 64 : index
      %get3A_118 = tpu.vector_load %arg14[%get3A_117] {strides = array<i32>} : memref<80xi32, #tpu.memory_space<vmem>>, vector<16xi32>,
      %get3A_119 = arith.constant 64 : index
      %get3A_120 = tpu.vector_load %arg16[%get3A_119] {strides = array<i32>} : memref<80xi32, #tpu.memory_space<vmem>>, vector<16xi32>,
      %gather3A_121 = tpu.vector_load_idx %arg22[%get3A_118] : memref<10000xf32, #tpu.memory_space<vmem>>[vector<16xi32>], vector<16xf32>,
      %gather3A_122 = tpu.vector_load_idx %arg22[%get3A_120] : memref<10000xf32, #tpu.memory_space<vmem>>[vector<16xi32>], vector<16xf32>,
      %sub3A_123 = arith.subf %gather3A_121, %gather3A_122 : vector<16xf32>
      %gather3A_124 = tpu.vector_load_idx %arg23[%get3A_118] : memref<10000xf32, #tpu.memory_space<vmem>>[vector<16xi32>], vector<16xf32>,
      %gather3A_125 = tpu.vector_load_idx %arg23[%get3A_120] : memref<10000xf32, #tpu.memory_space<vmem>>[vector<16xi32>], vector<16xf32>,
      %sub3A_126 = arith.subf %gather3A_124, %gather3A_125 : vector<16xf32>
      %gather3A_127 = tpu.vector_load_idx %arg24[%get3A_118] : memref<10000xf32, #tpu.memory_space<vmem>>[vector<16xi32>], vector<16xf32>,
      %gather3A_128 = tpu.vector_load_idx %arg24[%get3A_120] : memref<10000xf32, #tpu.memory_space<vmem>>[vector<16xi32>], vector<16xf32>,
      %sub3A_129 = arith.subf %gather3A_127, %gather3A_128 : vector<16xf32>
      %swap3A_130 = arith.constant 64 : index
      %swap3A_131 = tpu.vector_load %arg25[%swap3A_130] {strides = array<i32>} : memref<80xf32, #tpu.memory_space<vmem>>, vector<16xf32>,
      tpu.vector_store %arg25[%swap3A_130], %sub3A_123 {strides = array<i32>} : memref<80xf32, #tpu.memory_space<vmem>>, vector<16xf32>,
      %swap3A_132 = arith.constant 64 : index
      %swap3A_133 = tpu.vector_load %arg27[%swap3A_132] {strides = array<i32>} : memref<80xf32, #tpu.memory_space<vmem>>, vector<16xf32>,
      tpu.vector_store %arg27[%swap3A_132], %sub3A_126 {strides = array<i32>} : memref<80xf32, #tpu.memory_space<vmem>>, vector<16xf32>,
      %swap3A_134 = arith.constant 64 : index
      %swap3A_135 = tpu.vector_load %arg29[%swap3A_134] {strides = array<i32>} : memref<80xf32, #tpu.memory_space<vmem>>, vector<16xf32>,
      tpu.vector_store %arg29[%swap3A_134], %sub3A_129 {strides = array<i32>} : memref<80xf32, #tpu.memory_space<vmem>>, vector<16xf32>,
      %mul3A_136 = arith.mulf %sub3A_123, %sub3A_123 : vector<16xf32>
      %mul3A_137 = arith.mulf %sub3A_126, %sub3A_126 : vector<16xf32>
      %add3A_138 = arith.addf %mul3A_136, %mul3A_137 : vector<16xf32>
      %mul3A_139 = arith.mulf %sub3A_129, %sub3A_129 : vector<16xf32>
      %add3A_140 = arith.addf %add3A_138, %mul3A_139 : vector<16xf32>
      %swap3A_141 = arith.constant 64 : index
      %swap3A_142 = tpu.vector_load %arg31[%swap3A_141] {strides = array<i32>} : memref<80xf32, #tpu.memory_space<vmem>>, vector<16xf32>,
      tpu.vector_store %arg31[%swap3A_141], %add3A_140 {strides = array<i32>} : memref<80xf32, #tpu.memory_space<vmem>>, vector<16xf32>,
      %dma_wait3A = arith.constant 0 : i32
      %dma_wait3A_143 = arith.constant 0 : i32
      %dma_wait3A_144 = tpu.memref_slice %arg2[%dma_wait3A, %dma_wait3A_143] : memref<10000x128xf32, #tpu.memory_space<hbm>> -> memref<10000x128xf32, #tpu.memory_space<hbm>>
      tpu.wait_indirect_dma semaphore(%arg35 : memref<!tpu.dma_semaphore, #tpu.memory_space<semaphore_mem>>) src(%dma_wait3A_144 : memref<10000x128xf32, #tpu.memory_space<hbm>>) dst(%arg18 : memref<80x128xf32, #tpu.memory_space<vmem>>)
      %dma_wait3A_145 = arith.constant 0 : i32
      %dma_wait3A_146 = arith.constant 0 : i32
      %dma_wait3A_147 = tpu.memref_slice %arg2[%dma_wait3A_145, %dma_wait3A_146] : memref<10000x128xf32, #tpu.memory_space<hbm>> -> memref<10000x128xf32, #tpu.memory_space<hbm>>
      tpu.wait_indirect_dma semaphore(%arg36 : memref<!tpu.dma_semaphore, #tpu.memory_space<semaphore_mem>>) src(%dma_wait3A_147 : memref<10000x128xf32, #tpu.memory_space<hbm>>) dst(%arg20 : memref<80x128xf32, #tpu.memory_space<vmem>>)
      "tpu.region"() ({
        %run_scoped3A = tpu.sem_alloc : memref<!tpu.dma_semaphore, #tpu.memory_space<semaphore_mem>>
        %dma_start3A_148 = arith.constant 0 : i32
        %dma_start3A_149 = tpu.memref_slice %arg8[%add3A_11, %dma_start3A_148] : memref<320000x128xf32, #tpu.memory_space<hbm>> -> memref<80x128xf32, #tpu.memory_space<hbm>>
        %dma_start3A_150 = arith.constant 0 : i32
        %dma_start3A_151 = tpu.memref_slice %arg8[%add3A_11, %dma_start3A_150] : memref<320000x128xf32, #tpu.memory_space<hbm>> -> memref<80x128xf32, #tpu.memory_space<hbm>>
        tpu.enqueue_dma source(%arg18 : memref<80x128xf32, #tpu.memory_space<vmem>>) target(%dma_start3A_151 : memref<80x128xf32, #tpu.memory_space<hbm>>) target_semaphore(%run_scoped3A : memref<!tpu.dma_semaphore, #tpu.memory_space<semaphore_mem>>)
        %dma_wait3A_152 = arith.constant 0 : i32
        %dma_wait3A_153 = tpu.memref_slice %arg8[%add3A_11, %dma_wait3A_152] : memref<320000x128xf32, #tpu.memory_space<hbm>> -> memref<80x128xf32, #tpu.memory_space<hbm>>
        %dma_wait3A_154 = arith.constant 0 : i32
        %dma_wait3A_155 = tpu.memref_slice %arg8[%add3A_11, %dma_wait3A_154] : memref<320000x128xf32, #tpu.memory_space<hbm>> -> memref<80x128xf32, #tpu.memory_space<hbm>>
        tpu.wait_dma2 semaphore(%run_scoped3A : memref<!tpu.dma_semaphore, #tpu.memory_space<semaphore_mem>>) src(%arg18 : memref<80x128xf32, #tpu.memory_space<vmem>>) dst(%dma_wait3A_155 : memref<80x128xf32, #tpu.memory_space<hbm>>)
        tpu.yield
      }) : () -> ()
      "tpu.region"() ({
        %run_scoped3A = tpu.sem_alloc : memref<!tpu.dma_semaphore, #tpu.memory_space<semaphore_mem>>
        %dma_start3A_148 = arith.constant 0 : i32
        %dma_start3A_149 = tpu.memref_slice %arg9[%add3A_11, %dma_start3A_148] : memref<320000x128xf32, #tpu.memory_space<hbm>> -> memref<80x128xf32, #tpu.memory_space<hbm>>
        %dma_start3A_150 = arith.constant 0 : i32
        %dma_start3A_151 = tpu.memref_slice %arg9[%add3A_11, %dma_start3A_150] : memref<320000x128xf32, #tpu.memory_space<hbm>> -> memref<80x128xf32, #tpu.memory_space<hbm>>
        tpu.enqueue_dma source(%arg20 : memref<80x128xf32, #tpu.memory_space<vmem>>) target(%dma_start3A_151 : memref<80x128xf32, #tpu.memory_space<hbm>>) target_semaphore(%run_scoped3A : memref<!tpu.dma_semaphore, #tpu.memory_space<semaphore_mem>>)
        %dma_wait3A_152 = arith.constant 0 : i32
        %dma_wait3A_153 = tpu.memref_slice %arg9[%add3A_11, %dma_wait3A_152] : memref<320000x128xf32, #tpu.memory_space<hbm>> -> memref<80x128xf32, #tpu.memory_space<hbm>>
        %dma_wait3A_154 = arith.constant 0 : i32
        %dma_wait3A_155 = tpu.memref_slice %arg9[%add3A_11, %dma_wait3A_154] : memref<320000x128xf32, #tpu.memory_space<hbm>> -> memref<80x128xf32, #tpu.memory_space<hbm>>
        tpu.wait_dma2 semaphore(%run_scoped3A : memref<!tpu.dma_semaphore, #tpu.memory_space<semaphore_mem>>) src(%arg20 : memref<80x128xf32, #tpu.memory_space<vmem>>) dst(%dma_wait3A_155 : memref<80x128xf32, #tpu.memory_space<hbm>>)
        tpu.yield
      }) : () -> ()
      "tpu.region"() ({
        %run_scoped3A = tpu.sem_alloc : memref<!tpu.dma_semaphore, #tpu.memory_space<semaphore_mem>>
        %dma_start3A_148 = tpu.memref_slice %arg10[%add3A_11] : memref<320000xf32, #tpu.memory_space<hbm>> -> memref<80xf32, #tpu.memory_space<hbm>>
        %dma_start3A_149 = tpu.memref_slice %arg10[%add3A_11] : memref<320000xf32, #tpu.memory_space<hbm>> -> memref<80xf32, #tpu.memory_space<hbm>>
        tpu.enqueue_dma source(%arg25 : memref<80xf32, #tpu.memory_space<vmem>>) target(%dma_start3A_149 : memref<80xf32, #tpu.memory_space<hbm>>) target_semaphore(%run_scoped3A : memref<!tpu.dma_semaphore, #tpu.memory_space<semaphore_mem>>)
        %dma_wait3A_150 = tpu.memref_slice %arg10[%add3A_11] : memref<320000xf32, #tpu.memory_space<hbm>> -> memref<80xf32, #tpu.memory_space<hbm>>
        %dma_wait3A_151 = tpu.memref_slice %arg10[%add3A_11] : memref<320000xf32, #tpu.memory_space<hbm>> -> memref<80xf32, #tpu.memory_space<hbm>>
        tpu.wait_dma2 semaphore(%run_scoped3A : memref<!tpu.dma_semaphore, #tpu.memory_space<semaphore_mem>>) src(%arg25 : memref<80xf32, #tpu.memory_space<vmem>>) dst(%dma_wait3A_151 : memref<80xf32, #tpu.memory_space<hbm>>)
        tpu.yield
      }) : () -> ()
      "tpu.region"() ({
        %run_scoped3A = tpu.sem_alloc : memref<!tpu.dma_semaphore, #tpu.memory_space<semaphore_mem>>
        %dma_start3A_148 = tpu.memref_slice %arg11[%add3A_11] : memref<320000xf32, #tpu.memory_space<hbm>> -> memref<80xf32, #tpu.memory_space<hbm>>
        %dma_start3A_149 = tpu.memref_slice %arg11[%add3A_11] : memref<320000xf32, #tpu.memory_space<hbm>> -> memref<80xf32, #tpu.memory_space<hbm>>
        tpu.enqueue_dma source(%arg27 : memref<80xf32, #tpu.memory_space<vmem>>) target(%dma_start3A_149 : memref<80xf32, #tpu.memory_space<hbm>>) target_semaphore(%run_scoped3A : memref<!tpu.dma_semaphore, #tpu.memory_space<semaphore_mem>>)
        %dma_wait3A_150 = tpu.memref_slice %arg11[%add3A_11] : memref<320000xf32, #tpu.memory_space<hbm>> -> memref<80xf32, #tpu.memory_space<hbm>>
        %dma_wait3A_151 = tpu.memref_slice %arg11[%add3A_11] : memref<320000xf32, #tpu.memory_space<hbm>> -> memref<80xf32, #tpu.memory_space<hbm>>
        tpu.wait_dma2 semaphore(%run_scoped3A : memref<!tpu.dma_semaphore, #tpu.memory_space<semaphore_mem>>) src(%arg27 : memref<80xf32, #tpu.memory_space<vmem>>) dst(%dma_wait3A_151 : memref<80xf32, #tpu.memory_space<hbm>>)
        tpu.yield
      }) : () -> ()
      "tpu.region"() ({
        %run_scoped3A = tpu.sem_alloc : memref<!tpu.dma_semaphore, #tpu.memory_space<semaphore_mem>>
        %dma_start3A_148 = tpu.memref_slice %arg12[%add3A_11] : memref<320000xf32, #tpu.memory_space<hbm>> -> memref<80xf32, #tpu.memory_space<hbm>>
        %dma_start3A_149 = tpu.memref_slice %arg12[%add3A_11] : memref<320000xf32, #tpu.memory_space<hbm>> -> memref<80xf32, #tpu.memory_space<hbm>>
        tpu.enqueue_dma source(%arg29 : memref<80xf32, #tpu.memory_space<vmem>>) target(%dma_start3A_149 : memref<80xf32, #tpu.memory_space<hbm>>) target_semaphore(%run_scoped3A : memref<!tpu.dma_semaphore, #tpu.memory_space<semaphore_mem>>)
        %dma_wait3A_150 = tpu.memref_slice %arg12[%add3A_11] : memref<320000xf32, #tpu.memory_space<hbm>> -> memref<80xf32, #tpu.memory_space<hbm>>
        %dma_wait3A_151 = tpu.memref_slice %arg12[%add3A_11] : memref<320000xf32, #tpu.memory_space<hbm>> -> memref<80xf32, #tpu.memory_space<hbm>>
        tpu.wait_dma2 semaphore(%run_scoped3A : memref<!tpu.dma_semaphore, #tpu.memory_space<semaphore_mem>>) src(%arg29 : memref<80xf32, #tpu.memory_space<vmem>>) dst(%dma_wait3A_151 : memref<80xf32, #tpu.memory_space<hbm>>)
        tpu.yield
      }) : () -> ()
      "tpu.region"() ({
        %run_scoped3A = tpu.sem_alloc : memref<!tpu.dma_semaphore, #tpu.memory_space<semaphore_mem>>
        %dma_start3A_148 = tpu.memref_slice %arg13[%add3A_11] : memref<320000xf32, #tpu.memory_space<hbm>> -> memref<80xf32, #tpu.memory_space<hbm>>
        %dma_start3A_149 = tpu.memref_slice %arg13[%add3A_11] : memref<320000xf32, #tpu.memory_space<hbm>> -> memref<80xf32, #tpu.memory_space<hbm>>
        tpu.enqueue_dma source(%arg31 : memref<80xf32, #tpu.memory_space<vmem>>) target(%dma_start3A_149 : memref<80xf32, #tpu.memory_space<hbm>>) target_semaphore(%run_scoped3A : memref<!tpu.dma_semaphore, #tpu.memory_space<semaphore_mem>>)
        %dma_wait3A_150 = tpu.memref_slice %arg13[%add3A_11] : memref<320000xf32, #tpu.memory_space<hbm>> -> memref<80xf32, #tpu.memory_space<hbm>>
        %dma_wait3A_151 = tpu.memref_slice %arg13[%add3A_11] : memref<320000xf32, #tpu.memory_space<hbm>> -> memref<80xf32, #tpu.memory_space<hbm>>
        tpu.wait_dma2 semaphore(%run_scoped3A : memref<!tpu.dma_semaphore, #tpu.memory_space<semaphore_mem>>) src(%arg31 : memref<80xf32, #tpu.memory_space<vmem>>) dst(%dma_wait3A_151 : memref<80xf32, #tpu.memory_space<hbm>>)
        tpu.yield
      }) : () -> ()
    }
    %scan3A_7 = arith.constant 125 : i32
    return
  }
}

module attributes {stable_mosaic.version = 14 : i64} {
  func.func @_edge_body(%arg0: i32, %arg1: memref<512x128xf32, #tpu.memory_space<vmem>>, %arg2: memref<512x128xf32, #tpu.memory_space<vmem>>, %arg3: memref<512xf32, #tpu.memory_space<vmem>>, %arg4: memref<512xf32, #tpu.memory_space<vmem>>, %arg5: memref<512xf32, #tpu.memory_space<vmem>>, %arg6: memref<512xf32, #tpu.memory_space<vmem>>, %arg7: memref<512x16xf32, #tpu.memory_space<vmem>>, %arg8: memref<128x256xbf16, #tpu.memory_space<vmem>>, %arg9: memref<128x256xbf16, #tpu.memory_space<vmem>>, %arg10: memref<16x256xf32, #tpu.memory_space<vmem>>, %arg11: memref<1x256xf32, #tpu.memory_space<vmem>>, %arg12: memref<1x256xf32, #tpu.memory_space<vmem>>, %arg13: memref<256x256xbf16, #tpu.memory_space<vmem>>, %arg14: memref<1x256xf32, #tpu.memory_space<vmem>>, %arg15: memref<256x256xbf16, #tpu.memory_space<vmem>>, %arg16: memref<1x256xf32, #tpu.memory_space<vmem>>, %arg17: memref<256x1xf32, #tpu.memory_space<vmem>>, %arg18: memref<512x128xf32, #tpu.memory_space<vmem>>, %arg19: memref<512x128xf32, #tpu.memory_space<vmem>>, %arg20: memref<512xf32, #tpu.memory_space<vmem>>, %arg21: memref<512xf32, #tpu.memory_space<vmem>>, %arg22: memref<512xf32, #tpu.memory_space<vmem>>) attributes {dimension_semantics = [#tpu.dimension_semantics<arbitrary>], iteration_bounds = array<i64: 625>, scalar_prefetch = 0 : i64, scratch_operands = 0 : i64, tpu.core_type = #tpu.core_type<tc>, window_params = [{transform_indices = @transform_0, window_bounds = array<i64: 512, 128>}, {transform_indices = @transform_1, window_bounds = array<i64: 512, 128>}, {transform_indices = @transform_2, window_bounds = array<i64: 512>}, {transform_indices = @transform_3, window_bounds = array<i64: 512>}, {transform_indices = @transform_4, window_bounds = array<i64: 512>}, {transform_indices = @transform_5, window_bounds = array<i64: 512>}, {transform_indices = @transform_6, window_bounds = array<i64: 512, 16>}, {pipeline_mode = #tpu.pipeline_mode<synchronous>, transform_indices = @transform_7, window_bounds = array<i64: 128, 256>}, {pipeline_mode = #tpu.pipeline_mode<synchronous>, transform_indices = @transform_8, window_bounds = array<i64: 128, 256>}, {pipeline_mode = #tpu.pipeline_mode<synchronous>, transform_indices = @transform_9, window_bounds = array<i64: 16, 256>}, {pipeline_mode = #tpu.pipeline_mode<synchronous>, transform_indices = @transform_10, window_bounds = array<i64: 1, 256>}, {pipeline_mode = #tpu.pipeline_mode<synchronous>, transform_indices = @transform_11, window_bounds = array<i64: 1, 256>}, {pipeline_mode = #tpu.pipeline_mode<synchronous>, transform_indices = @transform_12, window_bounds = array<i64: 256, 256>}, {pipeline_mode = #tpu.pipeline_mode<synchronous>, transform_indices = @transform_13, window_bounds = array<i64: 1, 256>}, {pipeline_mode = #tpu.pipeline_mode<synchronous>, transform_indices = @transform_14, window_bounds = array<i64: 256, 256>}, {pipeline_mode = #tpu.pipeline_mode<synchronous>, transform_indices = @transform_15, window_bounds = array<i64: 1, 256>}, {pipeline_mode = #tpu.pipeline_mode<synchronous>, transform_indices = @transform_16, window_bounds = array<i64: 256, 1>}, {transform_indices = @transform_17, window_bounds = array<i64: 512, 128>}, {transform_indices = @transform_18, window_bounds = array<i64: 512, 128>}, {transform_indices = @transform_19, window_bounds = array<i64: 512>}, {transform_indices = @transform_20, window_bounds = array<i64: 512>}, {transform_indices = @transform_21, window_bounds = array<i64: 512>}]} {
    %get3A = arith.constant 0 : index
    %get3A_0 = vector.load %arg6[%get3A] : memref<512xf32, #tpu.memory_space<vmem>>, vector<512xf32>
    %reshape3A = vector.shape_cast %get3A_0 : vector<512xf32> to vector<1x512xf32>
    %get3A_1 = arith.constant 0 : index
    %get3A_2 = arith.constant 0 : index
    %get3A_3 = vector.load %arg1[%get3A_1, %get3A_2] : memref<512x128xf32, #tpu.memory_space<vmem>>, vector<512x128xf32>
    %convert_element_type3A = arith.truncf %get3A_3 : vector<512x128xf32> to vector<512x128xbf16>
    %get3A_4 = arith.constant 0 : index
    %get3A_5 = arith.constant 0 : index
    %get3A_6 = vector.load %arg8[%get3A_4, %get3A_5] : memref<128x256xbf16, #tpu.memory_space<vmem>>, vector<128x256xbf16>
    %dot_general3A = arith.constant dense<0.000000e+00> : vector<512x256xf32>
    %dot_general3A_7 = tpu.matmul %convert_element_type3A, %get3A_6, %dot_general3A {dimension_numbers = #tpu.dot_dimension_numbers<[1], [0], [0], [1], [0, 0, 1, 1], [], []>, transpose_lhs_hint = false} : vector<512x128xbf16>, vector<128x256xbf16>, vector<512x256xf32> -> vector<512x256xf32>
    %get3A_8 = arith.constant 0 : index
    %get3A_9 = arith.constant 0 : index
    %get3A_10 = vector.load %arg2[%get3A_8, %get3A_9] : memref<512x128xf32, #tpu.memory_space<vmem>>, vector<512x128xf32>
    %convert_element_type3A_11 = arith.truncf %get3A_10 : vector<512x128xf32> to vector<512x128xbf16>
    %get3A_12 = arith.constant 0 : index
    %get3A_13 = arith.constant 0 : index
    %get3A_14 = vector.load %arg9[%get3A_12, %get3A_13] : memref<128x256xbf16, #tpu.memory_space<vmem>>, vector<128x256xbf16>
    %dot_general3A_15 = arith.constant dense<0.000000e+00> : vector<512x256xf32>
    %dot_general3A_16 = tpu.matmul %convert_element_type3A_11, %get3A_14, %dot_general3A_15 {dimension_numbers = #tpu.dot_dimension_numbers<[1], [0], [0], [1], [0, 0, 1, 1], [], []>, transpose_lhs_hint = false} : vector<512x128xbf16>, vector<128x256xbf16>, vector<512x256xf32> -> vector<512x256xf32>
    %add3A = arith.addf %dot_general3A_7, %dot_general3A_16 : vector<512x256xf32>
    %get3A_17 = arith.constant 0 : index
    %get3A_18 = arith.constant 0 : index
    %get3A_19 = vector.load %arg7[%get3A_17, %get3A_18] : memref<512x16xf32, #tpu.memory_space<vmem>>, vector<512x16xf32>
    %get3A_20 = arith.constant 0 : index
    %get3A_21 = arith.constant 0 : index
    %get3A_22 = vector.load %arg10[%get3A_20, %get3A_21] : memref<16x256xf32, #tpu.memory_space<vmem>>, vector<16x256xf32>
    %dot_general3A_23 = arith.constant dense<0.000000e+00> : vector<512x256xf32>
    %dot_general3A_24 = tpu.matmul %get3A_19, %get3A_22, %dot_general3A_23 {dimension_numbers = #tpu.dot_dimension_numbers<[1], [0], [0], [1], [0, 0, 1, 1], [], []>, transpose_lhs_hint = false} : vector<512x16xf32>, vector<16x256xf32>, vector<512x256xf32> -> vector<512x256xf32>
    %add3A_25 = arith.addf %add3A, %dot_general3A_24 : vector<512x256xf32>
    %get3A_26 = arith.constant 0 : index
    %get3A_27 = arith.constant 0 : index
    %get3A_28 = vector.load %arg11[%get3A_26, %get3A_27] : memref<1x256xf32, #tpu.memory_space<vmem>>, vector<1x256xf32>
    %dot_general3A_29 = arith.constant dense<0.000000e+00> : vector<512x256xf32>
    %dot_general3A_30 = tpu.matmul %reshape3A, %get3A_28, %dot_general3A_29 {dimension_numbers = #tpu.dot_dimension_numbers<[0], [0], [1], [1], [0, 1, 1, 1], [], []>, transpose_lhs_hint = false} : vector<1x512xf32>, vector<1x256xf32>, vector<512x256xf32> -> vector<512x256xf32>
    %add3A_31 = arith.addf %add3A_25, %dot_general3A_30 : vector<512x256xf32>
    %get3A_32 = arith.constant 0 : index
    %get3A_33 = arith.constant 0 : index
    %get3A_34 = vector.load %arg12[%get3A_32, %get3A_33] : memref<1x256xf32, #tpu.memory_space<vmem>>, vector<1x256xf32>
    %add3A_35 = vector.broadcast %get3A_34 : vector<1x256xf32> to vector<512x256xf32>
    %add3A_36 = arith.addf %add3A_31, %add3A_35 : vector<512x256xf32>
    %max3A = arith.constant 0.000000e+00 : f32
    %max3A_37 = vector.broadcast %max3A : f32 to vector<512x256xf32>
    %max3A_38 = arith.maximumf %add3A_36, %max3A_37 : vector<512x256xf32>
    %convert_element_type3A_39 = arith.truncf %max3A_38 : vector<512x256xf32> to vector<512x256xbf16>
    %get3A_40 = arith.constant 0 : index
    %get3A_41 = arith.constant 0 : index
    %get3A_42 = vector.load %arg13[%get3A_40, %get3A_41] : memref<256x256xbf16, #tpu.memory_space<vmem>>, vector<256x256xbf16>
    %dot_general3A_43 = arith.constant dense<0.000000e+00> : vector<512x256xf32>
    %dot_general3A_44 = tpu.matmul %convert_element_type3A_39, %get3A_42, %dot_general3A_43 {dimension_numbers = #tpu.dot_dimension_numbers<[1], [0], [0], [1], [0, 0, 1, 1], [], []>, transpose_lhs_hint = false} : vector<512x256xbf16>, vector<256x256xbf16>, vector<512x256xf32> -> vector<512x256xf32>
    %get3A_45 = arith.constant 0 : index
    %get3A_46 = arith.constant 0 : index
    %get3A_47 = vector.load %arg14[%get3A_45, %get3A_46] : memref<1x256xf32, #tpu.memory_space<vmem>>, vector<1x256xf32>
    %add3A_48 = vector.broadcast %get3A_47 : vector<1x256xf32> to vector<512x256xf32>
    %add3A_49 = arith.addf %dot_general3A_44, %add3A_48 : vector<512x256xf32>
    %max3A_50 = arith.constant 0.000000e+00 : f32
    %max3A_51 = vector.broadcast %max3A_50 : f32 to vector<512x256xf32>
    %max3A_52 = arith.maximumf %add3A_49, %max3A_51 : vector<512x256xf32>
    %convert_element_type3A_53 = arith.truncf %max3A_52 : vector<512x256xf32> to vector<512x256xbf16>
    %get3A_54 = arith.constant 0 : index
    %get3A_55 = arith.constant 0 : index
    %get3A_56 = vector.load %arg15[%get3A_54, %get3A_55] : memref<256x256xbf16, #tpu.memory_space<vmem>>, vector<256x256xbf16>
    %dot_general3A_57 = arith.constant dense<0.000000e+00> : vector<512x256xf32>
    %dot_general3A_58 = tpu.matmul %convert_element_type3A_53, %get3A_56, %dot_general3A_57 {dimension_numbers = #tpu.dot_dimension_numbers<[1], [0], [0], [1], [0, 0, 1, 1], [], []>, transpose_lhs_hint = false} : vector<512x256xbf16>, vector<256x256xbf16>, vector<512x256xf32> -> vector<512x256xf32>
    %get3A_59 = arith.constant 0 : index
    %get3A_60 = arith.constant 0 : index
    %get3A_61 = vector.load %arg16[%get3A_59, %get3A_60] : memref<1x256xf32, #tpu.memory_space<vmem>>, vector<1x256xf32>
    %add3A_62 = vector.broadcast %get3A_61 : vector<1x256xf32> to vector<512x256xf32>
    %add3A_63 = arith.addf %dot_general3A_58, %add3A_62 : vector<512x256xf32>
    %max3A_64 = arith.constant 0.000000e+00 : f32
    %max3A_65 = vector.broadcast %max3A_64 : f32 to vector<512x256xf32>
    %max3A_66 = arith.maximumf %add3A_63, %max3A_65 : vector<512x256xf32>
    %get3A_67 = arith.constant 0 : index
    %get3A_68 = arith.constant 0 : index
    %get3A_69 = vector.load %arg17[%get3A_67, %get3A_68] : memref<256x1xf32, #tpu.memory_space<vmem>>, vector<256x1xf32>
    %dot_general3A_70 = arith.constant dense<0.000000e+00> : vector<1x512xf32>
    %dot_general3A_71 = tpu.matmul %get3A_69, %max3A_66, %dot_general3A_70 {dimension_numbers = #tpu.dot_dimension_numbers<[0], [1], [1], [0], [0, 1, 1, 0], [], []>, transpose_lhs_hint = false} : vector<256x1xf32>, vector<512x256xf32>, vector<1x512xf32> -> vector<1x512xf32>
    %reshape3A_72 = vector.shape_cast %dot_general3A_71 : vector<1x512xf32> to vector<512xf32>
    %get3A_73 = arith.constant 0 : index
    %get3A_74 = vector.load %arg3[%get3A_73] : memref<512xf32, #tpu.memory_space<vmem>>, vector<512xf32>
    %mul3A = arith.mulf %get3A_74, %reshape3A_72 : vector<512xf32>
    %jit3A = arith.constant -1.000000e+02 : f32
    %jit3A_75 = arith.constant 1.000000e+02 : f32
    %max3A_76 = vector.broadcast %jit3A : f32 to vector<512xf32>
    %max3A_77 = arith.maximumf %max3A_76, %mul3A : vector<512xf32>
    %min3A = vector.broadcast %jit3A_75 : f32 to vector<512xf32>
    %min3A_78 = arith.minimumf %min3A, %max3A_77 : vector<512xf32>
    %swap3A = arith.constant 0 : index
    %swap3A_79 = vector.load %arg20[%swap3A] : memref<512xf32, #tpu.memory_space<vmem>>, vector<512xf32>
    tpu.vector_store %arg20[%swap3A], %min3A_78 {strides = array<i32>} : memref<512xf32, #tpu.memory_space<vmem>>, vector<512xf32>,
    %get3A_80 = arith.constant 0 : index
    %get3A_81 = vector.load %arg4[%get3A_80] : memref<512xf32, #tpu.memory_space<vmem>>, vector<512xf32>
    %mul3A_82 = arith.mulf %get3A_81, %reshape3A_72 : vector<512xf32>
    %jit3A_83 = arith.constant -1.000000e+02 : f32
    %jit3A_84 = arith.constant 1.000000e+02 : f32
    %max3A_85 = vector.broadcast %jit3A_83 : f32 to vector<512xf32>
    %max3A_86 = arith.maximumf %max3A_85, %mul3A_82 : vector<512xf32>
    %min3A_87 = vector.broadcast %jit3A_84 : f32 to vector<512xf32>
    %min3A_88 = arith.minimumf %min3A_87, %max3A_86 : vector<512xf32>
    %swap3A_89 = arith.constant 0 : index
    %swap3A_90 = vector.load %arg21[%swap3A_89] : memref<512xf32, #tpu.memory_space<vmem>>, vector<512xf32>
    tpu.vector_store %arg21[%swap3A_89], %min3A_88 {strides = array<i32>} : memref<512xf32, #tpu.memory_space<vmem>>, vector<512xf32>,
    %get3A_91 = arith.constant 0 : index
    %get3A_92 = vector.load %arg5[%get3A_91] : memref<512xf32, #tpu.memory_space<vmem>>, vector<512xf32>
    %mul3A_93 = arith.mulf %get3A_92, %reshape3A_72 : vector<512xf32>
    %jit3A_94 = arith.constant -1.000000e+02 : f32
    %jit3A_95 = arith.constant 1.000000e+02 : f32
    %max3A_96 = vector.broadcast %jit3A_94 : f32 to vector<512xf32>
    %max3A_97 = arith.maximumf %max3A_96, %mul3A_93 : vector<512xf32>
    %min3A_98 = vector.broadcast %jit3A_95 : f32 to vector<512xf32>
    %min3A_99 = arith.minimumf %min3A_98, %max3A_97 : vector<512xf32>
    %swap3A_100 = arith.constant 0 : index
    %swap3A_101 = vector.load %arg22[%swap3A_100] : memref<512xf32, #tpu.memory_space<vmem>>, vector<512xf32>
    tpu.vector_store %arg22[%swap3A_100], %min3A_99 {strides = array<i32>} : memref<512xf32, #tpu.memory_space<vmem>>, vector<512xf32>,
    %slice3A = vector.extract_strided_slice %max3A_52 {offsets = [0, 0], sizes = [512, 128], strides = [1, 1]} : vector<512x256xf32> to vector<512x128xf32>
    %swap3A_102 = arith.constant 0 : index
    %swap3A_103 = arith.constant 0 : index
    %swap3A_104 = vector.load %arg18[%swap3A_102, %swap3A_103] : memref<512x128xf32, #tpu.memory_space<vmem>>, vector<512x128xf32>
    tpu.vector_store %arg18[%swap3A_102, %swap3A_103], %slice3A {strides = array<i32>} : memref<512x128xf32, #tpu.memory_space<vmem>>, vector<512x128xf32>,
    %slice3A_105 = vector.extract_strided_slice %max3A_52 {offsets = [0, 128], sizes = [512, 128], strides = [1, 1]} : vector<512x256xf32> to vector<512x128xf32>
    %swap3A_106 = arith.constant 0 : index
    %swap3A_107 = arith.constant 0 : index
    %swap3A_108 = vector.load %arg19[%swap3A_106, %swap3A_107] : memref<512x128xf32, #tpu.memory_space<vmem>>, vector<512x128xf32>
    tpu.vector_store %arg19[%swap3A_106, %swap3A_107], %slice3A_105 {strides = array<i32>} : memref<512x128xf32, #tpu.memory_space<vmem>>, vector<512x128xf32>,
    return
  }
  func.func @transform_0(%arg0: i32) -> (i32, i32) {
    %c0_i32 = arith.constant 0 : i32
    %c0_i32_0 = arith.constant 0 : i32
    return %arg0, %c0_i32 : i32, i32
  }
  func.func @transform_1(%arg0: i32) -> (i32, i32) {
    %c0_i32 = arith.constant 0 : i32
    %c0_i32_0 = arith.constant 0 : i32
    return %arg0, %c0_i32 : i32, i32
  }
  func.func @transform_2(%arg0: i32) -> i32 {
    %c0_i32 = arith.constant 0 : i32
    return %arg0 : i32
  }
  func.func @transform_3(%arg0: i32) -> i32 {
    %c0_i32 = arith.constant 0 : i32
    return %arg0 : i32
  }
  func.func @transform_4(%arg0: i32) -> i32 {
    %c0_i32 = arith.constant 0 : i32
    return %arg0 : i32
  }
  func.func @transform_5(%arg0: i32) -> i32 {
    %c0_i32 = arith.constant 0 : i32
    return %arg0 : i32
  }
  func.func @transform_6(%arg0: i32) -> (i32, i32) {
    %c0_i32 = arith.constant 0 : i32
    %c0_i32_0 = arith.constant 0 : i32
    return %arg0, %c0_i32 : i32, i32
  }
  func.func @transform_7(%arg0: i32) -> (i32, i32) {
    %c0_i32 = arith.constant 0 : i32
    %c0_i32_0 = arith.constant 0 : i32
    %c0_i32_1 = arith.constant 0 : i32
    return %c0_i32, %c0_i32_0 : i32, i32
  }
  func.func @transform_8(%arg0: i32) -> (i32, i32) {
    %c0_i32 = arith.constant 0 : i32
    %c0_i32_0 = arith.constant 0 : i32
    %c0_i32_1 = arith.constant 0 : i32
    return %c0_i32, %c0_i32_0 : i32, i32
  }
  func.func @transform_9(%arg0: i32) -> (i32, i32) {
    %c0_i32 = arith.constant 0 : i32
    %c0_i32_0 = arith.constant 0 : i32
    %c0_i32_1 = arith.constant 0 : i32
    return %c0_i32, %c0_i32_0 : i32, i32
  }
  func.func @transform_10(%arg0: i32) -> (i32, i32) {
    %c0_i32 = arith.constant 0 : i32
    %c0_i32_0 = arith.constant 0 : i32
    %c0_i32_1 = arith.constant 0 : i32
    return %c0_i32, %c0_i32_0 : i32, i32
  }
  func.func @transform_11(%arg0: i32) -> (i32, i32) {
    %c0_i32 = arith.constant 0 : i32
    %c0_i32_0 = arith.constant 0 : i32
    %c0_i32_1 = arith.constant 0 : i32
    return %c0_i32, %c0_i32_0 : i32, i32
  }
  func.func @transform_12(%arg0: i32) -> (i32, i32) {
    %c0_i32 = arith.constant 0 : i32
    %c0_i32_0 = arith.constant 0 : i32
    %c0_i32_1 = arith.constant 0 : i32
    return %c0_i32, %c0_i32_0 : i32, i32
  }
  func.func @transform_13(%arg0: i32) -> (i32, i32) {
    %c0_i32 = arith.constant 0 : i32
    %c0_i32_0 = arith.constant 0 : i32
    %c0_i32_1 = arith.constant 0 : i32
    return %c0_i32, %c0_i32_0 : i32, i32
  }
  func.func @transform_14(%arg0: i32) -> (i32, i32) {
    %c0_i32 = arith.constant 0 : i32
    %c0_i32_0 = arith.constant 0 : i32
    %c0_i32_1 = arith.constant 0 : i32
    return %c0_i32, %c0_i32_0 : i32, i32
  }
  func.func @transform_15(%arg0: i32) -> (i32, i32) {
    %c0_i32 = arith.constant 0 : i32
    %c0_i32_0 = arith.constant 0 : i32
    %c0_i32_1 = arith.constant 0 : i32
    return %c0_i32, %c0_i32_0 : i32, i32
  }
  func.func @transform_16(%arg0: i32) -> (i32, i32) {
    %c0_i32 = arith.constant 0 : i32
    %c0_i32_0 = arith.constant 0 : i32
    %c0_i32_1 = arith.constant 0 : i32
    return %c0_i32, %c0_i32_0 : i32, i32
  }
  func.func @transform_17(%arg0: i32) -> (i32, i32) {
    %c0_i32 = arith.constant 0 : i32
    %c0_i32_0 = arith.constant 0 : i32
    return %arg0, %c0_i32 : i32, i32
  }
  func.func @transform_18(%arg0: i32) -> (i32, i32) {
    %c0_i32 = arith.constant 0 : i32
    %c0_i32_0 = arith.constant 0 : i32
    return %arg0, %c0_i32 : i32, i32
  }
  func.func @transform_19(%arg0: i32) -> i32 {
    %c0_i32 = arith.constant 0 : i32
    return %arg0 : i32
  }
  func.func @transform_20(%arg0: i32) -> i32 {
    %c0_i32 = arith.constant 0 : i32
    return %arg0 : i32
  }
  func.func @transform_21(%arg0: i32) -> i32 {
    %c0_i32 = arith.constant 0 : i32
    return %arg0 : i32
  }
}

module attributes {stable_mosaic.version = 14 : i64} {
  func.func @_node_body(%arg0: i32, %arg1: memref<10000x128xf32, #tpu.memory_space<vmem>>, %arg2: memref<10000x128xf32, #tpu.memory_space<vmem>>, %arg3: memref<10000x128xf32, #tpu.memory_space<vmem>>, %arg4: memref<32x10000xf32, #tpu.memory_space<vmem>>, %arg5: memref<10000xf32, #tpu.memory_space<vmem>>, %arg6: memref<10000xf32, #tpu.memory_space<vmem>>, %arg7: memref<10000xf32, #tpu.memory_space<vmem>>, %arg8: memref<128x256xf32, #tpu.memory_space<vmem>>, %arg9: memref<128x256xf32, #tpu.memory_space<vmem>>, %arg10: memref<128x256xf32, #tpu.memory_space<vmem>>, %arg11: memref<1x256xf32, #tpu.memory_space<vmem>>, %arg12: memref<256x128xf32, #tpu.memory_space<vmem>>, %arg13: memref<1x128xf32, #tpu.memory_space<vmem>>, %arg14: memref<10000x128xf32, #tpu.memory_space<vmem>>, %arg15: memref<10000xf32, #tpu.memory_space<vmem>>, %arg16: memref<10000xf32, #tpu.memory_space<vmem>>, %arg17: memref<10000xf32, #tpu.memory_space<vmem>>) attributes {dimension_semantics = [#tpu.dimension_semantics<arbitrary>], iteration_bounds = array<i64: 1>, scalar_prefetch = 0 : i64, scratch_operands = 0 : i64, tpu.core_type = #tpu.core_type<tc>, window_params = [{transform_indices = @transform_0, window_bounds = array<i64: 10000, 128>}, {transform_indices = @transform_1, window_bounds = array<i64: 10000, 128>}, {transform_indices = @transform_2, window_bounds = array<i64: 10000, 128>}, {transform_indices = @transform_3, window_bounds = array<i64: 32, 10000>}, {transform_indices = @transform_4, window_bounds = array<i64: 10000>}, {transform_indices = @transform_5, window_bounds = array<i64: 10000>}, {transform_indices = @transform_6, window_bounds = array<i64: 10000>}, {pipeline_mode = #tpu.pipeline_mode<synchronous>, transform_indices = @transform_7, window_bounds = array<i64: 128, 256>}, {pipeline_mode = #tpu.pipeline_mode<synchronous>, transform_indices = @transform_8, window_bounds = array<i64: 128, 256>}, {pipeline_mode = #tpu.pipeline_mode<synchronous>, transform_indices = @transform_9, window_bounds = array<i64: 128, 256>}, {pipeline_mode = #tpu.pipeline_mode<synchronous>, transform_indices = @transform_10, window_bounds = array<i64: 1, 256>}, {pipeline_mode = #tpu.pipeline_mode<synchronous>, transform_indices = @transform_11, window_bounds = array<i64: 256, 128>}, {pipeline_mode = #tpu.pipeline_mode<synchronous>, transform_indices = @transform_12, window_bounds = array<i64: 1, 128>}, {transform_indices = @transform_13, window_bounds = array<i64: 10000, 128>}, {transform_indices = @transform_14, window_bounds = array<i64: 10000>}, {transform_indices = @transform_15, window_bounds = array<i64: 10000>}, {transform_indices = @transform_16, window_bounds = array<i64: 10000>}]} {
    %get3A = arith.constant 0 : index
    %get3A_0 = arith.constant 0 : index
    %get3A_1 = vector.load %arg1[%get3A, %get3A_0] : memref<10000x128xf32, #tpu.memory_space<vmem>>, vector<10000x128xf32>
    %get3A_2 = arith.constant 0 : index
    %get3A_3 = arith.constant 0 : index
    %get3A_4 = vector.load %arg8[%get3A_2, %get3A_3] : memref<128x256xf32, #tpu.memory_space<vmem>>, vector<128x256xf32>
    %dot_general3A = arith.constant dense<0.000000e+00> : vector<10000x256xf32>
    %dot_general3A_5 = tpu.matmul %get3A_1, %get3A_4, %dot_general3A {dimension_numbers = #tpu.dot_dimension_numbers<[1], [0], [0], [1], [0, 0, 1, 1], [], []>, transpose_lhs_hint = false} : vector<10000x128xf32>, vector<128x256xf32>, vector<10000x256xf32> -> vector<10000x256xf32>
    %get3A_6 = arith.constant 0 : index
    %get3A_7 = arith.constant 0 : index
    %get3A_8 = vector.load %arg2[%get3A_6, %get3A_7] : memref<10000x128xf32, #tpu.memory_space<vmem>>, vector<10000x128xf32>
    %get3A_9 = arith.constant 0 : index
    %get3A_10 = arith.constant 0 : index
    %get3A_11 = vector.load %arg9[%get3A_9, %get3A_10] : memref<128x256xf32, #tpu.memory_space<vmem>>, vector<128x256xf32>
    %dot_general3A_12 = arith.constant dense<0.000000e+00> : vector<10000x256xf32>
    %dot_general3A_13 = tpu.matmul %get3A_8, %get3A_11, %dot_general3A_12 {dimension_numbers = #tpu.dot_dimension_numbers<[1], [0], [0], [1], [0, 0, 1, 1], [], []>, transpose_lhs_hint = false} : vector<10000x128xf32>, vector<128x256xf32>, vector<10000x256xf32> -> vector<10000x256xf32>
    %add3A = arith.addf %dot_general3A_5, %dot_general3A_13 : vector<10000x256xf32>
    %get3A_14 = arith.constant 0 : index
    %get3A_15 = arith.constant 0 : index
    %get3A_16 = vector.load %arg3[%get3A_14, %get3A_15] : memref<10000x128xf32, #tpu.memory_space<vmem>>, vector<10000x128xf32>
    %get3A_17 = arith.constant 0 : index
    %get3A_18 = arith.constant 0 : index
    %get3A_19 = vector.load %arg10[%get3A_17, %get3A_18] : memref<128x256xf32, #tpu.memory_space<vmem>>, vector<128x256xf32>
    %dot_general3A_20 = arith.constant dense<0.000000e+00> : vector<10000x256xf32>
    %dot_general3A_21 = tpu.matmul %get3A_16, %get3A_19, %dot_general3A_20 {dimension_numbers = #tpu.dot_dimension_numbers<[1], [0], [0], [1], [0, 0, 1, 1], [], []>, transpose_lhs_hint = false} : vector<10000x128xf32>, vector<128x256xf32>, vector<10000x256xf32> -> vector<10000x256xf32>
    %add3A_22 = arith.addf %add3A, %dot_general3A_21 : vector<10000x256xf32>
    %get3A_23 = arith.constant 0 : index
    %get3A_24 = arith.constant 0 : index
    %get3A_25 = vector.load %arg11[%get3A_23, %get3A_24] : memref<1x256xf32, #tpu.memory_space<vmem>>, vector<1x256xf32>
    %add3A_26 = vector.broadcast %get3A_25 : vector<1x256xf32> to vector<10000x256xf32>
    %add3A_27 = arith.addf %add3A_22, %add3A_26 : vector<10000x256xf32>
    %max3A = arith.constant 0.000000e+00 : f32
    %max3A_28 = vector.broadcast %max3A : f32 to vector<10000x256xf32>
    %max3A_29 = arith.maximumf %add3A_27, %max3A_28 : vector<10000x256xf32>
    %get3A_30 = arith.constant 0 : index
    %get3A_31 = arith.constant 0 : index
    %get3A_32 = vector.load %arg12[%get3A_30, %get3A_31] : memref<256x128xf32, #tpu.memory_space<vmem>>, vector<256x128xf32>
    %dot_general3A_33 = arith.constant dense<0.000000e+00> : vector<10000x128xf32>
    %dot_general3A_34 = tpu.matmul %max3A_29, %get3A_32, %dot_general3A_33 {dimension_numbers = #tpu.dot_dimension_numbers<[1], [0], [0], [1], [0, 0, 1, 1], [], []>, transpose_lhs_hint = false} : vector<10000x256xf32>, vector<256x128xf32>, vector<10000x128xf32> -> vector<10000x128xf32>
    %get3A_35 = arith.constant 0 : index
    %get3A_36 = arith.constant 0 : index
    %get3A_37 = vector.load %arg13[%get3A_35, %get3A_36] : memref<1x128xf32, #tpu.memory_space<vmem>>, vector<1x128xf32>
    %add3A_38 = vector.broadcast %get3A_37 : vector<1x128xf32> to vector<10000x128xf32>
    %add3A_39 = arith.addf %dot_general3A_34, %add3A_38 : vector<10000x128xf32>
    %add3A_40 = arith.addf %get3A_1, %add3A_39 : vector<10000x128xf32>
    %swap3A = arith.constant 0 : index
    %swap3A_41 = arith.constant 0 : index
    %swap3A_42 = vector.load %arg14[%swap3A, %swap3A_41] : memref<10000x128xf32, #tpu.memory_space<vmem>>, vector<10000x128xf32>
    tpu.vector_store %arg14[%swap3A, %swap3A_41], %add3A_40 {strides = array<i32>} : memref<10000x128xf32, #tpu.memory_space<vmem>>, vector<10000x128xf32>,
    %get3A_43 = arith.constant 0 : index
    %get3A_44 = arith.constant 0 : index
    %get3A_45 = vector.load %arg4[%get3A_43, %get3A_44] : memref<32x10000xf32, #tpu.memory_space<vmem>>, vector<32x10000xf32>
    %slice3A = vector.extract_strided_slice %get3A_45 {offsets = [0, 0], sizes = [8, 10000], strides = [1, 1]} : vector<32x10000xf32> to vector<8x10000xf32>
    %reduce_sum3A = arith.constant dense<0.000000e+00> : vector<10000xf32>
    %reduce_sum3A_46 = vector.multi_reduction <add>, %slice3A, %reduce_sum3A [0] : vector<8x10000xf32> to vector<10000xf32>
    %slice3A_47 = vector.extract_strided_slice %get3A_45 {offsets = [8, 0], sizes = [8, 10000], strides = [1, 1]} : vector<32x10000xf32> to vector<8x10000xf32>
    %reduce_sum3A_48 = arith.constant dense<0.000000e+00> : vector<10000xf32>
    %reduce_sum3A_49 = vector.multi_reduction <add>, %slice3A_47, %reduce_sum3A_48 [0] : vector<8x10000xf32> to vector<10000xf32>
    %slice3A_50 = vector.extract_strided_slice %get3A_45 {offsets = [16, 0], sizes = [8, 10000], strides = [1, 1]} : vector<32x10000xf32> to vector<8x10000xf32>
    %reduce_sum3A_51 = arith.constant dense<0.000000e+00> : vector<10000xf32>
    %reduce_sum3A_52 = vector.multi_reduction <add>, %slice3A_50, %reduce_sum3A_51 [0] : vector<8x10000xf32> to vector<10000xf32>
    %slice3A_53 = vector.extract_strided_slice %get3A_45 {offsets = [24, 0], sizes = [8, 10000], strides = [1, 1]} : vector<32x10000xf32> to vector<8x10000xf32>
    %reduce_sum3A_54 = arith.constant dense<0.000000e+00> : vector<10000xf32>
    %reduce_sum3A_55 = vector.multi_reduction <add>, %slice3A_53, %reduce_sum3A_54 [0] : vector<8x10000xf32> to vector<10000xf32>
    %max3A_56 = arith.constant 1.000000e+00 : f32
    %max3A_57 = vector.broadcast %max3A_56 : f32 to vector<10000xf32>
    %max3A_58 = arith.maximumf %reduce_sum3A_55, %max3A_57 : vector<10000xf32>
    %get3A_59 = arith.constant 0 : index
    %get3A_60 = vector.load %arg5[%get3A_59] : memref<10000xf32, #tpu.memory_space<vmem>>, vector<10000xf32>
    %div3A = arith.divf %reduce_sum3A_46, %max3A_58 : vector<10000xf32>
    %add3A_61 = arith.addf %get3A_60, %div3A : vector<10000xf32>
    %swap3A_62 = arith.constant 0 : index
    %swap3A_63 = vector.load %arg15[%swap3A_62] : memref<10000xf32, #tpu.memory_space<vmem>>, vector<10000xf32>
    tpu.vector_store %arg15[%swap3A_62], %add3A_61 {strides = array<i32>} : memref<10000xf32, #tpu.memory_space<vmem>>, vector<10000xf32>,
    %get3A_64 = arith.constant 0 : index
    %get3A_65 = vector.load %arg6[%get3A_64] : memref<10000xf32, #tpu.memory_space<vmem>>, vector<10000xf32>
    %div3A_66 = arith.divf %reduce_sum3A_49, %max3A_58 : vector<10000xf32>
    %add3A_67 = arith.addf %get3A_65, %div3A_66 : vector<10000xf32>
    %swap3A_68 = arith.constant 0 : index
    %swap3A_69 = vector.load %arg16[%swap3A_68] : memref<10000xf32, #tpu.memory_space<vmem>>, vector<10000xf32>
    tpu.vector_store %arg16[%swap3A_68], %add3A_67 {strides = array<i32>} : memref<10000xf32, #tpu.memory_space<vmem>>, vector<10000xf32>,
    %get3A_70 = arith.constant 0 : index
    %get3A_71 = vector.load %arg7[%get3A_70] : memref<10000xf32, #tpu.memory_space<vmem>>, vector<10000xf32>
    %div3A_72 = arith.divf %reduce_sum3A_52, %max3A_58 : vector<10000xf32>
    %add3A_73 = arith.addf %get3A_71, %div3A_72 : vector<10000xf32>
    %swap3A_74 = arith.constant 0 : index
    %swap3A_75 = vector.load %arg17[%swap3A_74] : memref<10000xf32, #tpu.memory_space<vmem>>, vector<10000xf32>
    tpu.vector_store %arg17[%swap3A_74], %add3A_73 {strides = array<i32>} : memref<10000xf32, #tpu.memory_space<vmem>>, vector<10000xf32>,
    return
  }
  func.func @transform_0(%arg0: i32) -> (i32, i32) {
    %c0_i32 = arith.constant 0 : i32
    %c0_i32_0 = arith.constant 0 : i32
    return %arg0, %c0_i32 : i32, i32
  }
  func.func @transform_1(%arg0: i32) -> (i32, i32) {
    %c0_i32 = arith.constant 0 : i32
    %c0_i32_0 = arith.constant 0 : i32
    return %arg0, %c0_i32 : i32, i32
  }
  func.func @transform_2(%arg0: i32) -> (i32, i32) {
    %c0_i32 = arith.constant 0 : i32
    %c0_i32_0 = arith.constant 0 : i32
    return %arg0, %c0_i32 : i32, i32
  }
  func.func @transform_3(%arg0: i32) -> (i32, i32) {
    %c0_i32 = arith.constant 0 : i32
    %c0_i32_0 = arith.constant 0 : i32
    return %c0_i32, %arg0 : i32, i32
  }
  func.func @transform_4(%arg0: i32) -> i32 {
    %c0_i32 = arith.constant 0 : i32
    return %arg0 : i32
  }
  func.func @transform_5(%arg0: i32) -> i32 {
    %c0_i32 = arith.constant 0 : i32
    return %arg0 : i32
  }
  func.func @transform_6(%arg0: i32) -> i32 {
    %c0_i32 = arith.constant 0 : i32
    return %arg0 : i32
  }
  func.func @transform_7(%arg0: i32) -> (i32, i32) {
    %c0_i32 = arith.constant 0 : i32
    %c0_i32_0 = arith.constant 0 : i32
    %c0_i32_1 = arith.constant 0 : i32
    return %c0_i32, %c0_i32_0 : i32, i32
  }
  func.func @transform_8(%arg0: i32) -> (i32, i32) {
    %c0_i32 = arith.constant 0 : i32
    %c0_i32_0 = arith.constant 0 : i32
    %c0_i32_1 = arith.constant 0 : i32
    return %c0_i32, %c0_i32_0 : i32, i32
  }
  func.func @transform_9(%arg0: i32) -> (i32, i32) {
    %c0_i32 = arith.constant 0 : i32
    %c0_i32_0 = arith.constant 0 : i32
    %c0_i32_1 = arith.constant 0 : i32
    return %c0_i32, %c0_i32_0 : i32, i32
  }
  func.func @transform_10(%arg0: i32) -> (i32, i32) {
    %c0_i32 = arith.constant 0 : i32
    %c0_i32_0 = arith.constant 0 : i32
    %c0_i32_1 = arith.constant 0 : i32
    return %c0_i32, %c0_i32_0 : i32, i32
  }
  func.func @transform_11(%arg0: i32) -> (i32, i32) {
    %c0_i32 = arith.constant 0 : i32
    %c0_i32_0 = arith.constant 0 : i32
    %c0_i32_1 = arith.constant 0 : i32
    return %c0_i32, %c0_i32_0 : i32, i32
  }
  func.func @transform_12(%arg0: i32) -> (i32, i32) {
    %c0_i32 = arith.constant 0 : i32
    %c0_i32_0 = arith.constant 0 : i32
    %c0_i32_1 = arith.constant 0 : i32
    return %c0_i32, %c0_i32_0 : i32, i32
  }
  func.func @transform_13(%arg0: i32) -> (i32, i32) {
    %c0_i32 = arith.constant 0 : i32
    %c0_i32_0 = arith.constant 0 : i32
    return %arg0, %c0_i32 : i32, i32
  }
  func.func @transform_14(%arg0: i32) -> i32 {
    %c0_i32 = arith.constant 0 : i32
    return %arg0 : i32
  }
  func.func @transform_15(%arg0: i32) -> i32 {
    %c0_i32 = arith.constant 0 : i32
    return %arg0 : i32
  }
  func.func @transform_16(%arg0: i32) -> i32 {
    %c0_i32 = arith.constant 0 : i32
    return %arg0 : i32
  }
}

</mosaic_0001>

<sc_bundles>
// kernel: kernel.6.cloned.1.call-start
scs
__scs_entry_jumppad:
0x0: {  	(pc) =	sbr.rel $0x88, $3  }
0x1: {  	(tag) =	ssettag $0x0;
	lr =	simm.s32 $0x1  }
0x2: {  	[smem:$0x3F92] =	sst lr;
	_ =	strace $0xD0000000  }
0x3: {  	_ = 	snop  }
0x4: {  	_ = 	snop  }
0x5: {  	_ = 	snop  }
0x6: {  	_ = 	snop  }
0x7: {  	_ = 	snop  }
__scs_overlays_trampoline_lowered:
0x8: {  	[smem:$0x3FA1] =	sst s0  }
0x9: {  	[smem:$0x3FA2] =	sst s1  }
0xa: {  	[smem:$0x3FA3] =	sst s2  }
0xb: {  	[smem:$0x3FA4] =	sst s3  }
0xc: {  	[smem:$0x3FA5] =	sst s4  }
0xd: {  	[smem:$0x3FA6] =	sst s5  }
0xe: {  	[smem:$0x3FA7] =	sst s6  }
0xf: {  	[smem:$0x3FA8] =	sst s7  }
0x10: {  	[smem:$0x3FA9] =	sst s8  }
0x11: {  	[smem:$0x3FAA] =	sst s9;
	s0 =	simm.s32 @!p0 $0x0  }
0x12: {  	s1 =	sld [smem:$0x3F90];
	s0 =	simm.s32 @p0 $0x1  }
0x13: {  	[smem:$0x3FAB] =	sst s0;
	s0 =	simm.s32 @!p1 $0x0  }
0x14: {  	s2 =	sld [smem:$0x3F8F];
	s0 =	simm.s32 @p1 $0x1  }
0x15: {  	[smem:$0x3FAC] =	sst s0;
	s0 =	simm.s32 @!p2 $0x0  }
0x16: {  	s3 =	sld [smem:$0x3FDB];
	s0 =	simm.s32 @p2 $0x1  }
0x17: {  	s4 =	simm.s32 $0x1BF5;
	[smem:$0x3FAE] =	sst s0  }
0x18: {  	s0 =	sld [smem:$0x3F91];
	_ =	swait.ge [sflag:s4], $0x0  }
0x19: {  	s7 =	sld [smem:$0x3F92]  }
0x1a: {  	s8 =	sadd.s32 $0xFFFFE003, lr  }
0x1b: {  	s9 =	sadd.s32 $0xFFFFFEF7, lr;
	s5 =	simm.s32 $0xFFFFFFFF;
	p2 =	slt.u32 s8, $0xFFFFF086  }
0x1c: {  	p1 =	slt.u32 s9, $0xF7A;
	s5 =	simm.s32 @!p2 $0x0  }
0x1d: {  	s5 =	simm.s32 @p1 $0x1;
	p0 =	seq.s32 s7, s2  }
0x1e: {  	s7 =	smul.u32 @!p0 $0xF7A, s2;
	p2 =	seq.s32 @!p0 s5, $0x0  }
0x1f: {  	s9 =	smul.u32 $0xF7A, s1;
	s8 =	simm.s32 @!p0 $0x1BF5;
	p2 =	por !p2, p0  }
0x20: {  	[sflag:s8] =	ssyncset.s32 @!p0 $0xFFFFF086;
	s6 =	sadd.s32 @!p0 s3, s7;
	s7 =	simm.s32 @!p0 $0x108  }
0x21: {  	s3 =	sadd.s32 s3, s9;
	s6 =	sadd.s32 @!p0 $0x88, s6;
	s7 =	simm.s32 @p2 $0x1082  }
0x22: {  	[simem:s7], [sflag:s8] =	dma.local @!p0 [hbm:s6], $0xF7A  }
0x23: {  	s9 =	sor.u32 $0xD0000000, s2;
	s6 =	simm.s32 $0x108;
	_ =	swait.ge @!p0 [sflag:s8], $0x0  }
0x24: {  	s3 =	sadd.s32 $0x88, s3;
	s6 =	simm.s32 @!p1 $0x1082;
	[sflag:s4] =	ssyncset.s32 $0xFFFFF086  }
0x25: {  	[simem:s6], [sflag:s4] =	dma.local [hbm:s3], $0xF7A  }
0x26: {  	[smem:$0x3F92] =	sst s1;
	(tag) =	ssettag s2;
	_ =	strace s9  }
0x27: {  	s1 =	sld [smem:$0x3FA2]  }
0x28: {  	s2 =	sld [smem:$0x3FA3]  }
0x29: {  	s4 =	sld [smem:$0x3FA5]  }
0x2a: {  	p0 =	seq.s32 s5, $0x0;
	s5 =	sld [smem:$0x3FA6]  }
0x2b: {  	s6 =	sld [smem:$0x3FA7]  }
0x2c: {  	s7 =	sld [smem:$0x3FA8]  }
0x2d: {  	s3 =	simm.s32 $0x108;
	s8 =	sld [smem:$0x3FA9]  }
0x2e: {  	s3 =	simm.s32 @!p0 $0x1082;
	s9 =	sld [smem:$0x3FAA]  }
0x2f: {  	lr =	sadd.s32 s0, s3;
	s0 =	sld [smem:$0x3FA1]  }
0x30: {  	s3 =	sld [smem:$0x3FA4]  }
0x31: {  	[smem:$0x3FAD] =	sst s10  }
0x32: {  	s10 =	sld [smem:$0x3FAB];
	_ =	sdelay $0x3  }
0x33: {  	p0 =	seq.s32 s10, $0x1;
	s10 =	sld [smem:$0x3FAD];
	_ =	sdelay $0x3  }
0x34: {  	[smem:$0x3FAD] =	sst s10  }
0x35: {  	s10 =	sld [smem:$0x3FAC];
	_ =	sdelay $0x3  }
0x36: {  	p1 =	seq.s32 s10, $0x1;
	s10 =	sld [smem:$0x3FAD];
	_ =	sdelay $0x3  }
0x37: {  	[smem:$0x3FAD] =	sst s10  }
0x38: {  	s10 =	sld [smem:$0x3FAE]  }
0x39: {  	_ = 	snop;
	(pc) =	sbr.ind lr, $3  }
0x3a: {  	_ = 	snop  }
0x3b: {  	_ = 	snop  }
0x3c: {  	p2 =	seq.s32 s10, $0x1;
	s10 =	sld [smem:$0x3FAD]  }
0x3d: {  	_ =	shalt  }
0x3e: {  	_ =	shalt  }
0x3f: {  	_ =	shalt  }
0x40: {  	_ =	shalt  }
0x41: {  	_ =	shalt  }
0x42: {  	_ =	shalt  }
0x43: {  	_ =	shalt  }
0x44: {  	_ =	shalt  }
0x45: {  	_ =	shalt  }
0x46: {  	_ =	shalt  }
0x47: {  	_ =	shalt  }
0x48: {  	_ =	shalt  }
0x49: {  	_ =	shalt  }
0x4a: {  	_ =	shalt  }
0x4b: {  	_ =	shalt  }
0x4c: {  	_ =	shalt  }
0x4d: {  	_ =	shalt  }
0x4e: {  	_ =	shalt  }
0x4f: {  	_ =	shalt  }
0x50: {  	_ =	shalt  }
0x51: {  	_ =	shalt  }
0x52: {  	_ =	shalt  }
0x53: {  	_ =	shalt  }
0x54: {  	_ =	shalt  }
0x55: {  	_ =	shalt  }
0x56: {  	_ =	shalt  }
0x57: {  	_ =	shalt  }
0x58: {  	_ =	shalt  }
0x59: {  	_ =	shalt  }
0x5a: {  	_ =	shalt  }
0x5b: {  	_ =	shalt  }
0x5c: {  	_ =	shalt  }
0x5d: {  	_ =	shalt  }
0x5e: {  	_ =	shalt  }
0x5f: {  	_ =	shalt  }
0x60: {  	_ =	shalt  }
0x61: {  	_ =	shalt  }
0x62: {  	_ =	shalt  }
0x63: {  	_ =	shalt  }
0x64: {  	_ =	shalt  }
0x65: {  	_ =	shalt  }
0x66: {  	_ =	shalt  }
0x67: {  	_ =	shalt  }
0x68: {  	_ =	shalt  }
0x69: {  	_ =	shalt  }
0x6a: {  	_ =	shalt  }
0x6b: {  	_ =	shalt  }
0x6c: {  	_ =	shalt  }
0x6d: {  	_ =	shalt  }
0x6e: {  	_ =	shalt  }
0x6f: {  	_ =	shalt  }
0x70: {  	_ =	shalt  }
0x71: {  	_ =	shalt  }
0x72: {  	_ =	shalt  }
0x73: {  	_ =	shalt  }
0x74: {  	_ =	shalt  }
0x75: {  	_ =	shalt  }
0x76: {  	_ =	shalt  }
0x77: {  	_ =	shalt  }
0x78: {  	_ =	shalt  }
0x79: {  	_ =	shalt  }
0x7a: {  	_ =	shalt  }
0x7b: {  	_ =	shalt  }
0x7c: {  	_ =	shalt  }
0x7d: {  	_ =	shalt  }
0x7e: {  	_ =	shalt  }
0x7f: {  	_ =	shalt  }
0x80: {  	_ =	shalt  }
0x81: {  	_ =	shalt  }
0x82: {  	_ =	shalt  }
0x83: {  	_ =	shalt  }
0x84: {  	_ =	shalt  }
0x85: {  	_ =	shalt  }
0x86: {  	_ =	shalt  }
0x87: {  	_ =	shalt  }
.Lfunc_end0:
.L_simem_size_0:
called_computation_lowered:
.L_overlay_start_0:
0x88: {  	s2 =	sld [smem:$0x3FD9]  }
0x89: {  	s3 =	sld [smem:$0x3FFE];
	_ =	sdelay $0x1  }
0x8a: {  	s1 =	srdreg.scid  }
0x8b: {  	s0 =	sand.u32 $0x1, s1  }
0x8c: {  	s14 =	sshll.u32 s0, $0xA;
	s2 =	sadd.s32 s3, s2  }
0x8d: {  	s2 =	sadd.s32 s2, s14  }
0x8e: {  	[smem:$0x3FB9] =	sst s2  }
0x8f: {  	_ = 	snop  }
0x90: {  	s2 =	sld [smem:$0x3FD0];
	_ =	sdelay $0x2  }
0x91: {  	s4 =	simm.s32 $0xA;
	s5 =	simm.s32 $0x10;
	s15 =	sld [smem:$0x3FC9]  }
0x92: {  	[smem:s5], [sflag:s4] =	dma.local [hbm:s2], $0x1  }
0x93: {  	_ =	swait.eq [sflag:s4], $0x1  }
0x94: {  	s16 =	sld [smem:$0x10];
	[sflag:s4] =	ssyncset.done $0x0  }
0x95: {  	s17 =	sld [smem:$0x11];
	[sflag:s4] =	ssyncadd.s32 $0xFFFFFFFF  }
0x96: {  	s18 =	sld [smem:$0x12];
	(tm) =	ssettm $0x1  }
0x97: {  	s6 =	sld [smem:$0x3FFB];
	_ =	sdelay $0x3  }
0x98: {  	_ =	strace s6  }
0x99: {  	s6 =	sld [smem:$0x3FFC];
	_ =	sdelay $0x3  }
0x9a: {  	_ =	strace s6  }
0x9b: {  	s6 =	sld [smem:$0x3FFD];
	_ =	sdelay $0x3  }
0x9c: {  	_ =	strace s6  }
0x9d: {  	_ =	strace $0x8FFFFFFF  }
0x9e: {  	s19 =	sld [smem:$0x3FDB];
	_ =	sdelay $0x1  }
0x9f: {  	s7 =	simm.s32 $_scs_section_size  }
0xa0: {  	s8 =	simm.s32 $_size__tile_overlayer_lowered;
	s9 =	simm.s32 $_tile_overlayer_lowered  }
0xa1: {  	s22 =	simm.s32 $0x1BFF;
	s21 =	sshll.u32 s9, $0x1;
	s6 =	sadd.s32 s7, s19  }
0xa2: {  	s10 =	simm.s32 $0x0;
	s20 =	sshll.u32 s8, $0x1;
	s8 =	sadd.s32 s21, s6  }
0xa3: {  	[timem:s10], [sflag:s22] =	dma.local [hbm:s8], s20  }
0xa4: {  	_ =	swait.ge [sflag:s22], s20  }
0xa5: {  	s7 =	ssub.s32 $0x0, s20;
	[sflag:s22] =	ssyncset.done $0x0  }
0xa6: {  	[sflag:s22] =	ssyncadd.s32 s7;
	_ =	sdelay $0x1  }
0xa7: {  	s23 =	simm.s32 $0x1B8B  }
0xa8: {  	_ =	swait.ge [sflag:s23], $0x1  }
0xa9: {  	[sflag:s23] =	ssyncset.done $0x0  }
0xaa: {  	s25 =	simm.s32 $0x1B8E;
	s24 =	sld [smem:$0x3FFE];
	[sflag:s23] =	ssyncadd.s32 $0xFFFFFFFF  }
0xab: {  	s26 =	simm.s32 $execute0_lowered;
	[smem:$0x3FD2] =	sst s25  }
0xac: {  	s8 =	sshll.u32 s26, $0x1;
	_ =	strace $0x80000046;
	[dreg:$0x1] =	wrdreg $0xFFFFFFFF  }
0xad: {  	s28 =	simm.s32 $_size_execute0_lowered;
	s6 =	sadd.s32 s6, s8;
	[dreg:$0x0] =	wrdreg $0x0  }
0xae: {  	s8 =	sshll.u32 s28, $0x1;
	[dreg:$0x2] =	wrdreg s6  }
0xaf: {  	[dreg:$0x3] =	wrdreg s8  }
0xb0: {  	[dreg:$0x4] =	wrdreg $0xC0  }
0xb1: {  	_ =	task [dreg:s10], $0x5FFFF  }
0xb2: {  	[dreg:$0x1] =	wrdreg $0xFFFFFFFF  }
0xb3: {  	[dreg:$0x0] =	wrdreg $0x60  }
0xb4: {  	[dreg:$0x2] =	wrdreg s15  }
0xb5: {  	[dreg:$0x3] =	wrdreg s24  }
0xb6: {  	[dreg:$0x4] =	wrdreg s17  }
0xb7: {  	[dreg:$0x5] =	wrdreg s16  }
0xb8: {  	[dreg:$0x6] =	wrdreg s18  }
0xb9: {  	[dreg:$0x7] =	wrdreg $0x9  }
0xba: {  	_ =	task.clear_ibuf [dreg:s10], $0x8FFFF;
	_ =	strace $0x90000046  }
0xbb: {  	s29 =	simm.s32 $0x9;
	_ =	strace $0x80000048  }
0xbc: {  	_ =	swait.ge [sflag:s29], $0x1  }
0xbd: {  	[sflag:s29] =	ssyncadd.s32 $0xFFFFFFFF  }
0xbe: {  	_ =	strace $0x90000048  }
0xbf: {  	_ =	sfence  }
0xc0: {  	s30 =	sld [smem:$0x0];
	_ =	sdelay $0x2  }
0xc1: {  	s31 =	sshll.u32 s1, $0xD;
	s1 =	sshrl.u32 s1, $0x2  }
0xc2: {  	s3 =	sand.u32 $0x4000, s31;
	s1 =	sadd.s32 s1, s30  }
0xc3: {  	s0 =	sor.u32 s3, s0;
	s1 =	sshll.u32 s1, $0x11  }
0xc4: {  	s0 =	sor.u32 s1, s0  }
0xc5: {  	s0 =	sadd.s32 $0x8F2B, s0  }
0xc6: {  	[sflag:s0] =	ssyncadd.remote.s32 $0x1  }
0xc7: {  	_ =	sfence.sel $0xFFFF  }
0xc8: {  	[dreg:$0x0] =	wrdreg $0xFFFFFFFF;
	(pc) =	sbr.abs _section_cstart, $3  }
0xc9: {  	[dreg:$0x1] =	wrdreg $0xFFFFFFFF  }
0xca: {  	_ =	task.clear_ibuf [dreg:s10], $0x2FFFF;
	_ =	strace $0x9FFFFFFF  }
0xcb: {  	(tm) =	ssettm $0x7FFFFFFF  }
tec
execute0_lowered:
.L_overlay_start_1:
0x0: {  	(tag) =	ssettag $0x1  }
0x1: {  	s1 =	rddreg [dreg:$0x0]  }
0x2: {  	s0 =	rddreg [dreg:$0x1]  }
0x3: {  	s2 =	rddreg [dreg:$0x2]  }
0x4: {  	s12 =	rddreg [dreg:$0x3]  }
0x5: {  	s11 =	rddreg [dreg:$0x4];
	s5 =	srdreg.scid  }
0x6: {  	s3 =	stileid.u32;
	s4 =	simm.s32 $0x0;
	s16 =	simm.s32 $0x7880  }
0x7: {  	s17 =	simm.s32 $0xA000;
	s18 =	simm.s32 $0x80;
	s19 =	simm.s32 $0x50  }
0x8: {  	s20 =	simm.s32 $0x100;
	s21 =	simm.s32 $0x2900;
	s22 =	simm.s32 $0x1  }
0x9: {  	s23 =	simm.s32 $0x2;
	s28 =	simm.s32 $0xC900;
	s29 =	simm.s32 $0x0  }
0xa: {  	s7 =	sand.u32 $0x1, s5;
	s8 =	smul.u32 $0x4E20, s3;
	[smem:$0x7FF] =	sst s4  }
0xb: {  	s5 =	sadd.s32 $0x3A00, s0;
	s6 =	sadd.s32 $0x3400, s0;
	s9 =	smul.u32 $0x2710, s7  }
0xc: {  	s24 =	smul.u32 $0x4E200, s3;
	_ =	strace $0x80000047;
	s10 =	ssub.s32 $0x2, s7  }
0xd: {  	s14 =	smul.u32 $0x27100, s7;
	s25 =	sshrl.u32 s10, $0x1;
	s8 =	sadd.s32 s9, s8  }
0xe: {  	s26 =	ssub.s32 s10, s25;
	s25 =	simm.s32 $0xC800;
	s13 =	sshrl.u32 s8, $0x3  }
0xf: {  	s7 =	smax.u32 s26, $0x1;
	s26 =	simm.s32 $0xC880;
	s15 =	sadd.s32 s13, s0  }
0x10: {  	s0 =	sadd.s32 s24, s0;
	s11 =	sadd.s32 s13, s11;
	s12 =	sadd.s32 s13, s12  }
0x11: {  	s24 =	simm.s32 $0xC780;
	s0 =	sadd.s32 s14, s0;
	s30 =	sadd.s32 $0x21A00, s15  }
0x12: {  	s31 =	sadd.s32 $0x17C00, s15;
	s10 =	sadd.s32 $0xDE00, s15;
	s13 =	sadd.s32 $0x4000, s15  }
0x13: {  	s14 =	simm.s32 $0x5100;
	s15 =	simm.s32 $0x3;
	[dreg:$0x6] =	wrdreg s30  }
0x14: {  	s8 =	sadd.s32 $0x2B800, s0;
	s9 =	sadd.s32 $0x50D800, s0;
	[dreg:$0x7] =	wrdreg s31  }
.LBB2_1:
0x15: {  	[tilespmem:s14], [sflag:$0x3] =	stream.linear.gather [hbm4b:s5+s4], $0x2780, $0x38;
	[tilespmem:$0xC980] =	vst v63  }
0x16: {  	_ =	swait.ge [sflag:s15], $0x2780  }
0x17: {  	[sflag:s15] =	ssyncset.done $0x0  }
0x18: {  	[sflag:s15] =	ssyncadd.s32 $0xFFFFD880  }
0x19: {  	[tilespmem:s16], [sflag:$0x3] =	stream.linear.gather [hbm4b:s6+s4], $0x2780, $0x38;
	[tilespmem:$0xC980] =	vst v63  }
0x1a: {  	_ =	swait.ge [sflag:s15], $0x2780  }
0x1b: {  	[sflag:s15] =	ssyncset.done $0x0  }
0x1c: {  	[sflag:s15] =	ssyncadd.s32 $0xFFFFD880  }
0x1d: {  	[tilespmem:s17], [sflag:$0x3] =	stream.linear.gather [hbm4b:s2+s4], $0x2780, $0x38;
	[tilespmem:$0xC980] =	vst v63  }
0x1e: {  	_ =	swait.ge [sflag:s15], $0x2780  }
0x1f: {  	s30 =	smov.u32 s9;
	[sflag:s15] =	ssyncset.done $0x0  }
0x20: {  	s31 =	smov.u32 s8;
	s0 =	simm.s32 $0x0;
	[sflag:s15] =	ssyncadd.s32 $0xFFFFD880  }
.LBB2_2:
0x21: {  	s3 =	sadd.s32 s0, s13  }
0x22: {  	[tilespmem:s4], [sflag:$0x3] =	stream.linear.gather [hbm4b:s3+s4], $0x50, $0x38;
	[tilespmem:$0xC980] =	vst v63  }
0x23: {  	_ =	swait.ge [sflag:s15], $0x50  }
0x24: {  	[sflag:s15] =	ssyncset.done $0x0  }
0x25: {  	s3 =	sadd.s32 s0, s12;
	[sflag:s15] =	ssyncadd.s32 $0xFFFFFFB0  }
0x26: {  	[tilespmem:s18], [sflag:$0x3] =	stream.linear.gather [hbm4b:s3+s4], $0x50, $0x38;
	[tilespmem:$0xC980] =	vst v63  }
0x27: {  	_ =	swait.ge [sflag:s15], $0x50  }
0x28: {  	[sflag:s15] =	ssyncset.done $0x0  }
0x29: {  	[sflag:s15] =	ssyncadd.s32 $0xFFFFFFB0  }
0x2a: {  	[tilespmem:s20], [sflag:$0x1] =	stream.indirect.gather [hbm4b:s1+s19], $0x80, s4, s19, $0xb8;
	[tilespmem:$0xC980] =	vst v63  }
0x2b: {  	_ = 	snop  }
0x2c: {  	[tilespmem:s21], [sflag:$0x2] =	stream.indirect.gather [hbm4b:s1+s19], $0x80, s18, s19, $0xb8;
	[tilespmem:$0xC980] =	vst v63  }
0x2d: {  	v0 =	vld [tilespmem:$0x0]  }
0x2e: {  	v1 =	vld [tilespmem:$0x80];
	_ =	sdelay $0x6  }
0x2f: {  	v2 =	vld.idx.msk [tilespmem:v0+s14+$0x0], $0xffff  }
0x30: {  	v3 =	vld.idx.msk [tilespmem:v1+s14+$0x0], $0xffff  }
0x31: {  	v4 =	vld.idx.msk [tilespmem:v0+s16+$0x0], $0xffff  }
0x32: {  	v5 =	vld.idx.msk [tilespmem:v1+s16+$0x0], $0xffff  }
0x33: {  	v0 =	vld.idx.msk [tilespmem:v0+s17+$0x0], $0xffff  }
0x34: {  	v1 =	vld.idx.msk [tilespmem:v1+s17+$0x0], $0xffff;
	_ =	sdelay $0x2  }
0x35: {  	v2 =	vsub.f32 v2, v3;
	v27 =	vsub.f32 v4, v5  }
0x36: {  	v28 =	vld [tilespmem:$0x10]  }
0x37: {  	v6 =	vld [tilespmem:$0x90];
	v0 =	vsub.f32 v0, v1;
	v29 =	vmul.f32 v2, v2;
	v5 =	vmul.f32 v27, v27;
	_ =	sdelay $0x1  }
0x38: {  	v30 =	vmul.f32 v0, v0;
	v1 =	vadd.f32 v5, v29  }
0x39: {  	[tilespmem:$0xC780] =	vst v2  }
0x3a: {  	[tilespmem:$0xC800] =	vst v27;
	v1 =	vadd.f32 v30, v1  }
0x3b: {  	[tilespmem:$0xC880] =	vst v0  }
0x3c: {  	[tilespmem:$0xC900] =	vst v1  }
0x3d: {  	v0 =	vld.idx.msk [tilespmem:v28+s14+$0x0], $0xffff  }
0x3e: {  	v1 =	vld.idx.msk [tilespmem:v6+s14+$0x0], $0xffff  }
0x3f: {  	v2 =	vld.idx.msk [tilespmem:v28+s16+$0x0], $0xffff  }
0x40: {  	v3 =	vld.idx.msk [tilespmem:v6+s16+$0x0], $0xffff  }
0x41: {  	v4 =	vld.idx.msk [tilespmem:v28+s17+$0x0], $0xffff  }
0x42: {  	v31 =	vld.idx.msk [tilespmem:v6+s17+$0x0], $0xffff;
	_ =	sdelay $0x2  }
0x43: {  	v0 =	vsub.f32 v0, v1;
	v32 =	vsub.f32 v2, v3  }
0x44: {  	v33 =	vld [tilespmem:$0x20]  }
0x45: {  	v37 =	vld [tilespmem:$0xA0];
	v34 =	vsub.f32 v4, v31;
	v35 =	vmul.f32 v0, v0;
	v36 =	vmul.f32 v32, v32;
	_ =	sdelay $0x1  }
0x46: {  	v38 =	vmul.f32 v34, v34;
	v4 =	vadd.f32 v36, v35  }
0x47: {  	[tilespmem:$0xC790] =	vst v0  }
0x48: {  	[tilespmem:$0xC810] =	vst v32;
	v39 =	vadd.f32 v38, v4  }
0x49: {  	[tilespmem:$0xC890] =	vst v34  }
0x4a: {  	[tilespmem:$0xC910] =	vst v39  }
0x4b: {  	v0 =	vld.idx.msk [tilespmem:v33+s14+$0x0], $0xffff  }
0x4c: {  	v1 =	vld.idx.msk [tilespmem:v37+s14+$0x0], $0xffff  }
0x4d: {  	v3 =	vld.idx.msk [tilespmem:v33+s16+$0x0], $0xffff  }
0x4e: {  	v40 =	vld.idx.msk [tilespmem:v37+s16+$0x0], $0xffff  }
0x4f: {  	v2 =	vld.idx.msk [tilespmem:v33+s17+$0x0], $0xffff  }
0x50: {  	v41 =	vld.idx.msk [tilespmem:v37+s17+$0x0], $0xffff;
	_ =	sdelay $0x2  }
0x51: {  	v0 =	vsub.f32 v0, v1;
	v42 =	vsub.f32 v3, v40  }
0x52: {  	v43 =	vld [tilespmem:$0x30]  }
0x53: {  	v46 =	vld [tilespmem:$0xB0];
	v2 =	vsub.f32 v2, v41;
	v44 =	vmul.f32 v0, v0;
	v45 =	vmul.f32 v42, v42;
	_ =	sdelay $0x1  }
0x54: {  	v47 =	vmul.f32 v2, v2;
	v4 =	vadd.f32 v45, v44  }
0x55: {  	[tilespmem:$0xC7A0] =	vst v0  }
0x56: {  	[tilespmem:$0xC820] =	vst v42;
	v48 =	vadd.f32 v47, v4  }
0x57: {  	[tilespmem:$0xC8A0] =	vst v2  }
0x58: {  	[tilespmem:$0xC920] =	vst v48  }
0x59: {  	v0 =	vld.idx.msk [tilespmem:v43+s14+$0x0], $0xffff  }
0x5a: {  	v1 =	vld.idx.msk [tilespmem:v46+s14+$0x0], $0xffff  }
0x5b: {  	v2 =	vld.idx.msk [tilespmem:v43+s16+$0x0], $0xffff  }
0x5c: {  	v49 =	vld.idx.msk [tilespmem:v46+s16+$0x0], $0xffff  }
0x5d: {  	v3 =	vld.idx.msk [tilespmem:v43+s17+$0x0], $0xffff  }
0x5e: {  	v50 =	vld.idx.msk [tilespmem:v46+s17+$0x0], $0xffff;
	_ =	sdelay $0x2  }
0x5f: {  	v0 =	vsub.f32 v0, v1;
	v51 =	vsub.f32 v2, v49  }
0x60: {  	v52 =	vld [tilespmem:$0x40]  }
0x61: {  	v55 =	vld [tilespmem:$0xC0];
	v3 =	vsub.f32 v3, v50;
	v53 =	vmul.f32 v0, v0;
	v54 =	vmul.f32 v51, v51;
	_ =	sdelay $0x1  }
0x62: {  	v56 =	vmul.f32 v3, v3;
	v4 =	vadd.f32 v54, v53  }
0x63: {  	[tilespmem:$0xC7B0] =	vst v0  }
0x64: {  	[tilespmem:$0xC830] =	vst v51;
	v57 =	vadd.f32 v56, v4  }
0x65: {  	[tilespmem:$0xC8B0] =	vst v3  }
0x66: {  	[tilespmem:$0xC930] =	vst v57  }
0x67: {  	v0 =	vld.idx.msk [tilespmem:v52+s14+$0x0], $0xffff  }
0x68: {  	v1 =	vld.idx.msk [tilespmem:v55+s14+$0x0], $0xffff  }
0x69: {  	v3 =	vld.idx.msk [tilespmem:v52+s16+$0x0], $0xffff  }
0x6a: {  	v58 =	vld.idx.msk [tilespmem:v55+s16+$0x0], $0xffff  }
0x6b: {  	v2 =	vld.idx.msk [tilespmem:v52+s17+$0x0], $0xffff  }
0x6c: {  	v59 =	vld.idx.msk [tilespmem:v55+s17+$0x0], $0xffff;
	_ =	sdelay $0x2  }
0x6d: {  	v0 =	vsub.f32 v0, v1;
	v60 =	vsub.f32 v3, v58;
	_ =	sdelay $0x1  }
0x6e: {  	v2 =	vsub.f32 v2, v59;
	v61 =	vmul.f32 v0, v0;
	v4 =	vmul.f32 v60, v60;
	_ =	sdelay $0x1  }
0x6f: {  	v62 =	vmul.f32 v2, v2;
	v3 =	vadd.f32 v4, v61  }
0x70: {  	[tilespmem:$0xC7C0] =	vst v0  }
0x71: {  	[tilespmem:$0xC840] =	vst v60;
	v63 =	vadd.f32 v62, v3  }
0x72: {  	[tilespmem:$0xC8C0] =	vst v2  }
0x73: {  	[tilespmem:$0xC940] =	vst v63  }
0x74: {  	_ =	swait.ge [sflag:s22], $0x2800  }
0x75: {  	[sflag:s22] =	ssyncset.done $0x0  }
0x76: {  	[sflag:s22] =	ssyncadd.s32 $0xFFFFD800  }
0x77: {  	_ =	swait.ge [sflag:s23], $0x2800  }
0x78: {  	[sflag:s23] =	ssyncset.done $0x0  }
0x79: {  	[sflag:s23] =	ssyncadd.s32 $0xFFFFD800  }
0x7a: {  	[hbm4b:s31+s4] =	stream.linear.scatter [tilespmem:s20], [sflag:$0x3], $0x2800, $0x38;
	[tilespmem:$0xC980] =	vst v63  }
0x7b: {  	_ =	swait.ge [sflag:s15], $0x2800  }
0x7c: {  	[sflag:s15] =	ssyncset.done $0x0  }
0x7d: {  	[sflag:s15] =	ssyncadd.s32 $0xFFFFD800  }
0x7e: {  	[hbm4b:s30+s4] =	stream.linear.scatter [tilespmem:s21], [sflag:$0x3], $0x2800, $0x38;
	[tilespmem:$0xC980] =	vst v63  }
0x7f: {  	_ =	swait.ge [sflag:s15], $0x2800  }
0x80: {  	[sflag:s15] =	ssyncset.done $0x0  }
0x81: {  	s3 =	sadd.s32 s0, s11;
	[sflag:s15] =	ssyncadd.s32 $0xFFFFD800  }
0x82: {  	[hbm4b:s3+s4] =	stream.linear.scatter [tilespmem:s24], [sflag:$0x3], $0x50, $0x38;
	[tilespmem:$0xC980] =	vst v63  }
0x83: {  	_ =	swait.ge [sflag:s15], $0x50  }
0x84: {  	[sflag:s15] =	ssyncset.done $0x0  }
0x85: {  	s3 =	sadd.s32 s0, s10;
	[sflag:s15] =	ssyncadd.s32 $0xFFFFFFB0  }
0x86: {  	[hbm4b:s3+s4] =	stream.linear.scatter [tilespmem:s25], [sflag:$0x3], $0x50, $0x38;
	[tilespmem:$0xC980] =	vst v63  }
0x87: {  	_ =	swait.ge [sflag:s15], $0x50  }
0x88: {  	s3 =	rddreg [dreg:$0x7];
	[sflag:s15] =	ssyncset.done $0x0  }
0x89: {  	[sflag:s15] =	ssyncadd.s32 $0xFFFFFFB0;
	s3 =	sadd.s32 s0, s3  }
0x8a: {  	[hbm4b:s3+s4] =	stream.linear.scatter [tilespmem:s26], [sflag:$0x3], $0x50, $0x38;
	[tilespmem:$0xC980] =	vst v63  }
0x8b: {  	_ =	swait.ge [sflag:s15], $0x50  }
0x8c: {  	p0 =	sne.s32 s0, $0x4D8;
	s3 =	rddreg [dreg:$0x6];
	[sflag:s15] =	ssyncset.done $0x0  }
.Ltmp0:
0x8d: {  	[sflag:s15] =	ssyncadd.s32 $0xFFFFFFB0;
	s3 =	sadd.s32 s0, s3;
	(pc) =	sbr.rel @p0 .LBB2_2-.Ltmp0, $4  }
0x8e: {  	[hbm4b:s3+s4] =	stream.linear.scatter [tilespmem:s28], [sflag:$0x3], $0x50, $0x38;
	[tilespmem:$0xC980] =	vst v63  }
0x8f: {  	_ =	swait.ge [sflag:s15], $0x50  }
0x90: {  	s31 =	sadd.s32 $0x500, s31;
	[sflag:s15] =	ssyncset.done $0x0  }
0x91: {  	s30 =	sadd.s32 $0x500, s30;
	s0 =	sadd.s32 $0xA, s0;
	[sflag:s15] =	ssyncadd.s32 $0xFFFFFFB0  }
0x92: {  	s29 =	sadd.s32 $0x1, s29  }
0x93: {  	p0 =	sne.s32 s29, s7  }
.Ltmp1:
0x94: {  	_ = 	snop;
	(pc) =	sbr.rel @p0 .LBB2_1-.Ltmp1, $1  }
0x95: {  	_ =	sdelay $0x3  }
0x96: {  	_ =	sfence.sel $0x180000  }
0x97: {  	[bflag:$0x0] =	sbarrier.arrive $0xFFFF  }
0x98: {  	_ =	strace $0x90000047  }
0x99: {  	s0 =	stileid.u32;
	[bflag:$0x2] =	sbarrier.arrive $0xFFFF  }
0x9a: {  	p0 =	sne.s32 s0, $0x0;
	s0 =	rddreg [dreg:$0x5]  }
0x9b: {  	s0 =	sadd.s32 @!p0 $0x100000, s0  }
0x9c: {  	[sflag:s0] =	ssyncadd.tile.s32 @!p0 $0x1;
	_ =	shalt  }
.Lfunc_end2:
_tile_overlayer_lowered:
.L_overlay_start_2:
0x9d: {  	(tag) =	ssettag $0x2  }
0x9e: {  	s0 =	rddreg [dreg:$0x0];
	s2 =	stileid.u32  }
0x9f: {  	s1 =	rddreg [dreg:$0x1];
	p0 =	sne.s32 s2, $0x0  }
0xa0: {  	s3 =	rddreg [dreg:$0x2];
	[bflag:$0x3] =	sbarrier.arrive $0xFFFF;
	s2 =	simm.s32 @!p0 $0x1C03  }
0xa1: {  	[timem:s3], [sflag:s2] =	dma.local @!p0 [hbm:s0], s1  }
0xa2: {  	s0 =	simm.s32 @!p0 $0x3  }
0xa3: {  	_ =	swait.ge @!p0 [sflag:s0], s1  }
0xa4: {  	s1 =	ssub.s32 @!p0 $0x0, s1;
	[sflag:s0] =	ssyncset.done @!p0 $0x0  }
0xa5: {  	[sflag:s0] =	ssyncadd.s32 @!p0 s1  }
0xa6: {  	[bflag:$0x3] =	sbarrier.arrive $0xFFFF  }
0xa7: {  	_ =	shalt  }

// kernel: kernel.9.cloned.1.call-start
scs
__scs_entry_jumppad:
0x0: {  	(pc) =	sbr.rel $0x88, $3  }
0x1: {  	(tag) =	ssettag $0x0;
	lr =	simm.s32 $0x1  }
0x2: {  	[smem:$0x3F92] =	sst lr;
	_ =	strace $0xD0000000  }
0x3: {  	_ = 	snop  }
0x4: {  	_ = 	snop  }
0x5: {  	_ = 	snop  }
0x6: {  	_ = 	snop  }
0x7: {  	_ = 	snop  }
__scs_overlays_trampoline_lowered:
0x8: {  	[smem:$0x3FA1] =	sst s0  }
0x9: {  	[smem:$0x3FA2] =	sst s1  }
0xa: {  	[smem:$0x3FA3] =	sst s2  }
0xb: {  	[smem:$0x3FA4] =	sst s3  }
0xc: {  	[smem:$0x3FA5] =	sst s4  }
0xd: {  	[smem:$0x3FA6] =	sst s5  }
0xe: {  	[smem:$0x3FA7] =	sst s6  }
0xf: {  	[smem:$0x3FA8] =	sst s7  }
0x10: {  	[smem:$0x3FA9] =	sst s8  }
0x11: {  	[smem:$0x3FAA] =	sst s9;
	s0 =	simm.s32 @!p0 $0x0  }
0x12: {  	s1 =	sld [smem:$0x3F90];
	s0 =	simm.s32 @p0 $0x1  }
0x13: {  	[smem:$0x3FAB] =	sst s0;
	s0 =	simm.s32 @!p1 $0x0  }
0x14: {  	s2 =	sld [smem:$0x3F8F];
	s0 =	simm.s32 @p1 $0x1  }
0x15: {  	[smem:$0x3FAC] =	sst s0;
	s0 =	simm.s32 @!p2 $0x0  }
0x16: {  	s3 =	sld [smem:$0x3FDB];
	s0 =	simm.s32 @p2 $0x1  }
0x17: {  	s4 =	simm.s32 $0x1BF5;
	[smem:$0x3FAE] =	sst s0  }
0x18: {  	s0 =	sld [smem:$0x3F91];
	_ =	swait.ge [sflag:s4], $0x0  }
0x19: {  	s7 =	sld [smem:$0x3F92]  }
0x1a: {  	s8 =	sadd.s32 $0xFFFFE003, lr  }
0x1b: {  	s9 =	sadd.s32 $0xFFFFFEF7, lr;
	s5 =	simm.s32 $0xFFFFFFFF;
	p2 =	slt.u32 s8, $0xFFFFF086  }
0x1c: {  	p1 =	slt.u32 s9, $0xF7A;
	s5 =	simm.s32 @!p2 $0x0  }
0x1d: {  	s5 =	simm.s32 @p1 $0x1;
	p0 =	seq.s32 s7, s2  }
0x1e: {  	s7 =	smul.u32 @!p0 $0xF7A, s2;
	p2 =	seq.s32 @!p0 s5, $0x0  }
0x1f: {  	s9 =	smul.u32 $0xF7A, s1;
	s8 =	simm.s32 @!p0 $0x1BF5;
	p2 =	por !p2, p0  }
0x20: {  	[sflag:s8] =	ssyncset.s32 @!p0 $0xFFFFF086;
	s6 =	sadd.s32 @!p0 s3, s7;
	s7 =	simm.s32 @!p0 $0x108  }
0x21: {  	s3 =	sadd.s32 s3, s9;
	s6 =	sadd.s32 @!p0 $0x88, s6;
	s7 =	simm.s32 @p2 $0x1082  }
0x22: {  	[simem:s7], [sflag:s8] =	dma.local @!p0 [hbm:s6], $0xF7A  }
0x23: {  	s9 =	sor.u32 $0xD0000000, s2;
	s6 =	simm.s32 $0x108;
	_ =	swait.ge @!p0 [sflag:s8], $0x0  }
0x24: {  	s3 =	sadd.s32 $0x88, s3;
	s6 =	simm.s32 @!p1 $0x1082;
	[sflag:s4] =	ssyncset.s32 $0xFFFFF086  }
0x25: {  	[simem:s6], [sflag:s4] =	dma.local [hbm:s3], $0xF7A  }
0x26: {  	[smem:$0x3F92] =	sst s1;
	(tag) =	ssettag s2;
	_ =	strace s9  }
0x27: {  	s1 =	sld [smem:$0x3FA2]  }
0x28: {  	s2 =	sld [smem:$0x3FA3]  }
0x29: {  	s4 =	sld [smem:$0x3FA5]  }
0x2a: {  	p0 =	seq.s32 s5, $0x0;
	s5 =	sld [smem:$0x3FA6]  }
0x2b: {  	s6 =	sld [smem:$0x3FA7]  }
0x2c: {  	s7 =	sld [smem:$0x3FA8]  }
0x2d: {  	s3 =	simm.s32 $0x108;
	s8 =	sld [smem:$0x3FA9]  }
0x2e: {  	s3 =	simm.s32 @!p0 $0x1082;
	s9 =	sld [smem:$0x3FAA]  }
0x2f: {  	lr =	sadd.s32 s0, s3;
	s0 =	sld [smem:$0x3FA1]  }
0x30: {  	s3 =	sld [smem:$0x3FA4]  }
0x31: {  	[smem:$0x3FAD] =	sst s10  }
0x32: {  	s10 =	sld [smem:$0x3FAB];
	_ =	sdelay $0x3  }
0x33: {  	p0 =	seq.s32 s10, $0x1;
	s10 =	sld [smem:$0x3FAD];
	_ =	sdelay $0x3  }
0x34: {  	[smem:$0x3FAD] =	sst s10  }
0x35: {  	s10 =	sld [smem:$0x3FAC];
	_ =	sdelay $0x3  }
0x36: {  	p1 =	seq.s32 s10, $0x1;
	s10 =	sld [smem:$0x3FAD];
	_ =	sdelay $0x3  }
0x37: {  	[smem:$0x3FAD] =	sst s10  }
0x38: {  	s10 =	sld [smem:$0x3FAE]  }
0x39: {  	_ = 	snop;
	(pc) =	sbr.ind lr, $3  }
0x3a: {  	_ = 	snop  }
0x3b: {  	_ = 	snop  }
0x3c: {  	p2 =	seq.s32 s10, $0x1;
	s10 =	sld [smem:$0x3FAD]  }
0x3d: {  	_ =	shalt  }
0x3e: {  	_ =	shalt  }
0x3f: {  	_ =	shalt  }
0x40: {  	_ =	shalt  }
0x41: {  	_ =	shalt  }
0x42: {  	_ =	shalt  }
0x43: {  	_ =	shalt  }
0x44: {  	_ =	shalt  }
0x45: {  	_ =	shalt  }
0x46: {  	_ =	shalt  }
0x47: {  	_ =	shalt  }
0x48: {  	_ =	shalt  }
0x49: {  	_ =	shalt  }
0x4a: {  	_ =	shalt  }
0x4b: {  	_ =	shalt  }
0x4c: {  	_ =	shalt  }
0x4d: {  	_ =	shalt  }
0x4e: {  	_ =	shalt  }
0x4f: {  	_ =	shalt  }
0x50: {  	_ =	shalt  }
0x51: {  	_ =	shalt  }
0x52: {  	_ =	shalt  }
0x53: {  	_ =	shalt  }
0x54: {  	_ =	shalt  }
0x55: {  	_ =	shalt  }
0x56: {  	_ =	shalt  }
0x57: {  	_ =	shalt  }
0x58: {  	_ =	shalt  }
0x59: {  	_ =	shalt  }
0x5a: {  	_ =	shalt  }
0x5b: {  	_ =	shalt  }
0x5c: {  	_ =	shalt  }
0x5d: {  	_ =	shalt  }
0x5e: {  	_ =	shalt  }
0x5f: {  	_ =	shalt  }
0x60: {  	_ =	shalt  }
0x61: {  	_ =	shalt  }
0x62: {  	_ =	shalt  }
0x63: {  	_ =	shalt  }
0x64: {  	_ =	shalt  }
0x65: {  	_ =	shalt  }
0x66: {  	_ =	shalt  }
0x67: {  	_ =	shalt  }
0x68: {  	_ =	shalt  }
0x69: {  	_ =	shalt  }
0x6a: {  	_ =	shalt  }
0x6b: {  	_ =	shalt  }
0x6c: {  	_ =	shalt  }
0x6d: {  	_ =	shalt  }
0x6e: {  	_ =	shalt  }
0x6f: {  	_ =	shalt  }
0x70: {  	_ =	shalt  }
0x71: {  	_ =	shalt  }
0x72: {  	_ =	shalt  }
0x73: {  	_ =	shalt  }
0x74: {  	_ =	shalt  }
0x75: {  	_ =	shalt  }
0x76: {  	_ =	shalt  }
0x77: {  	_ =	shalt  }
0x78: {  	_ =	shalt  }
0x79: {  	_ =	shalt  }
0x7a: {  	_ =	shalt  }
0x7b: {  	_ =	shalt  }
0x7c: {  	_ =	shalt  }
0x7d: {  	_ =	shalt  }
0x7e: {  	_ =	shalt  }
0x7f: {  	_ =	shalt  }
0x80: {  	_ =	shalt  }
0x81: {  	_ =	shalt  }
0x82: {  	_ =	shalt  }
0x83: {  	_ =	shalt  }
0x84: {  	_ =	shalt  }
0x85: {  	_ =	shalt  }
0x86: {  	_ =	shalt  }
0x87: {  	_ =	shalt  }
.Lfunc_end0:
.L_simem_size_0:
called_computation.1_lowered:
.L_overlay_start_0:
0x88: {  	s2 =	sld [smem:$0x3FD9]  }
0x89: {  	s3 =	sld [smem:$0x3FFE];
	_ =	sdelay $0x1  }
0x8a: {  	s1 =	srdreg.scid  }
0x8b: {  	s0 =	sand.u32 $0x1, s1  }
0x8c: {  	s14 =	sshll.u32 s0, $0xA;
	s2 =	sadd.s32 s3, s2  }
0x8d: {  	s2 =	sadd.s32 s2, s14  }
0x8e: {  	[smem:$0x3FB9] =	sst s2  }
0x8f: {  	_ = 	snop  }
0x90: {  	s2 =	sld [smem:$0x3FD0];
	_ =	sdelay $0x2  }
0x91: {  	s15 =	simm.s32 $0xA;
	s4 =	simm.s32 $0x10  }
0x92: {  	[smem:s4], [sflag:s15] =	dma.local [hbm:s2], $0x1  }
0x93: {  	_ =	swait.eq [sflag:s15], $0x1  }
0x94: {  	[sflag:s15] =	ssyncset.done $0x0  }
0x95: {  	s16 =	sld [smem:$0x10];
	[sflag:s15] =	ssyncadd.s32 $0xFFFFFFFF  }
0x96: {  	s17 =	sld [smem:$0x12];
	(tm) =	ssettm $0x1  }
0x97: {  	s18 =	sld [smem:$0x3FFB];
	_ =	sdelay $0x3  }
0x98: {  	_ =	strace s18  }
0x99: {  	s4 =	sld [smem:$0x3FFC];
	_ =	sdelay $0x3  }
0x9a: {  	_ =	strace s4  }
0x9b: {  	s4 =	sld [smem:$0x3FFD];
	_ =	sdelay $0x3  }
0x9c: {  	_ =	strace s4  }
0x9d: {  	_ =	strace $0x8FFFFFFF  }
0x9e: {  	s19 =	sld [smem:$0x3FDB];
	_ =	sdelay $0x1  }
0x9f: {  	s5 =	simm.s32 $_scs_section_size  }
0xa0: {  	s6 =	simm.s32 $_size__tile_overlayer_lowered;
	s7 =	simm.s32 $_tile_overlayer_lowered  }
0xa1: {  	s22 =	simm.s32 $0x1BFF;
	s21 =	sshll.u32 s7, $0x1;
	s4 =	sadd.s32 s5, s19  }
0xa2: {  	s8 =	simm.s32 $0x0;
	s20 =	sshll.u32 s6, $0x1;
	s6 =	sadd.s32 s21, s4  }
0xa3: {  	[timem:s8], [sflag:s22] =	dma.local [hbm:s6], s20  }
0xa4: {  	_ =	swait.ge [sflag:s22], s20  }
0xa5: {  	s5 =	ssub.s32 $0x0, s20;
	[sflag:s22] =	ssyncset.done $0x0  }
0xa6: {  	[sflag:s22] =	ssyncadd.s32 s5;
	_ =	sdelay $0x1  }
0xa7: {  	s23 =	simm.s32 $0x1B8B  }
0xa8: {  	_ =	swait.ge [sflag:s23], $0x1  }
0xa9: {  	[sflag:s23] =	ssyncset.done $0x0  }
0xaa: {  	s25 =	simm.s32 $0x1B8E;
	s24 =	sld [smem:$0x3FFE];
	[sflag:s23] =	ssyncadd.s32 $0xFFFFFFFF  }
0xab: {  	s26 =	simm.s32 $execute0_lowered;
	[smem:$0x3FD2] =	sst s25  }
0xac: {  	s6 =	sshll.u32 s26, $0x1;
	_ =	strace $0x80000049;
	[dreg:$0x1] =	wrdreg $0xFFFFFFFF  }
0xad: {  	s28 =	simm.s32 $_size_execute0_lowered;
	s4 =	sadd.s32 s4, s6;
	[dreg:$0x0] =	wrdreg $0x0  }
0xae: {  	s6 =	sshll.u32 s28, $0x1;
	[dreg:$0x2] =	wrdreg s4  }
0xaf: {  	[dreg:$0x3] =	wrdreg s6  }
0xb0: {  	[dreg:$0x4] =	wrdreg $0xC0  }
0xb1: {  	_ =	task [dreg:s8], $0x5FFFF  }
0xb2: {  	[dreg:$0x1] =	wrdreg $0xFFFFFFFF  }
0xb3: {  	[dreg:$0x0] =	wrdreg $0x60  }
0xb4: {  	[dreg:$0x2] =	wrdreg s24  }
0xb5: {  	[dreg:$0x3] =	wrdreg s16  }
0xb6: {  	[dreg:$0x4] =	wrdreg s17  }
0xb7: {  	[dreg:$0x5] =	wrdreg $0x7A800  }
0xb8: {  	[dreg:$0x6] =	wrdreg $0x9  }
0xb9: {  	_ =	task.clear_ibuf [dreg:s8], $0x7FFFF;
	_ =	strace $0x90000049  }
0xba: {  	s29 =	simm.s32 $0x9;
	_ =	strace $0x8000004B  }
0xbb: {  	_ =	swait.ge [sflag:s29], $0x1  }
0xbc: {  	[sflag:s29] =	ssyncadd.s32 $0xFFFFFFFF  }
0xbd: {  	_ =	strace $0x9000004B  }
0xbe: {  	_ =	sfence  }
0xbf: {  	s30 =	sld [smem:$0x0];
	_ =	sdelay $0x2  }
0xc0: {  	s31 =	sshll.u32 s1, $0xD;
	s1 =	sshrl.u32 s1, $0x2  }
0xc1: {  	s3 =	sand.u32 $0x4000, s31;
	s1 =	sadd.s32 s1, s30  }
0xc2: {  	s0 =	sor.u32 s3, s0;
	s1 =	sshll.u32 s1, $0x11  }
0xc3: {  	s0 =	sor.u32 s1, s0  }
0xc4: {  	s0 =	sadd.s32 $0x8F2B, s0  }
0xc5: {  	[sflag:s0] =	ssyncadd.remote.s32 $0x1  }
0xc6: {  	_ =	sfence.sel $0xFFFF  }
0xc7: {  	[dreg:$0x0] =	wrdreg $0xFFFFFFFF;
	(pc) =	sbr.abs _section_cstart, $3  }
0xc8: {  	[dreg:$0x1] =	wrdreg $0xFFFFFFFF  }
0xc9: {  	_ =	task.clear_ibuf [dreg:s8], $0x2FFFF;
	_ =	strace $0x9FFFFFFF  }
0xca: {  	(tm) =	ssettm $0x7FFFFFFF  }
0xcb: {  	_ =	shalt  }
tec
execute0_lowered:
.L_overlay_start_1:
0x0: {  	(tag) =	ssettag $0x1  }
0x1: {  	s2 =	rddreg [dreg:$0x0]  }
0x2: {  	s0 =	srdreg.scid;
	s12 =	rddreg [dreg:$0x1]  }
0x3: {  	s29 =	stileid.u32;
	s10 =	rddreg [dreg:$0x2]  }
0x4: {  	s5 =	simm.s32 $0x1;
	s3 =	rddreg [dreg:$0x3];
	s21 =	smul.u32 $0x4E000, s29  }
0x5: {  	s31 =	simm.s32 $0x1;
	s11 =	sand.u32 $0x1, s0;
	s16 =	smul.u32 $0x2700, s29  }
0x6: {  	s7 =	sadd.s32 $0x21A00, s2;
	s19 =	smul.u32 $0x4E20, s29;
	s23 =	sadd.s32 $0x24900, s12  }
0x7: {  	s28 =	smul.u32 $0x4E200, s29;
	s1 =	sshll.u32 s11, $0x4;
	s17 =	ssub.s32 $0x2, s11  }
0x8: {  	p2 =	seq.s32 s11, $0x0;
	s4 =	sor.u32 s29, s1;
	s1 =	sand.u32 $0x3, s29  }
0x9: {  	s18 =	sshrl.u32 s17, $0x1;
	s22 =	sadd.s32 s12, s16;
	s24 =	sshrl.u32 s19, $0x3  }
0xa: {  	s26 =	sadd.s32 $0x50, s19;
	s19 =	simm.s32 $0xFFFFFFFF;
	p0 =	sne.s32 s1, $0x0  }
0xb: {  	p1 =	seq.s32 s4, $0x0;
	s13 =	sshrl.u32 s4, $0x2;
	s4 =	simm.s32 $0x0  }
0xc: {  	s18 =	ssub.s32 s17, s18;
	s12 =	sshll.u32 s26, $0x4;
	p1 =	por !p0, !p1  }
0xd: {  	p6 =	seq.s32 s1, $0x3;
	[smem:$0x7FF] =	sst s4;
	p1 =	por !p1, !p1  }
0xe: {  	_ =	strace $0x8000004A;
	[dreg:$0x6] =	wrdreg s22;
	s5 =	simm.s32 @!p1 $0x0  }
0xf: {  	[dreg:$0x7] =	wrdreg s23;
	s19 =	simm.s32 @!p1 $0x0;
	s14 =	ssub.s32 s13, s5  }
0x10: {  	p1 =	seq.s32 s29, $0xF;
	s13 =	smul.u32 $0x9C40, s13;
	s5 =	sshrl.u32 s14, $0x3  }
0x11: {  	s19 =	smul.u32 $0x9C40, s19;
	s8 =	sshll.u32 s14, $0x7;
	s6 =	sadd.s32 s1, s5  }
0x12: {  	s5 =	sadd.s32 $0xDE00, s2;
	s15 =	sand.u32 $0x380, s8;
	s8 =	sadd.s32 $0x4000, s2  }
0x13: {  	s17 =	sadd.s32 s19, s13;
	s9 =	smul.u32 $0x13C00, s6;
	s25 =	sadd.s32 s8, s24  }
0x14: {  	s19 =	sadd.s32 s16, s2;
	s6 =	sadd.s32 $0x17C00, s2;
	[dreg:$0x8] =	wrdreg s25  }
0x15: {  	s9 =	sor.u32 s15, s9;
	s15 =	sshrl.u32 s21, $0x2;
	s21 =	smul.u32 $0x9C40, s14  }
0x16: {  	s14 =	simm.s32 $0xED1800;
	s9 =	sshrl.u32 s9, $0x3;
	s0 =	sadd.s32 s15, s3  }
0x17: {  	s14 =	simm.s32 @!p2 $0x13B3800;
	p2 =	sne.s32 s11, $0x0;
	s11 =	sadd.s32 $0x2BE00, s19  }
0x18: {  	s19 =	simm.s32 $0x50;
	s20 =	sadd.s32 s9, s2;
	s9 =	sshrl.u32 s26, $0x3  }
0x19: {  	s23 =	sadd.s32 s14, s2;
	s25 =	sadd.s32 $0x50, s21;
	[dreg:$0x11] =	wrdreg s11  }
0x1a: {  	p3 =	seq.s32 @p2 s29, $0xF;
	s11 =	simm.s32 $0x9;
	s22 =	sadd.s32 s8, s9  }
0x1b: {  	s14 =	sadd.s32 s23, s28;
	s24 =	sadd.s32 s23, s12;
	[dreg:$0x9] =	wrdreg s22  }
0x1c: {  	s9 =	sshrl.u32 s21, $0x3;
	s20 =	sadd.s32 $0x53000, s20;
	[dreg:$0xa] =	wrdreg s24  }
0x1d: {  	s12 =	sshrl.u32 s25, $0x3;
	s23 =	sadd.s32 s10, s16;
	[dreg:$0x10] =	wrdreg s20  }
0x1e: {  	s21 =	smul.u32 $0x9C4, s29;
	s25 =	smax.u32 s18, $0x1;
	[dreg:$0x14] =	wrdreg s23  }
0x1f: {  	p4 =	por !p3, !p2;
	p3 =	por p3, !p2;
	[dreg:$0x16] =	wrdreg s25  }
0x20: {  	s18 =	simm.s32 $0x3;
	s26 =	sadd.s32 s8, s12;
	[dreg:$0xb] =	wrdreg s9  }
0x21: {  	s28 =	sadd.s32 s5, s12;
	s13 =	sadd.s32 s6, s12;
	[dreg:$0xc] =	wrdreg s26  }
0x22: {  	s15 =	sadd.s32 s7, s12;
	s22 =	sadd.s32 $0x2B800, s2;
	[dreg:$0xd] =	wrdreg s28  }
0x23: {  	s2 =	sadd.s32 $0x50700, s2;
	s24 =	sadd.s32 $0x24900, s10;
	[dreg:$0xe] =	wrdreg s13  }
0x24: {  	s10 =	smov.u32 s0;
	s0 =	simm.s32 @!p4 $0x0;
	[dreg:$0xf] =	wrdreg s15  }
0x25: {  	s12 =	simm.s32 $0x100;
	s20 =	simm.s32 $0x2;
	[dreg:$0x12] =	wrdreg s22  }
0x26: {  	s23 =	simm.s32 $0x5;
	[dreg:$0x13] =	wrdreg s2;
	s0 =	simm.s32 @p4 $0x1  }
0x27: {  	s25 =	simm.s32 $0x0;
	[smem:$0x7F8] =	sst s0;
	s0 =	simm.s32 @!p3 $0x0  }
0x28: {  	[dreg:$0x15] =	wrdreg s24;
	s0 =	simm.s32 @p3 $0x1;
	p3 =	seq.s32 @!p2 s29, $0xF  }
0x29: {  	s26 =	sadd.s32 s21, s8;
	s2 =	sadd.s32 $0x124800, s3;
	p4 =	por !p3, p2  }
0x2a: {  	s28 =	sadd.s32 s8, s9;
	[smem:$0x7F9] =	sst s0;
	s0 =	simm.s32 @!p4 $0x0  }
0x2b: {  	s9 =	simm.s32 $0x5300;
	p2 =	por p3, p2;
	s0 =	simm.s32 @p4 $0x1  }
0x2c: {  	s13 =	simm.s32 $0x80;
	[smem:$0x7FA] =	sst s0;
	s0 =	simm.s32 @!p2 $0x0  }
0x2d: {  	s15 =	simm.s32 $0x2900;
	s0 =	simm.s32 @p2 $0x1;
	p2 =	sgt.s32 s1, $0x1  }
.Ltmp0:
0x2e: {  	[smem:$0x7FB] =	sst s0;
	s0 =	simm.s32 @!p2 $0x0;
	(pc) =	sbr.rel .LBB2_1-.Ltmp0, $4  }
0x2f: {  	[dreg:$0x5] =	wrdreg s10;
	s0 =	simm.s32 @p2 $0x1;
	p2 =	seq.s32 s1, $0x0  }
0x30: {  	s21 =	simm.s32 $0x4;
	[smem:$0x7FC] =	sst s0;
	s0 =	simm.s32 @!p2 $0x0  }
0x31: {  	s22 =	simm.s32 $0x5180;
	[dreg:$0x17] =	wrdreg s28;
	s0 =	simm.s32 @p2 $0x1  }
0x32: {  	s24 =	simm.s32 $0x6;
	s30 =	sadd.s32 $0x1E, s26;
	[smem:$0x7FD] =	sst s0  }
.LBB2_11:
0x33: {  	[bflag:$0x0] =	sbarrier.arrive $0xFFFF  }
0x34: {  	s9 =	simm.s32 $0x5300;
	s10 =	simm.s32 $0x400;
	s0 =	rddreg [dreg:$0x10]  }
0x35: {  	[hbm4b:s0+s13] =	stream.strided.scatter [tilespmem:s9], [sflag:$0x9], $0x2780, s10, s13, $0x38;
	[tilespmem:$0x1B300] =	vst v63  }
0x36: {  	_ =	swait.ge [sflag:s11], $0x2780  }
0x37: {  	s9 =	sld [smem:$0x7F8];
	_ =	sdelay $0x2  }
0x38: {  	[sflag:s11] =	ssyncset.done $0x0;
	s10 =	rddreg [dreg:$0x13];
	p2 =	seq.s32 s9, $0x1  }
0x39: {  	[sflag:s11] =	ssyncadd.s32 $0xFFFFD880;
	s0 =	sshrl.u32 @!p2 s2, $0x3;
	s9 =	simm.s32 @!p2 $0x1FC9  }
0x3a: {  	[hbm:s10], [sflag:s9] =	dma.local @!p2 [spmem:s0], $0x2800  }
0x3b: {  	s0 =	simm.s32 @!p2 $0x9  }
0x3c: {  	_ =	swait.ge @!p2 [sflag:s0], $0x2800  }
0x3d: {  	s10 =	sld [smem:$0x7F9];
	_ =	sdelay $0x2  }
0x3e: {  	s29 =	stileid.u32;
	s16 =	rddreg [dreg:$0x11];
	p3 =	seq.s32 s10, $0x1  }
0x3f: {  	[sflag:s0] =	ssyncset.done @!p2 $0x0;
	s10 =	rddreg [dreg:$0x5];
	s9 =	sshll.u32 @!p3 s29, $0x6  }
0x40: {  	[sflag:s0] =	ssyncadd.s32 @!p2 $0xFFFFD800;
	s0 =	sor.u32 @!p3 $0x1C09, s9;
	s9 =	sshrl.u32 @!p3 s10, $0x3  }
0x41: {  	[hbm:s16], [sflag:s0] =	dma.local @!p3 [spmem:s9], $0x2700  }
0x42: {  	s0 =	simm.s32 @!p3 $0x9  }
0x43: {  	_ =	swait.ge @!p3 [sflag:s0], $0x2700  }
0x44: {  	s16 =	sld [smem:$0x7FA];
	_ =	sdelay $0x1  }
0x45: {  	[sflag:s0] =	ssyncset.done @!p3 $0x0  }
0x46: {  	[sflag:s0] =	ssyncadd.s32 @!p3 $0xFFFFD900;
	p2 =	seq.s32 s16, $0x1  }
0x47: {  	s16 =	rddreg [dreg:$0x15];
	s0 =	sshrl.u32 @!p2 s2, $0x3;
	s9 =	simm.s32 @!p2 $0x1FC9  }
0x48: {  	[hbm:s16], [sflag:s9] =	dma.local @!p2 [spmem:s0], $0x2800  }
0x49: {  	s0 =	simm.s32 @!p2 $0x9  }
0x4a: {  	_ =	swait.ge @!p2 [sflag:s0], $0x2800  }
0x4b: {  	s26 =	sld [smem:$0x7FB];
	_ =	sdelay $0x2  }
0x4c: {  	p3 =	seq.s32 s26, $0x1  }
0x4d: {  	[sflag:s0] =	ssyncset.done @!p2 $0x0;
	s16 =	rddreg [dreg:$0x14];
	s9 =	sshll.u32 @!p3 s29, $0x6  }
0x4e: {  	[sflag:s0] =	ssyncadd.s32 @!p2 $0xFFFFD800;
	s0 =	sor.u32 @!p3 $0x1C09, s9;
	s9 =	sshrl.u32 @!p3 s10, $0x3  }
0x4f: {  	[hbm:s16], [sflag:s0] =	dma.local @!p3 [spmem:s9], $0x2700  }
0x50: {  	s0 =	simm.s32 @!p3 $0x9  }
0x51: {  	_ =	swait.ge @!p3 [sflag:s0], $0x2700  }
0x52: {  	s25 =	sadd.s32 $0x1, s25;
	s28 =	rddreg [dreg:$0x16]  }
0x53: {  	p2 =	sne.s32 s25, s28  }
.Ltmp1:
0x54: {  	_ = 	snop;
	(pc) =	sbr.rel @!p2 .LBB2_12-.Ltmp1, $3  }
0x55: {  	_ =	sdelay $0x1  }
0x56: {  	[sflag:s0] =	ssyncset.done @!p3 $0x0  }
0x57: {  	s9 =	simm.s32 $0x5300;
	[sflag:s0] =	ssyncadd.s32 @!p3 $0xFFFFD900  }
.LBB2_1:
0x58: {  	s26 =	sshrl.u32 @p1 s2, $0x3;
	s28 =	simm.s32 @p1 $0x1FC9;
	s0 =	rddreg [dreg:$0x7]  }
0x59: {  	[spmem:s26], [sflag:s28] =	dma.local @p1 [hbm:s0], $0x2800  }
0x5a: {  	s26 =	simm.s32 @p1 $0x9  }
0x5b: {  	_ =	swait.ge @p1 [sflag:s26], $0x2800  }
0x5c: {  	s28 =	sshll.u32 @!p1 s29, $0x6;
	[sflag:s26] =	ssyncset.done @p1 $0x0;
	s0 =	rddreg [dreg:$0x6]  }
0x5d: {  	[sflag:s26] =	ssyncadd.s32 @p1 $0xFFFFD800;
	s26 =	sor.u32 @!p1 $0x1C09, s28;
	s28 =	sshrl.u32 @!p1 s10, $0x3  }
0x5e: {  	[spmem:s28], [sflag:s26] =	dma.local @!p1 [hbm:s0], $0x2700  }
0x5f: {  	s26 =	simm.s32 @!p1 $0x9  }
0x60: {  	_ =	swait.ge @!p1 [sflag:s26], $0x2700  }
0x61: {  	[sflag:s26] =	ssyncset.done @!p1 $0x0  }
0x62: {  	[sflag:s26] =	ssyncadd.s32 @!p1 $0xFFFFD900;
	s26 =	rddreg [dreg:$0x12]  }
0x63: {  	[tilespmem:s9], [sflag:$0x9] =	stream.linear.gather [hbm4b:s26+s4], $0x2780, $0x38;
	[tilespmem:$0x1B300] =	vst v63  }
0x64: {  	_ =	swait.ge [sflag:s11], $0x2780  }
0x65: {  	[sflag:s11] =	ssyncset.done $0x0  }
0x66: {  	[sflag:s11] =	ssyncadd.s32 $0xFFFFD880  }
0x67: {  	[bflag:$0x0] =	sbarrier.arrive $0xFFFF  }
0x68: {  	s10 =	rddreg [dreg:$0x8]  }
0x69: {  	[tilespmem:s4], [sflag:$0x1] =	stream.linear.gather [hbm4b:s10+s4], $0x50, $0x38;
	[tilespmem:$0x1B300] =	vst v63  }
0x6a: {  	_ = 	snop  }
0x6b: {  	[tilespmem:s12], [sflag:$0x3] =	stream.linear.gather [hbm4b:s14+s4], $0x2800, $0x38;
	[tilespmem:$0x1B300] =	vst v63  }
0x6c: {  	s16 =	rddreg [dreg:$0x9]  }
0x6d: {  	[tilespmem:s13], [sflag:$0x2] =	stream.linear.gather [hbm4b:s16+s4], $0x50, $0x38;
	[tilespmem:$0x1B300] =	vst v63  }
0x6e: {  	s26 =	rddreg [dreg:$0xa]  }
0x6f: {  	[tilespmem:s15], [sflag:$0x4] =	stream.linear.gather [hbm4b:s26+s4], $0x2800, $0x38;
	[tilespmem:$0x1B300] =	vst v63  }
0x70: {  	_ =	swait.ge [sflag:s31], $0x50  }
0x71: {  	[sflag:s31] =	ssyncset.done $0x0  }
0x72: {  	[sflag:s31] =	ssyncadd.s32 $0xFFFFFFB0  }
0x73: {  	_ =	swait.ge [sflag:s18], $0x2800  }
0x74: {  	[sflag:s18] =	ssyncset.done $0x0  }
0x75: {  	[sflag:s18] =	ssyncadd.s32 $0xFFFFD800  }
0x76: {  	[spmem:s3] =	stream.indirect.scatter.add.f32 [tilespmem:s12], [sflag:$0x9], $0x80, s4, s19, $0xb8;
	[tilespmem:$0x1B300] =	vst v63  }
0x77: {  	_ =	swait.ge [sflag:s11], $0x2800  }
0x78: {  	[sflag:s11] =	ssyncset.done $0x0  }
0x79: {  	s28 =	sadd.s32 $0x0, s14;
	s9 =	sadd.s32 $0xFFFFFFF6, s30;
	[sflag:s11] =	ssyncadd.s32 $0xFFFFD800  }
0x7a: {  	[tilespmem:s4], [sflag:$0x1] =	stream.linear.gather [hbm4b:s9+s4], $0x50, $0x38;
	[tilespmem:$0x1B300] =	vst v63  }
0x7b: {  	s10 =	sadd.s32 $0xA00, s28  }
0x7c: {  	[tilespmem:s12], [sflag:$0x3] =	stream.linear.gather [hbm4b:s10+s4], $0x2800, $0x38;
	[tilespmem:$0x1B300] =	vst v63  }
0x7d: {  	_ =	swait.ge [sflag:s20], $0x50  }
0x7e: {  	[sflag:s20] =	ssyncset.done $0x0  }
0x7f: {  	[sflag:s20] =	ssyncadd.s32 $0xFFFFFFB0  }
0x80: {  	_ =	swait.ge [sflag:s21], $0x2800  }
0x81: {  	[sflag:s21] =	ssyncset.done $0x0  }
0x82: {  	[sflag:s21] =	ssyncadd.s32 $0xFFFFD800  }
0x83: {  	[spmem:s3] =	stream.indirect.scatter.add.f32 [tilespmem:s15], [sflag:$0x9], $0x80, s13, s19, $0xb8;
	[tilespmem:$0x1B300] =	vst v63  }
0x84: {  	_ =	swait.ge [sflag:s11], $0x2800  }
0x85: {  	[sflag:s11] =	ssyncset.done $0x0  }
0x86: {  	[sflag:s11] =	ssyncadd.s32 $0xFFFFD800  }
0x87: {  	[tilespmem:s13], [sflag:$0x2] =	stream.linear.gather [hbm4b:s30+s4], $0x50, $0x38;
	[tilespmem:$0x1B300] =	vst v63  }
0x88: {  	s16 =	sadd.s32 $0xF00, s28  }
0x89: {  	[tilespmem:s15], [sflag:$0x4] =	stream.linear.gather [hbm4b:s16+s4], $0x2800, $0x38;
	[tilespmem:$0x1B300] =	vst v63  }
0x8a: {  	_ =	swait.ge [sflag:s31], $0x50  }
0x8b: {  	[sflag:s31] =	ssyncset.done $0x0  }
0x8c: {  	[sflag:s31] =	ssyncadd.s32 $0xFFFFFFB0  }
0x8d: {  	_ =	swait.ge [sflag:s18], $0x2800  }
0x8e: {  	[sflag:s18] =	ssyncset.done $0x0  }
0x8f: {  	[sflag:s18] =	ssyncadd.s32 $0xFFFFD800  }
0x90: {  	[spmem:s3] =	stream.indirect.scatter.add.f32 [tilespmem:s12], [sflag:$0x9], $0x80, s4, s19, $0xb8;
	[tilespmem:$0x1B300] =	vst v63  }
0x91: {  	s29 =	simm.s32 $0x1400;
	_ =	swait.ge [sflag:s11], $0x2800  }
0x92: {  	s28 =	simm.s32 $0xA00;
	s26 =	sadd.s32 $0x14, s30;
	[sflag:s11] =	ssyncset.done $0x0  }
.LBB2_2:
0x93: {  	s10 =	sadd.s32 $0xFFFFFFF6, s26  }
0x94: {  	s16 =	sadd.s32 s28, s14;
	[sflag:s11] =	ssyncadd.s32 $0xFFFFD800;
	s28 =	smov.u32 s29  }
0x95: {  	[tilespmem:s4], [sflag:$0x1] =	stream.linear.gather [hbm4b:s10+s4], $0x50, $0x38;
	[tilespmem:$0x1B300] =	vst v63  }
0x96: {  	p2 =	sne.s32 s29, $0x4CE00;
	s29 =	sadd.s32 $0xA00, s29;
	s10 =	sadd.s32 $0xA00, s16  }
0x97: {  	[tilespmem:s12], [sflag:$0x3] =	stream.linear.gather [hbm4b:s10+s4], $0x2800, $0x38;
	[tilespmem:$0x1B300] =	vst v63  }
0x98: {  	_ =	swait.ge [sflag:s20], $0x50  }
0x99: {  	[sflag:s20] =	ssyncset.done $0x0  }
0x9a: {  	[sflag:s20] =	ssyncadd.s32 $0xFFFFFFB0  }
0x9b: {  	_ =	swait.ge [sflag:s21], $0x2800  }
0x9c: {  	[sflag:s21] =	ssyncset.done $0x0  }
0x9d: {  	[sflag:s21] =	ssyncadd.s32 $0xFFFFD800  }
0x9e: {  	[spmem:s3] =	stream.indirect.scatter.add.f32 [tilespmem:s15], [sflag:$0x9], $0x80, s13, s19, $0xb8;
	[tilespmem:$0x1B300] =	vst v63  }
0x9f: {  	_ =	swait.ge [sflag:s11], $0x2800  }
0xa0: {  	[sflag:s11] =	ssyncset.done $0x0  }
0xa1: {  	[sflag:s11] =	ssyncadd.s32 $0xFFFFD800  }
0xa2: {  	[tilespmem:s13], [sflag:$0x2] =	stream.linear.gather [hbm4b:s26+s4], $0x50, $0x38;
	[tilespmem:$0x1B300] =	vst v63  }
0xa3: {  	s10 =	sadd.s32 $0xF00, s16  }
0xa4: {  	[tilespmem:s15], [sflag:$0x4] =	stream.linear.gather [hbm4b:s10+s4], $0x2800, $0x38;
	[tilespmem:$0x1B300] =	vst v63  }
0xa5: {  	_ =	swait.ge [sflag:s31], $0x50  }
0xa6: {  	[sflag:s31] =	ssyncset.done $0x0  }
0xa7: {  	[sflag:s31] =	ssyncadd.s32 $0xFFFFFFB0  }
0xa8: {  	_ =	swait.ge [sflag:s18], $0x2800  }
.Ltmp2:
0xa9: {  	[sflag:s18] =	ssyncset.done $0x0;
	(pc) =	sbr.rel @p2 .LBB2_2-.Ltmp2, $4  }
0xaa: {  	[sflag:s18] =	ssyncadd.s32 $0xFFFFD800  }
0xab: {  	[spmem:s3] =	stream.indirect.scatter.add.f32 [tilespmem:s12], [sflag:$0x9], $0x80, s4, s19, $0xb8;
	[tilespmem:$0x1B300] =	vst v63  }
0xac: {  	_ =	swait.ge [sflag:s11], $0x2800  }
0xad: {  	s26 =	sadd.s32 $0x14, s26;
	[sflag:s11] =	ssyncset.done $0x0  }
0xae: {  	s10 =	sadd.s32 $0xFFFFFFF6, s26;
	s16 =	sadd.s32 s28, s14;
	[sflag:s11] =	ssyncadd.s32 $0xFFFFD800  }
0xaf: {  	[tilespmem:s4], [sflag:$0x1] =	stream.linear.gather [hbm4b:s10+s4], $0x50, $0x38;
	[tilespmem:$0x1B300] =	vst v63  }
0xb0: {  	s9 =	sadd.s32 $0xA00, s16  }
0xb1: {  	[tilespmem:s12], [sflag:$0x3] =	stream.linear.gather [hbm4b:s9+s4], $0x2800, $0x38;
	[tilespmem:$0x1B300] =	vst v63  }
0xb2: {  	_ =	swait.ge [sflag:s20], $0x50  }
0xb3: {  	[sflag:s20] =	ssyncset.done $0x0  }
0xb4: {  	[sflag:s20] =	ssyncadd.s32 $0xFFFFFFB0  }
0xb5: {  	_ =	swait.ge [sflag:s21], $0x2800  }
0xb6: {  	[sflag:s21] =	ssyncset.done $0x0  }
0xb7: {  	[sflag:s21] =	ssyncadd.s32 $0xFFFFD800  }
0xb8: {  	[spmem:s3] =	stream.indirect.scatter.add.f32 [tilespmem:s15], [sflag:$0x9], $0x80, s13, s19, $0xb8;
	[tilespmem:$0x1B300] =	vst v63  }
0xb9: {  	_ =	swait.ge [sflag:s11], $0x2800  }
0xba: {  	[sflag:s11] =	ssyncset.done $0x0  }
0xbb: {  	[sflag:s11] =	ssyncadd.s32 $0xFFFFD800  }
0xbc: {  	[tilespmem:s13], [sflag:$0x2] =	stream.linear.gather [hbm4b:s26+s4], $0x50, $0x38;
	[tilespmem:$0x1B300] =	vst v63  }
0xbd: {  	s28 =	sadd.s32 $0xF00, s16  }
0xbe: {  	[tilespmem:s15], [sflag:$0x4] =	stream.linear.gather [hbm4b:s28+s4], $0x2800, $0x38;
	[tilespmem:$0x1B300] =	vst v63  }
0xbf: {  	_ =	swait.ge [sflag:s31], $0x50  }
0xc0: {  	[sflag:s31] =	ssyncset.done $0x0  }
0xc1: {  	[sflag:s31] =	ssyncadd.s32 $0xFFFFFFB0  }
0xc2: {  	_ =	swait.ge [sflag:s18], $0x2800  }
0xc3: {  	[sflag:s18] =	ssyncset.done $0x0  }
0xc4: {  	[sflag:s18] =	ssyncadd.s32 $0xFFFFD800  }
0xc5: {  	[spmem:s3] =	stream.indirect.scatter.add.f32 [tilespmem:s12], [sflag:$0x9], $0x80, s4, s19, $0xb8;
	[tilespmem:$0x1B300] =	vst v63  }
0xc6: {  	_ =	swait.ge [sflag:s11], $0x2800  }
0xc7: {  	[sflag:s11] =	ssyncset.done $0x0  }
0xc8: {  	[sflag:s11] =	ssyncadd.s32 $0xFFFFD800  }
0xc9: {  	_ =	swait.ge [sflag:s20], $0x50  }
0xca: {  	[sflag:s20] =	ssyncset.done $0x0  }
0xcb: {  	[sflag:s20] =	ssyncadd.s32 $0xFFFFFFB0  }
0xcc: {  	_ =	swait.ge [sflag:s21], $0x2800  }
0xcd: {  	[sflag:s21] =	ssyncset.done $0x0  }
0xce: {  	[sflag:s21] =	ssyncadd.s32 $0xFFFFD800  }
0xcf: {  	[spmem:s3] =	stream.indirect.scatter.add.f32 [tilespmem:s15], [sflag:$0x9], $0x80, s13, s19, $0xb8;
	[tilespmem:$0x1B300] =	vst v63  }
0xd0: {  	_ =	swait.ge [sflag:s11], $0x2800  }
0xd1: {  	s29 =	sld [smem:$0x7FC];
	_ =	sdelay $0x2  }
0xd2: {  	p3 =	seq.s32 s29, $0x1  }
.Ltmp3:
0xd3: {  	_ = 	snop;
	(pc) =	sbr.rel @p3 .LBB2_5-.Ltmp3, $4  }
0xd4: {  	_ = 	snop  }
0xd5: {  	p2 =	por $0x0, $0x0;
	[sflag:s11] =	ssyncset.done $0x0  }
0xd6: {  	s9 =	simm.s32 $0x5100;
	s0 =	rddreg [dreg:$0x17];
	[sflag:s11] =	ssyncadd.s32 $0xFFFFD800  }
0xd7: {  	[tilespmem:s9], [sflag:$0x5] =	stream.linear.gather [hbm4b:s0+s4], $0x50, $0x38;
	[tilespmem:$0x1B300] =	vst v63  }
0xd8: {  	s0 =	sld [smem:$0x7FD];
	_ =	sdelay $0x1  }
.Ltmp4:
0xd9: {  	_ = 	snop;
	(pc) =	sbr.rel .LBB2_7-.Ltmp4, $4  }
0xda: {  	p5 =	seq.s32 s0, $0x1  }
0xdb: {  	s26 =	smov.u32 s6;
	p2 =	por $0x0, $0x0;
	p3 =	por @!p5 $0x0, $0x0  }
0xdc: {  	p4 =	por $0x0, $0x0;
	p2 =	por @!p5 p3, p3;
	p3 =	por @!p5 $0x1, $0x1  }
0xdd: {  	s26 =	smov.u32 @p5 s5;
	p4 =	por @!p5 p3, p3  }
.LBB2_5:
.Ltmp5:
0xde: {  	(pc) =	sbr.rel @p6 .LBB2_8-.Ltmp5, $2  }
0xdf: {  	_ =	sdelay $0x2  }
0xe0: {  	p4 =	por $0x0, $0x0  }
0xe1: {  	p4 =	por $0x0, $0x0;
	p2 =	por $0x1, $0x1;
	s26 =	smov.u32 s7  }
.LBB2_7:
0xe2: {  	s0 =	rddreg [dreg:$0xb]  }
0xe3: {  	s29 =	simm.s32 $0x5200;
	s10 =	sadd.s32 s26, s0  }
0xe4: {  	[tilespmem:s29], [sflag:$0x7] =	stream.linear.gather [hbm4b:s10+s4], $0x50, $0x38;
	[tilespmem:$0x1B300] =	vst v63  }
.LBB2_8:
0xe5: {  	s0 =	rddreg [dreg:$0xc];
	s10 =	simm.s32 @!p0 $0x0  }
0xe6: {  	[tilespmem:s22], [sflag:$0x6] =	stream.linear.gather [hbm4b:s0+s4], $0x50, $0x38;
	[tilespmem:$0x1B300] =	vst v63  }
0xe7: {  	s16 =	simm.s32 @!p0 $0x5280;
	s26 =	simm.s32 $0xFFFF6460;
	s0 =	rddreg [dreg:$0xd]  }
0xe8: {  	[tilespmem:s16], [sflag:$0x8] =	stream.linear.gather @!p0 [hbm4b:s0+s10], $0x50, $0x38;
	[tilespmem:$0x1B300] =	vst v63  }
0xe9: {  	s10 =	simm.s32 @p4 $0x0;
	s16 =	simm.s32 @p4 $0x5280;
	s0 =	rddreg [dreg:$0xe]  }
0xea: {  	[tilespmem:s16], [sflag:$0x8] =	stream.linear.gather @p4 [hbm4b:s0+s10], $0x50, $0x38;
	[tilespmem:$0x1B300] =	vst v63  }
0xeb: {  	s10 =	simm.s32 @p2 $0x0;
	s16 =	simm.s32 @p2 $0x5280;
	s0 =	rddreg [dreg:$0xf]  }
0xec: {  	[tilespmem:s16], [sflag:$0x8] =	stream.linear.gather @p2 [hbm4b:s0+s10], $0x50, $0x38;
	[tilespmem:$0x1B300] =	vst v63  }
.LBB2_9:
0xed: {  	_ =	swait.ge [sflag:s23], $0x50  }
0xee: {  	[sflag:s23] =	ssyncset.done $0x0  }
0xef: {  	[sflag:s23] =	ssyncadd.s32 $0xFFFFFFB0  }
0xf0: {  	v0 =	vld @p6 [tilespmem:$0x5100];
	_ =	sdelay $0x6  }
0xf1: {  	v1 =	vimm.f32 @p6 $1.000000000e+00;
	s29 =	simm.s32 @p6 $0x5300  }
0xf2: {  	[tilespmem:v0+s29+$0x0] =	vst.idx.add.f32.msk @p6 $0xffff, v1  }
0xf3: {  	v0 =	vld @p6 [tilespmem:$0x5110];
	_ =	sdelay $0x7  }
0xf4: {  	[tilespmem:v0+s29+$0x0] =	vst.idx.add.f32.msk @p6 $0xffff, v1  }
0xf5: {  	v0 =	vld @p6 [tilespmem:$0x5120];
	_ =	sdelay $0x7  }
0xf6: {  	[tilespmem:v0+s29+$0x0] =	vst.idx.add.f32.msk @p6 $0xffff, v1  }
0xf7: {  	v0 =	vld @p6 [tilespmem:$0x5130];
	_ =	sdelay $0x7  }
0xf8: {  	[tilespmem:v0+s29+$0x0] =	vst.idx.add.f32.msk @p6 $0xffff, v1  }
0xf9: {  	v0 =	vld @p6 [tilespmem:$0x5140];
	_ =	sdelay $0x7  }
0xfa: {  	s10 =	simm.s32 @!p6 $0x7;
	[tilespmem:v0+s29+$0x0] =	vst.idx.add.f32.msk @p6 $0xffff, v1  }
0xfb: {  	_ =	swait.ge @!p6 [sflag:s10], $0x50  }
0xfc: {  	[sflag:s10] =	ssyncset.done @!p6 $0x0  }
0xfd: {  	[sflag:s10] =	ssyncadd.s32 @!p6 $0xFFFFFFB0  }
0xfe: {  	v0 =	vld @!p6 [tilespmem:$0x5100];
	_ =	sdelay $0x2  }
0xff: {  	v2 =	vld @!p6 [tilespmem:$0x5200];
	_ =	sdelay $0x3  }
0x100: {  	s28 =	simm.s32 @!p6 $0x5300  }
0x101: {  	[tilespmem:v0+s28+$0x0] =	vst.idx.add.f32.msk @!p6 $0xffff, v2  }
0x102: {  	v0 =	vld @!p6 [tilespmem:$0x5110];
	_ =	sdelay $0x2  }
0x103: {  	v2 =	vld @!p6 [tilespmem:$0x5210];
	_ =	sdelay $0x4  }
0x104: {  	[tilespmem:v0+s28+$0x0] =	vst.idx.add.f32.msk @!p6 $0xffff, v2  }
0x105: {  	v0 =	vld @!p6 [tilespmem:$0x5120];
	_ =	sdelay $0x2  }
0x106: {  	v2 =	vld @!p6 [tilespmem:$0x5220];
	_ =	sdelay $0x4  }
0x107: {  	[tilespmem:v0+s28+$0x0] =	vst.idx.add.f32.msk @!p6 $0xffff, v2  }
0x108: {  	v0 =	vld @!p6 [tilespmem:$0x5130];
	_ =	sdelay $0x2  }
0x109: {  	v2 =	vld @!p6 [tilespmem:$0x5230];
	_ =	sdelay $0x4  }
0x10a: {  	[tilespmem:v0+s28+$0x0] =	vst.idx.add.f32.msk @!p6 $0xffff, v2  }
0x10b: {  	v0 =	vld @!p6 [tilespmem:$0x5140];
	_ =	sdelay $0x2  }
0x10c: {  	v2 =	vld @!p6 [tilespmem:$0x5240]  }
0x10d: {  	p3 =	seq.s32 s26, $0x0  }
0x10e: {  	s10 =	sadd.s32 @!p3 s26, s17  }
0x10f: {  	s10 =	sadd.s32 @!p3 $0x9C40, s10  }
0x110: {  	p5 =	sne.s32 @!p3 s1, $0x0;
	s0 =	simm.s32 @!p3 $0x0;
	s10 =	sshrl.u32 @!p3 s10, $0x3  }
0x111: {  	s9 =	simm.s32 @!p3 $0x5100;
	p5 =	por p5, p3;
	s16 =	sadd.s32 @!p3 s8, s10;
	[tilespmem:v0+s28+$0x0] =	vst.idx.add.f32.msk @!p6 $0xffff, v2  }
0x112: {  	[tilespmem:s9], [sflag:$0x5] =	stream.linear.gather @!p3 [hbm4b:s16+s0], $0x50, $0x38;
	[tilespmem:$0x1B300] =	vst v63  }
0x113: {  	s0 =	sadd.s32 @!p5 s5, s10;
	s9 =	simm.s32 @!p5 $0x0;
	s16 =	simm.s32 @!p5 $0x5200  }
0x114: {  	[tilespmem:s16], [sflag:$0x7] =	stream.linear.gather @!p5 [hbm4b:s0+s9], $0x50, $0x38;
	[tilespmem:$0x1B300] =	vst v63  }
0x115: {  	p5 =	por !p4, p3  }
0x116: {  	s0 =	sadd.s32 @!p5 s6, s10;
	s9 =	simm.s32 @!p5 $0x0;
	s16 =	simm.s32 @!p5 $0x5200  }
0x117: {  	[tilespmem:s16], [sflag:$0x7] =	stream.linear.gather @!p5 [hbm4b:s0+s9], $0x50, $0x38;
	[tilespmem:$0x1B300] =	vst v63  }
0x118: {  	p5 =	por !p2, p3  }
0x119: {  	s0 =	sadd.s32 @!p5 s7, s10;
	s9 =	simm.s32 @!p5 $0x0;
	s10 =	simm.s32 @!p5 $0x5200  }
0x11a: {  	[tilespmem:s10], [sflag:$0x7] =	stream.linear.gather @!p5 [hbm4b:s0+s9], $0x50, $0x38;
	[tilespmem:$0x1B300] =	vst v63  }
0x11b: {  	_ =	swait.ge [sflag:s24], $0x50  }
0x11c: {  	[sflag:s24] =	ssyncset.done $0x0  }
0x11d: {  	[sflag:s24] =	ssyncadd.s32 $0xFFFFFFB0  }
0x11e: {  	v0 =	vld @p6 [tilespmem:$0x5180];
	_ =	sdelay $0x7  }
0x11f: {  	[tilespmem:v0+s29+$0x0] =	vst.idx.add.f32.msk @p6 $0xffff, v1  }
0x120: {  	v0 =	vld @p6 [tilespmem:$0x5190];
	_ =	sdelay $0x7  }
0x121: {  	[tilespmem:v0+s29+$0x0] =	vst.idx.add.f32.msk @p6 $0xffff, v1  }
0x122: {  	v0 =	vld @p6 [tilespmem:$0x51A0];
	_ =	sdelay $0x7  }
0x123: {  	[tilespmem:v0+s29+$0x0] =	vst.idx.add.f32.msk @p6 $0xffff, v1  }
0x124: {  	v0 =	vld @p6 [tilespmem:$0x51B0];
	_ =	sdelay $0x7  }
0x125: {  	[tilespmem:v0+s29+$0x0] =	vst.idx.add.f32.msk @p6 $0xffff, v1  }
0x126: {  	v0 =	vld @p6 [tilespmem:$0x51C0];
	_ =	sdelay $0x7  }
0x127: {  	s0 =	simm.s32 @!p6 $0x8;
	[tilespmem:v0+s29+$0x0] =	vst.idx.add.f32.msk @p6 $0xffff, v1  }
0x128: {  	_ =	swait.ge @!p6 [sflag:s0], $0x50  }
0x129: {  	[sflag:s0] =	ssyncset.done @!p6 $0x0  }
0x12a: {  	[sflag:s0] =	ssyncadd.s32 @!p6 $0xFFFFFFB0  }
0x12b: {  	v0 =	vld @!p6 [tilespmem:$0x5180];
	_ =	sdelay $0x2  }
0x12c: {  	v1 =	vld @!p6 [tilespmem:$0x5280];
	_ =	sdelay $0x4  }
0x12d: {  	[tilespmem:v0+s28+$0x0] =	vst.idx.add.f32.msk @!p6 $0xffff, v1  }
0x12e: {  	v0 =	vld @!p6 [tilespmem:$0x5190];
	_ =	sdelay $0x2  }
0x12f: {  	v1 =	vld @!p6 [tilespmem:$0x5290];
	_ =	sdelay $0x4  }
0x130: {  	[tilespmem:v0+s28+$0x0] =	vst.idx.add.f32.msk @!p6 $0xffff, v1  }
0x131: {  	v0 =	vld @!p6 [tilespmem:$0x51A0];
	_ =	sdelay $0x2  }
0x132: {  	v1 =	vld @!p6 [tilespmem:$0x52A0];
	_ =	sdelay $0x4  }
0x133: {  	[tilespmem:v0+s28+$0x0] =	vst.idx.add.f32.msk @!p6 $0xffff, v1  }
0x134: {  	v0 =	vld @!p6 [tilespmem:$0x51B0];
	_ =	sdelay $0x2  }
0x135: {  	v1 =	vld @!p6 [tilespmem:$0x52B0];
	_ =	sdelay $0x4  }
0x136: {  	[tilespmem:v0+s28+$0x0] =	vst.idx.add.f32.msk @!p6 $0xffff, v1  }
0x137: {  	v0 =	vld @!p6 [tilespmem:$0x51C0];
	_ =	sdelay $0x2  }
0x138: {  	v1 =	vld @!p6 [tilespmem:$0x52C0]  }
.Ltmp6:
0x139: {  	_ = 	snop;
	(pc) =	sbr.rel @p3 .LBB2_11-.Ltmp6, $2  }
0x13a: {  	_ =	sdelay $0x2  }
0x13b: {  	[tilespmem:v0+s28+$0x0] =	vst.idx.add.f32.msk @!p6 $0xffff, v1  }
0x13c: {  	s0 =	sadd.s32 s26, s17  }
0x13d: {  	s0 =	sadd.s32 $0x9C90, s0  }
0x13e: {  	s0 =	sshrl.u32 s0, $0x3  }
0x13f: {  	s9 =	sadd.s32 s8, s0  }
0x140: {  	[tilespmem:s22], [sflag:$0x6] =	stream.linear.gather [hbm4b:s9+s4], $0x50, $0x38;
	[tilespmem:$0x1B300] =	vst v63  }
0x141: {  	s10 =	simm.s32 @!p0 $0x0;
	s16 =	simm.s32 @!p0 $0x5280;
	s9 =	sadd.s32 @!p0 s5, s0  }
0x142: {  	[tilespmem:s16], [sflag:$0x8] =	stream.linear.gather @!p0 [hbm4b:s9+s10], $0x50, $0x38;
	[tilespmem:$0x1B300] =	vst v63  }
.Ltmp7:
0x143: {  	s26 =	sadd.s32 $0xA0, s26;
	(pc) =	sbr.rel .LBB2_9-.Ltmp7, $4  }
0x144: {  	s9 =	sadd.s32 @p4 s6, s0;
	s10 =	simm.s32 @p4 $0x0;
	s16 =	simm.s32 @p4 $0x5280  }
0x145: {  	[tilespmem:s16], [sflag:$0x8] =	stream.linear.gather @p4 [hbm4b:s9+s10], $0x50, $0x38;
	[tilespmem:$0x1B300] =	vst v63  }
0x146: {  	s0 =	sadd.s32 @p2 s7, s0;
	s9 =	simm.s32 @p2 $0x0;
	s10 =	simm.s32 @p2 $0x5280  }
0x147: {  	[tilespmem:s10], [sflag:$0x8] =	stream.linear.gather @p2 [hbm4b:s0+s9], $0x50, $0x38;
	[tilespmem:$0x1B300] =	vst v63  }
.LBB2_12:
0x148: {  	_ =	sfence.sel $0x180000  }
0x149: {  	[bflag:$0x0] =	sbarrier.arrive $0xFFFF  }
0x14a: {  	_ =	strace $0x9000004A  }
0x14b: {  	[bflag:$0x2] =	sbarrier.arrive $0xFFFF  }
0x14c: {  	p0 =	sne.s32 s29, $0x0;
	s0 =	rddreg [dreg:$0x4]  }
0x14d: {  	s0 =	sadd.s32 @!p0 $0x100000, s0  }
0x14e: {  	[sflag:s0] =	ssyncadd.tile.s32 @!p0 $0x1;
	_ =	shalt  }
.Lfunc_end2:
_tile_overlayer_lowered:
.L_overlay_start_2:
0x14f: {  	(tag) =	ssettag $0x2  }
0x150: {  	s0 =	rddreg [dreg:$0x0];
	s2 =	stileid.u32  }
0x151: {  	s1 =	rddreg [dreg:$0x1];
	p0 =	sne.s32 s2, $0x0  }
0x152: {  	s3 =	rddreg [dreg:$0x2];
	[bflag:$0x3] =	sbarrier.arrive $0xFFFF;
	s2 =	simm.s32 @!p0 $0x1C09  }
0x153: {  	[timem:s3], [sflag:s2] =	dma.local @!p0 [hbm:s0], s1  }
0x154: {  	s0 =	simm.s32 @!p0 $0x9  }
0x155: {  	_ =	swait.ge @!p0 [sflag:s0], s1  }
0x156: {  	s1 =	ssub.s32 @!p0 $0x0, s1;
	[sflag:s0] =	ssyncset.done @!p0 $0x0  }
0x157: {  	[sflag:s0] =	ssyncadd.s32 @!p0 s1  }
0x158: {  	[bflag:$0x3] =	sbarrier.arrive $0xFFFF  }
0x159: {  	_ =	shalt  }

</sc_bundles>
